<compile_context>
chip_gen: v7x
topology: tpu7x:2x2x1
jax: 0.10.2.dev20260603
libtpu: 0.0.44.dev20260713+nightly
codegen_flags: <defaults>
</compile_context>

<pallas_src>
import functools

import jax
import jax.numpy as jnp
from jax import lax
from jax.experimental import pallas as pl
from jax.experimental.pallas import tpu as pltpu
from jax.experimental.pallas import tpu_sc as plsc

B = 4096
L = 200
EMB = 64
VOCAB = 1000000
NC = 2
NS = 16
NW = NC * NS
RPW = B // NW
GROUPS = RPW // 16
C0, C1 = 104, 96
LP = 208

TBLK = 32768
NBLK = -(-VOCAB // TBLK)
_SC_PARAMS = pltpu.CompilerParams(
    needs_layout_passes=False, use_tc_tiling_on_sc=False)
_mesh = plsc.VectorSubcoreMesh(core_axis_name="c", subcore_axis_name="s")


def _matvec_body(w_ref, t_ref, o_ref):
    o_ref[...] = jax.lax.dot_general(
        w_ref[...], t_ref[...], (((1,), (0,)), ((), ())),
        preferred_element_type=jnp.float32)[None]


def _matvec_tc(W, tableT):
    out = pl.pallas_call(
        _matvec_body,
        grid=(NBLK,),
        in_specs=[
            pl.BlockSpec((1, EMB), lambda i: (0, 0)),
            pl.BlockSpec((EMB, TBLK), lambda i: (0, i)),
        ],
        out_specs=pl.BlockSpec((1, 1, TBLK), lambda i: (i, 0, 0)),
        out_shape=jax.ShapeDtypeStruct((NBLK, 1, TBLK), jnp.float32),
    )(W, tableT)
    return out.reshape(-1)


@functools.partial(
    pl.kernel,
    out_type=jax.ShapeDtypeStruct((B,), jnp.float32),
    mesh=_mesh,
    compiler_params=_SC_PARAMS,
    scratch_types=[
        pltpu.VMEM((RPW * L,), jnp.int32),
        pltpu.VMEM((GROUPS, 16 * LP), jnp.float32),
        pltpu.VMEM((RPW,), jnp.int32),
        pltpu.VMEM((16,), jnp.float32),
        pltpu.VMEM((RPW,), jnp.float32),
        pltpu.SemaphoreType.DMA,
    ],
)
def _pool_sc(data_hbm, len_hbm, s_hbm, b_hbm, out_hbm,
             idx_v, buf_v, len_v, b_v, out_v, sem):
    wid = lax.axis_index("s") * NC + lax.axis_index("c")
    base = wid * RPW

    pltpu.sync_copy(data_hbm.at[pl.ds(base * L, RPW * L)], idx_v)
    pltpu.sync_copy(len_hbm.at[pl.ds(base, RPW)], len_v)
    pltpu.sync_copy(b_hbm, b_v.at[pl.ds(0, 1)])

    zero = jnp.zeros((16,), jnp.float32)

    def zero_body(slot, _):
        for j in range(16):
            buf_v[slot, pl.ds(j * LP + 192, 16)] = zero
        return 0

    lax.fori_loop(0, GROUPS, zero_body, 0)

    bias = b_v[pl.ds(0, 16)][0]
    lane = lax.iota(jnp.int32, 16)

    def fire_body(g, _):
        for j in range(16):
            i = g * 16 + j
            pltpu.async_copy(
                s_hbm.at[idx_v.at[pl.ds(i * L, C0)]],
                buf_v.at[g, pl.ds(j * LP, C0)], sem)
            pltpu.async_copy(
                s_hbm.at[idx_v.at[pl.ds(i * L + C0, C1)]],
                buf_v.at[g, pl.ds(j * LP + C0, C1)], sem)
        return 0

    lax.fori_loop(0, GROUPS, fire_body, 0)

    def group_body(g, _):
        pltpu.make_async_copy(
            s_hbm.at[pl.ds(0, 16 * L)],
            buf_v.at[g, pl.ds(0, 16 * L)], sem).wait()

        zvec = zero
        for j in range(16):
            p = zero
            for k in range(13):
                p = p + buf_v[g, pl.ds(j * LP + k * 16, 16)]
            zvec = jnp.where(lane == j, jnp.sum(p), zvec)
        lvec = len_v[pl.ds(g * 16, 16)].astype(jnp.float32)
        zvec = zvec / lvec + bias
        out_v[pl.ds(g * 16, 16)] = 1.0 / (1.0 + jnp.exp(-zvec))
        return 0

    lax.fori_loop(0, GROUPS, group_body, 0)
    pltpu.sync_copy(out_v, out_hbm.at[pl.ds(base, RPW)])


def kernel(data, length, emb_table, W, b):
    s = _matvec_tc(W, emb_table.T)
    return _pool_sc(data.reshape(-1), length, s, b)

# --- scband reference (transcript-rebuilt; emitter-appended) ---
"""Pipeline reference for scband-fast-text-4681514353263 (READ-ONLY COPY).

The authoritative reference and input builder live on the scoring server;
editing this copy changes nothing except your own understanding.
"""

import jax, jax.numpy as jnp
import numpy as np

VOCAB = 1000000
EMB = 64
B = 4096
L = 200


def setup_inputs(seed: int = 0) -> dict:
    key = jax.random.key(seed)
    k1, k2, k3, k4 = jax.random.split(key, 4)
    data = jax.random.randint(k1, (B, L), 0, VOCAB, dtype=jnp.int32)
    length = jnp.ones((B,), dtype=jnp.int32)
    emb_table = jax.random.normal(k2, (VOCAB, EMB), dtype=jnp.float32) * 0.02
    # padding_idx=0 -> row 0 is zeros
    emb_table = emb_table.at[0].set(0.0)
    W = jax.random.normal(k3, (1, EMB), dtype=jnp.float32) * 0.1
    b = jnp.zeros((1,), dtype=jnp.float32)
    return {"data": data, "length": length, "emb_table": emb_table, "W": W, "b": b}


def reference(data, length, emb_table, W, b):
    # embedding lookup (gather)
    all_embs = jnp.take(emb_table, data, axis=0)  # [B, L, EMB]
    sum_emb = jnp.sum(all_embs, axis=1)           # [B, EMB]
    avg_emb = sum_emb / length.astype(jnp.float32)[:, None]
    out = avg_emb @ W.T + b                        # [B, 1]
    out = jax.nn.sigmoid(out.reshape(-1))          # [B]
    return out

if __name__ == "__main__":
    import jax
    _d = setup_inputs()
    print(jax.jit(kernel)(*tuple(_d.values())))

</pallas_src>

<mosaic_0001>
#map = affine_map<(d0, d1) -> (0)>
module attributes {stable_mosaic.version = 14 : i64} {
  func.func @_pool_sc(%arg0: i32, %arg1: i32, %arg2: memref<819200xi32, #tpu.memory_space<hbm>>, %arg3: memref<4096xi32, #tpu.memory_space<hbm>>, %arg4: memref<1015808xf32, #tpu.memory_space<hbm>>, %arg5: memref<1xf32, #tpu.memory_space<hbm>>, %arg6: memref<4096xf32, #tpu.memory_space<hbm>>, %arg7: memref<25600xi32, #tpu.memory_space<vmem>>, %arg8: memref<8x3328xf32, #tpu.memory_space<vmem>>, %arg9: memref<128xi32, #tpu.memory_space<vmem>>, %arg10: memref<16xf32, #tpu.memory_space<vmem>>, %arg11: memref<128xf32, #tpu.memory_space<vmem>>, %arg12: memref<!tpu.dma_semaphore, #tpu.memory_space<semaphore_mem>>) attributes {dimension_semantics = [#tpu.dimension_semantics<core_parallel>, #tpu.dimension_semantics<subcore_parallel>], iteration_bounds = array<i64: 2, 16>, scalar_prefetch = 0 : i64, scratch_operands = 6 : i64, tpu.core_type = #tpu.core_type<sc_vector_subcore>, window_params = [{transform_indices = #map}, {transform_indices = #map}, {transform_indices = #map}, {transform_indices = #map}, {transform_indices = #map}]} {
    %mul3A = arith.constant 2 : i32
    %mul3A_0 = arith.muli %arg1, %mul3A : i32
    %add3A = arith.addi %mul3A_0, %arg0 : i32
    %mul3A_1 = arith.constant 128 : i32
    %mul3A_2 = arith.muli %add3A, %mul3A_1 : i32
    %mul3A_3 = arith.constant 200 : i32
    %mul3A_4 = arith.muli %mul3A_2, %mul3A_3 : i32
    "tpu.region"() ({
      %run_scoped3A = tpu.sem_alloc : memref<!tpu.dma_semaphore, #tpu.memory_space<semaphore_mem>>
      %dma_start3A = tpu.memref_slice %arg2[%mul3A_4] : memref<819200xi32, #tpu.memory_space<hbm>> -> memref<25600xi32, #tpu.memory_space<hbm>>
      %dma_start3A_27 = tpu.memref_slice %arg2[%mul3A_4] : memref<819200xi32, #tpu.memory_space<hbm>> -> memref<25600xi32, #tpu.memory_space<hbm>>
      tpu.enqueue_dma source(%dma_start3A_27 : memref<25600xi32, #tpu.memory_space<hbm>>) target(%arg7 : memref<25600xi32, #tpu.memory_space<vmem>>) target_semaphore(%run_scoped3A : memref<!tpu.dma_semaphore, #tpu.memory_space<semaphore_mem>>)
      %dma_wait3A = tpu.memref_slice %arg2[%mul3A_4] : memref<819200xi32, #tpu.memory_space<hbm>> -> memref<25600xi32, #tpu.memory_space<hbm>>
      %dma_wait3A_28 = tpu.memref_slice %arg2[%mul3A_4] : memref<819200xi32, #tpu.memory_space<hbm>> -> memref<25600xi32, #tpu.memory_space<hbm>>
      tpu.wait_dma2 semaphore(%run_scoped3A : memref<!tpu.dma_semaphore, #tpu.memory_space<semaphore_mem>>) src(%dma_wait3A_28 : memref<25600xi32, #tpu.memory_space<hbm>>) dst(%arg7 : memref<25600xi32, #tpu.memory_space<vmem>>)
      tpu.yield
    }) : () -> ()
    "tpu.region"() ({
      %run_scoped3A = tpu.sem_alloc : memref<!tpu.dma_semaphore, #tpu.memory_space<semaphore_mem>>
      %dma_start3A = tpu.memref_slice %arg3[%mul3A_2] : memref<4096xi32, #tpu.memory_space<hbm>> -> memref<128xi32, #tpu.memory_space<hbm>>
      %dma_start3A_27 = tpu.memref_slice %arg3[%mul3A_2] : memref<4096xi32, #tpu.memory_space<hbm>> -> memref<128xi32, #tpu.memory_space<hbm>>
      tpu.enqueue_dma source(%dma_start3A_27 : memref<128xi32, #tpu.memory_space<hbm>>) target(%arg9 : memref<128xi32, #tpu.memory_space<vmem>>) target_semaphore(%run_scoped3A : memref<!tpu.dma_semaphore, #tpu.memory_space<semaphore_mem>>)
      %dma_wait3A = tpu.memref_slice %arg3[%mul3A_2] : memref<4096xi32, #tpu.memory_space<hbm>> -> memref<128xi32, #tpu.memory_space<hbm>>
      %dma_wait3A_28 = tpu.memref_slice %arg3[%mul3A_2] : memref<4096xi32, #tpu.memory_space<hbm>> -> memref<128xi32, #tpu.memory_space<hbm>>
      tpu.wait_dma2 semaphore(%run_scoped3A : memref<!tpu.dma_semaphore, #tpu.memory_space<semaphore_mem>>) src(%dma_wait3A_28 : memref<128xi32, #tpu.memory_space<hbm>>) dst(%arg9 : memref<128xi32, #tpu.memory_space<vmem>>)
      tpu.yield
    }) : () -> ()
    "tpu.region"() ({
      %run_scoped3A = tpu.sem_alloc : memref<!tpu.dma_semaphore, #tpu.memory_space<semaphore_mem>>
      %dma_start3A = arith.constant 0 : i32
      %dma_start3A_27 = tpu.memref_slice %arg10[%dma_start3A] : memref<16xf32, #tpu.memory_space<vmem>> -> memref<1xf32, #tpu.memory_space<vmem>>
      %dma_start3A_28 = arith.constant 0 : i32
      %dma_start3A_29 = tpu.memref_slice %arg10[%dma_start3A_28] : memref<16xf32, #tpu.memory_space<vmem>> -> memref<1xf32, #tpu.memory_space<vmem>>
      tpu.enqueue_dma source(%arg5 : memref<1xf32, #tpu.memory_space<hbm>>) target(%dma_start3A_29 : memref<1xf32, #tpu.memory_space<vmem>>) target_semaphore(%run_scoped3A : memref<!tpu.dma_semaphore, #tpu.memory_space<semaphore_mem>>)
      %dma_wait3A = arith.constant 0 : i32
      %dma_wait3A_30 = tpu.memref_slice %arg10[%dma_wait3A] : memref<16xf32, #tpu.memory_space<vmem>> -> memref<1xf32, #tpu.memory_space<vmem>>
      %dma_wait3A_31 = arith.constant 0 : i32
      %dma_wait3A_32 = tpu.memref_slice %arg10[%dma_wait3A_31] : memref<16xf32, #tpu.memory_space<vmem>> -> memref<1xf32, #tpu.memory_space<vmem>>
      tpu.wait_dma2 semaphore(%run_scoped3A : memref<!tpu.dma_semaphore, #tpu.memory_space<semaphore_mem>>) src(%arg5 : memref<1xf32, #tpu.memory_space<hbm>>) dst(%dma_wait3A_32 : memref<1xf32, #tpu.memory_space<vmem>>)
      tpu.yield
    }) : () -> ()
    %broadcast_in_dim3A = arith.constant 0.000000e+00 : f32
    %broadcast_in_dim3A_5 = vector.broadcast %broadcast_in_dim3A : f32 to vector<16xf32>
    %scan3A = arith.constant 0 : i32
    %scan3A_6 = arith.constant 0 : i32
    %scan3A_7 = arith.constant 8 : i32
    %scan3A_8 = arith.addi %scan3A_6, %scan3A_7 : i32
    %scan3A_9 = arith.constant 1 : i32
    %scan3A_10 = scf.for %scan3A_27 = %scan3A_6 to %scan3A_8 step %scan3A_9 iter_args(%scan3A_28 = %scan3A) -> (i32)  : i32 {
      %swap3A = arith.index_cast %scan3A_27 : i32 to index
      %swap3A_29 = arith.constant 192 : index
      %swap3A_30 = tpu.vector_load %arg8[%swap3A, %swap3A_29] {strides = array<i32>} : memref<8x3328xf32, #tpu.memory_space<vmem>>, vector<16xf32>,
      tpu.vector_store %arg8[%swap3A, %swap3A_29], %broadcast_in_dim3A_5 {strides = array<i32>} : memref<8x3328xf32, #tpu.memory_space<vmem>>, vector<16xf32>,
      %swap3A_31 = arith.index_cast %scan3A_27 : i32 to index
      %swap3A_32 = arith.constant 400 : index
      %swap3A_33 = tpu.vector_load %arg8[%swap3A_31, %swap3A_32] {strides = array<i32>} : memref<8x3328xf32, #tpu.memory_space<vmem>>, vector<16xf32>,
      tpu.vector_store %arg8[%swap3A_31, %swap3A_32], %broadcast_in_dim3A_5 {strides = array<i32>} : memref<8x3328xf32, #tpu.memory_space<vmem>>, vector<16xf32>,
      %swap3A_34 = arith.index_cast %scan3A_27 : i32 to index
      %swap3A_35 = arith.constant 608 : index
      %swap3A_36 = tpu.vector_load %arg8[%swap3A_34, %swap3A_35] {strides = array<i32>} : memref<8x3328xf32, #tpu.memory_space<vmem>>, vector<16xf32>,
      tpu.vector_store %arg8[%swap3A_34, %swap3A_35], %broadcast_in_dim3A_5 {strides = array<i32>} : memref<8x3328xf32, #tpu.memory_space<vmem>>, vector<16xf32>,
      %swap3A_37 = arith.index_cast %scan3A_27 : i32 to index
      %swap3A_38 = arith.constant 816 : index
      %swap3A_39 = tpu.vector_load %arg8[%swap3A_37, %swap3A_38] {strides = array<i32>} : memref<8x3328xf32, #tpu.memory_space<vmem>>, vector<16xf32>,
      tpu.vector_store %arg8[%swap3A_37, %swap3A_38], %broadcast_in_dim3A_5 {strides = array<i32>} : memref<8x3328xf32, #tpu.memory_space<vmem>>, vector<16xf32>,
      %swap3A_40 = arith.index_cast %scan3A_27 : i32 to index
      %swap3A_41 = arith.constant 1024 : index
      %swap3A_42 = tpu.vector_load %arg8[%swap3A_40, %swap3A_41] {strides = array<i32>} : memref<8x3328xf32, #tpu.memory_space<vmem>>, vector<16xf32>,
      tpu.vector_store %arg8[%swap3A_40, %swap3A_41], %broadcast_in_dim3A_5 {strides = array<i32>} : memref<8x3328xf32, #tpu.memory_space<vmem>>, vector<16xf32>,
      %swap3A_43 = arith.index_cast %scan3A_27 : i32 to index
      %swap3A_44 = arith.constant 1232 : index
      %swap3A_45 = tpu.vector_load %arg8[%swap3A_43, %swap3A_44] {strides = array<i32>} : memref<8x3328xf32, #tpu.memory_space<vmem>>, vector<16xf32>,
      tpu.vector_store %arg8[%swap3A_43, %swap3A_44], %broadcast_in_dim3A_5 {strides = array<i32>} : memref<8x3328xf32, #tpu.memory_space<vmem>>, vector<16xf32>,
      %swap3A_46 = arith.index_cast %scan3A_27 : i32 to index
      %swap3A_47 = arith.constant 1440 : index
      %swap3A_48 = tpu.vector_load %arg8[%swap3A_46, %swap3A_47] {strides = array<i32>} : memref<8x3328xf32, #tpu.memory_space<vmem>>, vector<16xf32>,
      tpu.vector_store %arg8[%swap3A_46, %swap3A_47], %broadcast_in_dim3A_5 {strides = array<i32>} : memref<8x3328xf32, #tpu.memory_space<vmem>>, vector<16xf32>,
      %swap3A_49 = arith.index_cast %scan3A_27 : i32 to index
      %swap3A_50 = arith.constant 1648 : index
      %swap3A_51 = tpu.vector_load %arg8[%swap3A_49, %swap3A_50] {strides = array<i32>} : memref<8x3328xf32, #tpu.memory_space<vmem>>, vector<16xf32>,
      tpu.vector_store %arg8[%swap3A_49, %swap3A_50], %broadcast_in_dim3A_5 {strides = array<i32>} : memref<8x3328xf32, #tpu.memory_space<vmem>>, vector<16xf32>,
      %swap3A_52 = arith.index_cast %scan3A_27 : i32 to index
      %swap3A_53 = arith.constant 1856 : index
      %swap3A_54 = tpu.vector_load %arg8[%swap3A_52, %swap3A_53] {strides = array<i32>} : memref<8x3328xf32, #tpu.memory_space<vmem>>, vector<16xf32>,
      tpu.vector_store %arg8[%swap3A_52, %swap3A_53], %broadcast_in_dim3A_5 {strides = array<i32>} : memref<8x3328xf32, #tpu.memory_space<vmem>>, vector<16xf32>,
      %swap3A_55 = arith.index_cast %scan3A_27 : i32 to index
      %swap3A_56 = arith.constant 2064 : index
      %swap3A_57 = tpu.vector_load %arg8[%swap3A_55, %swap3A_56] {strides = array<i32>} : memref<8x3328xf32, #tpu.memory_space<vmem>>, vector<16xf32>,
      tpu.vector_store %arg8[%swap3A_55, %swap3A_56], %broadcast_in_dim3A_5 {strides = array<i32>} : memref<8x3328xf32, #tpu.memory_space<vmem>>, vector<16xf32>,
      %swap3A_58 = arith.index_cast %scan3A_27 : i32 to index
      %swap3A_59 = arith.constant 2272 : index
      %swap3A_60 = tpu.vector_load %arg8[%swap3A_58, %swap3A_59] {strides = array<i32>} : memref<8x3328xf32, #tpu.memory_space<vmem>>, vector<16xf32>,
      tpu.vector_store %arg8[%swap3A_58, %swap3A_59], %broadcast_in_dim3A_5 {strides = array<i32>} : memref<8x3328xf32, #tpu.memory_space<vmem>>, vector<16xf32>,
      %swap3A_61 = arith.index_cast %scan3A_27 : i32 to index
      %swap3A_62 = arith.constant 2480 : index
      %swap3A_63 = tpu.vector_load %arg8[%swap3A_61, %swap3A_62] {strides = array<i32>} : memref<8x3328xf32, #tpu.memory_space<vmem>>, vector<16xf32>,
      tpu.vector_store %arg8[%swap3A_61, %swap3A_62], %broadcast_in_dim3A_5 {strides = array<i32>} : memref<8x3328xf32, #tpu.memory_space<vmem>>, vector<16xf32>,
      %swap3A_64 = arith.index_cast %scan3A_27 : i32 to index
      %swap3A_65 = arith.constant 2688 : index
      %swap3A_66 = tpu.vector_load %arg8[%swap3A_64, %swap3A_65] {strides = array<i32>} : memref<8x3328xf32, #tpu.memory_space<vmem>>, vector<16xf32>,
      tpu.vector_store %arg8[%swap3A_64, %swap3A_65], %broadcast_in_dim3A_5 {strides = array<i32>} : memref<8x3328xf32, #tpu.memory_space<vmem>>, vector<16xf32>,
      %swap3A_67 = arith.index_cast %scan3A_27 : i32 to index
      %swap3A_68 = arith.constant 2896 : index
      %swap3A_69 = tpu.vector_load %arg8[%swap3A_67, %swap3A_68] {strides = array<i32>} : memref<8x3328xf32, #tpu.memory_space<vmem>>, vector<16xf32>,
      tpu.vector_store %arg8[%swap3A_67, %swap3A_68], %broadcast_in_dim3A_5 {strides = array<i32>} : memref<8x3328xf32, #tpu.memory_space<vmem>>, vector<16xf32>,
      %swap3A_70 = arith.index_cast %scan3A_27 : i32 to index
      %swap3A_71 = arith.constant 3104 : index
      %swap3A_72 = tpu.vector_load %arg8[%swap3A_70, %swap3A_71] {strides = array<i32>} : memref<8x3328xf32, #tpu.memory_space<vmem>>, vector<16xf32>,
      tpu.vector_store %arg8[%swap3A_70, %swap3A_71], %broadcast_in_dim3A_5 {strides = array<i32>} : memref<8x3328xf32, #tpu.memory_space<vmem>>, vector<16xf32>,
      %swap3A_73 = arith.index_cast %scan3A_27 : i32 to index
      %swap3A_74 = arith.constant 3312 : index
      %swap3A_75 = tpu.vector_load %arg8[%swap3A_73, %swap3A_74] {strides = array<i32>} : memref<8x3328xf32, #tpu.memory_space<vmem>>, vector<16xf32>,
      tpu.vector_store %arg8[%swap3A_73, %swap3A_74], %broadcast_in_dim3A_5 {strides = array<i32>} : memref<8x3328xf32, #tpu.memory_space<vmem>>, vector<16xf32>,
      %scan3A_76 = arith.constant 0 : i32
      scf.yield %scan3A_76 : i32
    }
    %scan3A_11 = arith.constant 8 : i32
    %get3A = arith.constant 0 : index
    %get3A_12 = tpu.vector_load %arg10[%get3A] {strides = array<i32>} : memref<16xf32, #tpu.memory_space<vmem>>, vector<16xf32>,
    %slice3A = vector.extract_strided_slice %get3A_12 {offsets = [0], sizes = [1], strides = [1]} : vector<16xf32> to vector<1xf32>
    %squeeze3A = vector.extract %slice3A[0] : f32 from vector<1xf32>
    %iota3A = tpu.iota {dimensions = array<i32: 0>} : vector<16xi32>
    %scan3A_13 = arith.constant 0 : i32
    %scan3A_14 = arith.constant 0 : i32
    %scan3A_15 = arith.constant 8 : i32
    %scan3A_16 = arith.addi %scan3A_14, %scan3A_15 : i32
    %scan3A_17 = arith.constant 1 : i32
    %scan3A_18 = scf.for %scan3A_27 = %scan3A_14 to %scan3A_16 step %scan3A_17 iter_args(%scan3A_28 = %scan3A_13) -> (i32)  : i32 {
      %mul3A_29 = arith.constant 16 : i32
      %mul3A_30 = arith.muli %scan3A_27, %mul3A_29 : i32
      %add3A_31 = arith.constant 0 : i32
      %add3A_32 = arith.addi %mul3A_30, %add3A_31 : i32
      %mul3A_33 = arith.constant 200 : i32
      %mul3A_34 = arith.muli %add3A_32, %mul3A_33 : i32
      %dma_start3A = arith.constant 0 : i32
      %dma_start3A_35 = tpu.memref_slice %arg8[%scan3A_27, %dma_start3A] : memref<8x3328xf32, #tpu.memory_space<vmem>> -> memref<1x104xf32, #tpu.memory_space<vmem>>
      %dma_start3A_36 = tpu.memref_squeeze %dma_start3A_35 : memref<1x104xf32, #tpu.memory_space<vmem>> -> memref<104xf32, #tpu.memory_space<vmem>>
      %dma_start3A_37 = tpu.memref_slice %arg7[%mul3A_34] : memref<25600xi32, #tpu.memory_space<vmem>> -> memref<104xi32, #tpu.memory_space<vmem>>
      %dma_start3A_38 = arith.constant 0 : i32
      %dma_start3A_39 = tpu.memref_slice %arg4[%dma_start3A_38] : memref<1015808xf32, #tpu.memory_space<hbm>> -> memref<1015808xf32, #tpu.memory_space<hbm>>
      tpu.enqueue_indirect_dma source(%dma_start3A_39 : memref<1015808xf32, #tpu.memory_space<hbm>>) target(%dma_start3A_36 : memref<104xf32, #tpu.memory_space<vmem>>) offsets(%dma_start3A_37 : memref<104xi32, #tpu.memory_space<vmem>>) semaphore(%arg12 : memref<!tpu.dma_semaphore, #tpu.memory_space<semaphore_mem>>)
      %mul3A_40 = arith.constant 200 : i32
      %mul3A_41 = arith.muli %add3A_32, %mul3A_40 : i32
      %add3A_42 = arith.constant 104 : i32
      %add3A_43 = arith.addi %mul3A_41, %add3A_42 : i32
      %dma_start3A_44 = arith.constant 104 : i32
      %dma_start3A_45 = tpu.memref_slice %arg8[%scan3A_27, %dma_start3A_44] : memref<8x3328xf32, #tpu.memory_space<vmem>> -> memref<1x96xf32, #tpu.memory_space<vmem>>
      %dma_start3A_46 = tpu.memref_squeeze %dma_start3A_45 : memref<1x96xf32, #tpu.memory_space<vmem>> -> memref<96xf32, #tpu.memory_space<vmem>>
      %dma_start3A_47 = tpu.memref_slice %arg7[%add3A_43] : memref<25600xi32, #tpu.memory_space<vmem>> -> memref<96xi32, #tpu.memory_space<vmem>>
      %dma_start3A_48 = arith.constant 0 : i32
      %dma_start3A_49 = tpu.memref_slice %arg4[%dma_start3A_48] : memref<1015808xf32, #tpu.memory_space<hbm>> -> memref<1015808xf32, #tpu.memory_space<hbm>>
      tpu.enqueue_indirect_dma source(%dma_start3A_49 : memref<1015808xf32, #tpu.memory_space<hbm>>) target(%dma_start3A_46 : memref<96xf32, #tpu.memory_space<vmem>>) offsets(%dma_start3A_47 : memref<96xi32, #tpu.memory_space<vmem>>) semaphore(%arg12 : memref<!tpu.dma_semaphore, #tpu.memory_space<semaphore_mem>>)
      %mul3A_50 = arith.constant 16 : i32
      %mul3A_51 = arith.muli %scan3A_27, %mul3A_50 : i32
      %add3A_52 = arith.constant 1 : i32
      %add3A_53 = arith.addi %mul3A_51, %add3A_52 : i32
      %mul3A_54 = arith.constant 200 : i32
      %mul3A_55 = arith.muli %add3A_53, %mul3A_54 : i32
      %dma_start3A_56 = arith.constant 208 : i32
      %dma_start3A_57 = tpu.memref_slice %arg8[%scan3A_27, %dma_start3A_56] : memref<8x3328xf32, #tpu.memory_space<vmem>> -> memref<1x104xf32, #tpu.memory_space<vmem>>
      %dma_start3A_58 = tpu.memref_squeeze %dma_start3A_57 : memref<1x104xf32, #tpu.memory_space<vmem>> -> memref<104xf32, #tpu.memory_space<vmem>>
      %dma_start3A_59 = tpu.memref_slice %arg7[%mul3A_55] : memref<25600xi32, #tpu.memory_space<vmem>> -> memref<104xi32, #tpu.memory_space<vmem>>
      %dma_start3A_60 = arith.constant 0 : i32
      %dma_start3A_61 = tpu.memref_slice %arg4[%dma_start3A_60] : memref<1015808xf32, #tpu.memory_space<hbm>> -> memref<1015808xf32, #tpu.memory_space<hbm>>
      tpu.enqueue_indirect_dma source(%dma_start3A_61 : memref<1015808xf32, #tpu.memory_space<hbm>>) target(%dma_start3A_58 : memref<104xf32, #tpu.memory_space<vmem>>) offsets(%dma_start3A_59 : memref<104xi32, #tpu.memory_space<vmem>>) semaphore(%arg12 : memref<!tpu.dma_semaphore, #tpu.memory_space<semaphore_mem>>)
      %mul3A_62 = arith.constant 200 : i32
      %mul3A_63 = arith.muli %add3A_53, %mul3A_62 : i32
      %add3A_64 = arith.constant 104 : i32
      %add3A_65 = arith.addi %mul3A_63, %add3A_64 : i32
      %dma_start3A_66 = arith.constant 312 : i32
      %dma_start3A_67 = tpu.memref_slice %arg8[%scan3A_27, %dma_start3A_66] : memref<8x3328xf32, #tpu.memory_space<vmem>> -> memref<1x96xf32, #tpu.memory_space<vmem>>
      %dma_start3A_68 = tpu.memref_squeeze %dma_start3A_67 : memref<1x96xf32, #tpu.memory_space<vmem>> -> memref<96xf32, #tpu.memory_space<vmem>>
      %dma_start3A_69 = tpu.memref_slice %arg7[%add3A_65] : memref<25600xi32, #tpu.memory_space<vmem>> -> memref<96xi32, #tpu.memory_space<vmem>>
      %dma_start3A_70 = arith.constant 0 : i32
      %dma_start3A_71 = tpu.memref_slice %arg4[%dma_start3A_70] : memref<1015808xf32, #tpu.memory_space<hbm>> -> memref<1015808xf32, #tpu.memory_space<hbm>>
      tpu.enqueue_indirect_dma source(%dma_start3A_71 : memref<1015808xf32, #tpu.memory_space<hbm>>) target(%dma_start3A_68 : memref<96xf32, #tpu.memory_space<vmem>>) offsets(%dma_start3A_69 : memref<96xi32, #tpu.memory_space<vmem>>) semaphore(%arg12 : memref<!tpu.dma_semaphore, #tpu.memory_space<semaphore_mem>>)
      %mul3A_72 = arith.constant 16 : i32
      %mul3A_73 = arith.muli %scan3A_27, %mul3A_72 : i32
      %add3A_74 = arith.constant 2 : i32
      %add3A_75 = arith.addi %mul3A_73, %add3A_74 : i32
      %mul3A_76 = arith.constant 200 : i32
      %mul3A_77 = arith.muli %add3A_75, %mul3A_76 : i32
      %dma_start3A_78 = arith.constant 416 : i32
      %dma_start3A_79 = tpu.memref_slice %arg8[%scan3A_27, %dma_start3A_78] : memref<8x3328xf32, #tpu.memory_space<vmem>> -> memref<1x104xf32, #tpu.memory_space<vmem>>
      %dma_start3A_80 = tpu.memref_squeeze %dma_start3A_79 : memref<1x104xf32, #tpu.memory_space<vmem>> -> memref<104xf32, #tpu.memory_space<vmem>>
      %dma_start3A_81 = tpu.memref_slice %arg7[%mul3A_77] : memref<25600xi32, #tpu.memory_space<vmem>> -> memref<104xi32, #tpu.memory_space<vmem>>
      %dma_start3A_82 = arith.constant 0 : i32
      %dma_start3A_83 = tpu.memref_slice %arg4[%dma_start3A_82] : memref<1015808xf32, #tpu.memory_space<hbm>> -> memref<1015808xf32, #tpu.memory_space<hbm>>
      tpu.enqueue_indirect_dma source(%dma_start3A_83 : memref<1015808xf32, #tpu.memory_space<hbm>>) target(%dma_start3A_80 : memref<104xf32, #tpu.memory_space<vmem>>) offsets(%dma_start3A_81 : memref<104xi32, #tpu.memory_space<vmem>>) semaphore(%arg12 : memref<!tpu.dma_semaphore, #tpu.memory_space<semaphore_mem>>)
      %mul3A_84 = arith.constant 200 : i32
      %mul3A_85 = arith.muli %add3A_75, %mul3A_84 : i32
      %add3A_86 = arith.constant 104 : i32
      %add3A_87 = arith.addi %mul3A_85, %add3A_86 : i32
      %dma_start3A_88 = arith.constant 520 : i32
      %dma_start3A_89 = tpu.memref_slice %arg8[%scan3A_27, %dma_start3A_88] : memref<8x3328xf32, #tpu.memory_space<vmem>> -> memref<1x96xf32, #tpu.memory_space<vmem>>
      %dma_start3A_90 = tpu.memref_squeeze %dma_start3A_89 : memref<1x96xf32, #tpu.memory_space<vmem>> -> memref<96xf32, #tpu.memory_space<vmem>>
      %dma_start3A_91 = tpu.memref_slice %arg7[%add3A_87] : memref<25600xi32, #tpu.memory_space<vmem>> -> memref<96xi32, #tpu.memory_space<vmem>>
      %dma_start3A_92 = arith.constant 0 : i32
      %dma_start3A_93 = tpu.memref_slice %arg4[%dma_start3A_92] : memref<1015808xf32, #tpu.memory_space<hbm>> -> memref<1015808xf32, #tpu.memory_space<hbm>>
      tpu.enqueue_indirect_dma source(%dma_start3A_93 : memref<1015808xf32, #tpu.memory_space<hbm>>) target(%dma_start3A_90 : memref<96xf32, #tpu.memory_space<vmem>>) offsets(%dma_start3A_91 : memref<96xi32, #tpu.memory_space<vmem>>) semaphore(%arg12 : memref<!tpu.dma_semaphore, #tpu.memory_space<semaphore_mem>>)
      %mul3A_94 = arith.constant 16 : i32
      %mul3A_95 = arith.muli %scan3A_27, %mul3A_94 : i32
      %add3A_96 = arith.constant 3 : i32
      %add3A_97 = arith.addi %mul3A_95, %add3A_96 : i32
      %mul3A_98 = arith.constant 200 : i32
      %mul3A_99 = arith.muli %add3A_97, %mul3A_98 : i32
      %dma_start3A_100 = arith.constant 624 : i32
      %dma_start3A_101 = tpu.memref_slice %arg8[%scan3A_27, %dma_start3A_100] : memref<8x3328xf32, #tpu.memory_space<vmem>> -> memref<1x104xf32, #tpu.memory_space<vmem>>
      %dma_start3A_102 = tpu.memref_squeeze %dma_start3A_101 : memref<1x104xf32, #tpu.memory_space<vmem>> -> memref<104xf32, #tpu.memory_space<vmem>>
      %dma_start3A_103 = tpu.memref_slice %arg7[%mul3A_99] : memref<25600xi32, #tpu.memory_space<vmem>> -> memref<104xi32, #tpu.memory_space<vmem>>
      %dma_start3A_104 = arith.constant 0 : i32
      %dma_start3A_105 = tpu.memref_slice %arg4[%dma_start3A_104] : memref<1015808xf32, #tpu.memory_space<hbm>> -> memref<1015808xf32, #tpu.memory_space<hbm>>
      tpu.enqueue_indirect_dma source(%dma_start3A_105 : memref<1015808xf32, #tpu.memory_space<hbm>>) target(%dma_start3A_102 : memref<104xf32, #tpu.memory_space<vmem>>) offsets(%dma_start3A_103 : memref<104xi32, #tpu.memory_space<vmem>>) semaphore(%arg12 : memref<!tpu.dma_semaphore, #tpu.memory_space<semaphore_mem>>)
      %mul3A_106 = arith.constant 200 : i32
      %mul3A_107 = arith.muli %add3A_97, %mul3A_106 : i32
      %add3A_108 = arith.constant 104 : i32
      %add3A_109 = arith.addi %mul3A_107, %add3A_108 : i32
      %dma_start3A_110 = arith.constant 728 : i32
      %dma_start3A_111 = tpu.memref_slice %arg8[%scan3A_27, %dma_start3A_110] : memref<8x3328xf32, #tpu.memory_space<vmem>> -> memref<1x96xf32, #tpu.memory_space<vmem>>
      %dma_start3A_112 = tpu.memref_squeeze %dma_start3A_111 : memref<1x96xf32, #tpu.memory_space<vmem>> -> memref<96xf32, #tpu.memory_space<vmem>>
      %dma_start3A_113 = tpu.memref_slice %arg7[%add3A_109] : memref<25600xi32, #tpu.memory_space<vmem>> -> memref<96xi32, #tpu.memory_space<vmem>>
      %dma_start3A_114 = arith.constant 0 : i32
      %dma_start3A_115 = tpu.memref_slice %arg4[%dma_start3A_114] : memref<1015808xf32, #tpu.memory_space<hbm>> -> memref<1015808xf32, #tpu.memory_space<hbm>>
      tpu.enqueue_indirect_dma source(%dma_start3A_115 : memref<1015808xf32, #tpu.memory_space<hbm>>) target(%dma_start3A_112 : memref<96xf32, #tpu.memory_space<vmem>>) offsets(%dma_start3A_113 : memref<96xi32, #tpu.memory_space<vmem>>) semaphore(%arg12 : memref<!tpu.dma_semaphore, #tpu.memory_space<semaphore_mem>>)
      %mul3A_116 = arith.constant 16 : i32
      %mul3A_117 = arith.muli %scan3A_27, %mul3A_116 : i32
      %add3A_118 = arith.constant 4 : i32
      %add3A_119 = arith.addi %mul3A_117, %add3A_118 : i32
      %mul3A_120 = arith.constant 200 : i32
      %mul3A_121 = arith.muli %add3A_119, %mul3A_120 : i32
      %dma_start3A_122 = arith.constant 832 : i32
      %dma_start3A_123 = tpu.memref_slice %arg8[%scan3A_27, %dma_start3A_122] : memref<8x3328xf32, #tpu.memory_space<vmem>> -> memref<1x104xf32, #tpu.memory_space<vmem>>
      %dma_start3A_124 = tpu.memref_squeeze %dma_start3A_123 : memref<1x104xf32, #tpu.memory_space<vmem>> -> memref<104xf32, #tpu.memory_space<vmem>>
      %dma_start3A_125 = tpu.memref_slice %arg7[%mul3A_121] : memref<25600xi32, #tpu.memory_space<vmem>> -> memref<104xi32, #tpu.memory_space<vmem>>
      %dma_start3A_126 = arith.constant 0 : i32
      %dma_start3A_127 = tpu.memref_slice %arg4[%dma_start3A_126] : memref<1015808xf32, #tpu.memory_space<hbm>> -> memref<1015808xf32, #tpu.memory_space<hbm>>
      tpu.enqueue_indirect_dma source(%dma_start3A_127 : memref<1015808xf32, #tpu.memory_space<hbm>>) target(%dma_start3A_124 : memref<104xf32, #tpu.memory_space<vmem>>) offsets(%dma_start3A_125 : memref<104xi32, #tpu.memory_space<vmem>>) semaphore(%arg12 : memref<!tpu.dma_semaphore, #tpu.memory_space<semaphore_mem>>)
      %mul3A_128 = arith.constant 200 : i32
      %mul3A_129 = arith.muli %add3A_119, %mul3A_128 : i32
      %add3A_130 = arith.constant 104 : i32
      %add3A_131 = arith.addi %mul3A_129, %add3A_130 : i32
      %dma_start3A_132 = arith.constant 936 : i32
      %dma_start3A_133 = tpu.memref_slice %arg8[%scan3A_27, %dma_start3A_132] : memref<8x3328xf32, #tpu.memory_space<vmem>> -> memref<1x96xf32, #tpu.memory_space<vmem>>
      %dma_start3A_134 = tpu.memref_squeeze %dma_start3A_133 : memref<1x96xf32, #tpu.memory_space<vmem>> -> memref<96xf32, #tpu.memory_space<vmem>>
      %dma_start3A_135 = tpu.memref_slice %arg7[%add3A_131] : memref<25600xi32, #tpu.memory_space<vmem>> -> memref<96xi32, #tpu.memory_space<vmem>>
      %dma_start3A_136 = arith.constant 0 : i32
      %dma_start3A_137 = tpu.memref_slice %arg4[%dma_start3A_136] : memref<1015808xf32, #tpu.memory_space<hbm>> -> memref<1015808xf32, #tpu.memory_space<hbm>>
      tpu.enqueue_indirect_dma source(%dma_start3A_137 : memref<1015808xf32, #tpu.memory_space<hbm>>) target(%dma_start3A_134 : memref<96xf32, #tpu.memory_space<vmem>>) offsets(%dma_start3A_135 : memref<96xi32, #tpu.memory_space<vmem>>) semaphore(%arg12 : memref<!tpu.dma_semaphore, #tpu.memory_space<semaphore_mem>>)
      %mul3A_138 = arith.constant 16 : i32
      %mul3A_139 = arith.muli %scan3A_27, %mul3A_138 : i32
      %add3A_140 = arith.constant 5 : i32
      %add3A_141 = arith.addi %mul3A_139, %add3A_140 : i32
      %mul3A_142 = arith.constant 200 : i32
      %mul3A_143 = arith.muli %add3A_141, %mul3A_142 : i32
      %dma_start3A_144 = arith.constant 1040 : i32
      %dma_start3A_145 = tpu.memref_slice %arg8[%scan3A_27, %dma_start3A_144] : memref<8x3328xf32, #tpu.memory_space<vmem>> -> memref<1x104xf32, #tpu.memory_space<vmem>>
      %dma_start3A_146 = tpu.memref_squeeze %dma_start3A_145 : memref<1x104xf32, #tpu.memory_space<vmem>> -> memref<104xf32, #tpu.memory_space<vmem>>
      %dma_start3A_147 = tpu.memref_slice %arg7[%mul3A_143] : memref<25600xi32, #tpu.memory_space<vmem>> -> memref<104xi32, #tpu.memory_space<vmem>>
      %dma_start3A_148 = arith.constant 0 : i32
      %dma_start3A_149 = tpu.memref_slice %arg4[%dma_start3A_148] : memref<1015808xf32, #tpu.memory_space<hbm>> -> memref<1015808xf32, #tpu.memory_space<hbm>>
      tpu.enqueue_indirect_dma source(%dma_start3A_149 : memref<1015808xf32, #tpu.memory_space<hbm>>) target(%dma_start3A_146 : memref<104xf32, #tpu.memory_space<vmem>>) offsets(%dma_start3A_147 : memref<104xi32, #tpu.memory_space<vmem>>) semaphore(%arg12 : memref<!tpu.dma_semaphore, #tpu.memory_space<semaphore_mem>>)
      %mul3A_150 = arith.constant 200 : i32
      %mul3A_151 = arith.muli %add3A_141, %mul3A_150 : i32
      %add3A_152 = arith.constant 104 : i32
      %add3A_153 = arith.addi %mul3A_151, %add3A_152 : i32
      %dma_start3A_154 = arith.constant 1144 : i32
      %dma_start3A_155 = tpu.memref_slice %arg8[%scan3A_27, %dma_start3A_154] : memref<8x3328xf32, #tpu.memory_space<vmem>> -> memref<1x96xf32, #tpu.memory_space<vmem>>
      %dma_start3A_156 = tpu.memref_squeeze %dma_start3A_155 : memref<1x96xf32, #tpu.memory_space<vmem>> -> memref<96xf32, #tpu.memory_space<vmem>>
      %dma_start3A_157 = tpu.memref_slice %arg7[%add3A_153] : memref<25600xi32, #tpu.memory_space<vmem>> -> memref<96xi32, #tpu.memory_space<vmem>>
      %dma_start3A_158 = arith.constant 0 : i32
      %dma_start3A_159 = tpu.memref_slice %arg4[%dma_start3A_158] : memref<1015808xf32, #tpu.memory_space<hbm>> -> memref<1015808xf32, #tpu.memory_space<hbm>>
      tpu.enqueue_indirect_dma source(%dma_start3A_159 : memref<1015808xf32, #tpu.memory_space<hbm>>) target(%dma_start3A_156 : memref<96xf32, #tpu.memory_space<vmem>>) offsets(%dma_start3A_157 : memref<96xi32, #tpu.memory_space<vmem>>) semaphore(%arg12 : memref<!tpu.dma_semaphore, #tpu.memory_space<semaphore_mem>>)
      %mul3A_160 = arith.constant 16 : i32
      %mul3A_161 = arith.muli %scan3A_27, %mul3A_160 : i32
      %add3A_162 = arith.constant 6 : i32
      %add3A_163 = arith.addi %mul3A_161, %add3A_162 : i32
      %mul3A_164 = arith.constant 200 : i32
      %mul3A_165 = arith.muli %add3A_163, %mul3A_164 : i32
      %dma_start3A_166 = arith.constant 1248 : i32
      %dma_start3A_167 = tpu.memref_slice %arg8[%scan3A_27, %dma_start3A_166] : memref<8x3328xf32, #tpu.memory_space<vmem>> -> memref<1x104xf32, #tpu.memory_space<vmem>>
      %dma_start3A_168 = tpu.memref_squeeze %dma_start3A_167 : memref<1x104xf32, #tpu.memory_space<vmem>> -> memref<104xf32, #tpu.memory_space<vmem>>
      %dma_start3A_169 = tpu.memref_slice %arg7[%mul3A_165] : memref<25600xi32, #tpu.memory_space<vmem>> -> memref<104xi32, #tpu.memory_space<vmem>>
      %dma_start3A_170 = arith.constant 0 : i32
      %dma_start3A_171 = tpu.memref_slice %arg4[%dma_start3A_170] : memref<1015808xf32, #tpu.memory_space<hbm>> -> memref<1015808xf32, #tpu.memory_space<hbm>>
      tpu.enqueue_indirect_dma source(%dma_start3A_171 : memref<1015808xf32, #tpu.memory_space<hbm>>) target(%dma_start3A_168 : memref<104xf32, #tpu.memory_space<vmem>>) offsets(%dma_start3A_169 : memref<104xi32, #tpu.memory_space<vmem>>) semaphore(%arg12 : memref<!tpu.dma_semaphore, #tpu.memory_space<semaphore_mem>>)
      %mul3A_172 = arith.constant 200 : i32
      %mul3A_173 = arith.muli %add3A_163, %mul3A_172 : i32
      %add3A_174 = arith.constant 104 : i32
      %add3A_175 = arith.addi %mul3A_173, %add3A_174 : i32
      %dma_start3A_176 = arith.constant 1352 : i32
      %dma_start3A_177 = tpu.memref_slice %arg8[%scan3A_27, %dma_start3A_176] : memref<8x3328xf32, #tpu.memory_space<vmem>> -> memref<1x96xf32, #tpu.memory_space<vmem>>
      %dma_start3A_178 = tpu.memref_squeeze %dma_start3A_177 : memref<1x96xf32, #tpu.memory_space<vmem>> -> memref<96xf32, #tpu.memory_space<vmem>>
      %dma_start3A_179 = tpu.memref_slice %arg7[%add3A_175] : memref<25600xi32, #tpu.memory_space<vmem>> -> memref<96xi32, #tpu.memory_space<vmem>>
      %dma_start3A_180 = arith.constant 0 : i32
      %dma_start3A_181 = tpu.memref_slice %arg4[%dma_start3A_180] : memref<1015808xf32, #tpu.memory_space<hbm>> -> memref<1015808xf32, #tpu.memory_space<hbm>>
      tpu.enqueue_indirect_dma source(%dma_start3A_181 : memref<1015808xf32, #tpu.memory_space<hbm>>) target(%dma_start3A_178 : memref<96xf32, #tpu.memory_space<vmem>>) offsets(%dma_start3A_179 : memref<96xi32, #tpu.memory_space<vmem>>) semaphore(%arg12 : memref<!tpu.dma_semaphore, #tpu.memory_space<semaphore_mem>>)
      %mul3A_182 = arith.constant 16 : i32
      %mul3A_183 = arith.muli %scan3A_27, %mul3A_182 : i32
      %add3A_184 = arith.constant 7 : i32
      %add3A_185 = arith.addi %mul3A_183, %add3A_184 : i32
      %mul3A_186 = arith.constant 200 : i32
      %mul3A_187 = arith.muli %add3A_185, %mul3A_186 : i32
      %dma_start3A_188 = arith.constant 1456 : i32
      %dma_start3A_189 = tpu.memref_slice %arg8[%scan3A_27, %dma_start3A_188] : memref<8x3328xf32, #tpu.memory_space<vmem>> -> memref<1x104xf32, #tpu.memory_space<vmem>>
      %dma_start3A_190 = tpu.memref_squeeze %dma_start3A_189 : memref<1x104xf32, #tpu.memory_space<vmem>> -> memref<104xf32, #tpu.memory_space<vmem>>
      %dma_start3A_191 = tpu.memref_slice %arg7[%mul3A_187] : memref<25600xi32, #tpu.memory_space<vmem>> -> memref<104xi32, #tpu.memory_space<vmem>>
      %dma_start3A_192 = arith.constant 0 : i32
      %dma_start3A_193 = tpu.memref_slice %arg4[%dma_start3A_192] : memref<1015808xf32, #tpu.memory_space<hbm>> -> memref<1015808xf32, #tpu.memory_space<hbm>>
      tpu.enqueue_indirect_dma source(%dma_start3A_193 : memref<1015808xf32, #tpu.memory_space<hbm>>) target(%dma_start3A_190 : memref<104xf32, #tpu.memory_space<vmem>>) offsets(%dma_start3A_191 : memref<104xi32, #tpu.memory_space<vmem>>) semaphore(%arg12 : memref<!tpu.dma_semaphore, #tpu.memory_space<semaphore_mem>>)
      %mul3A_194 = arith.constant 200 : i32
      %mul3A_195 = arith.muli %add3A_185, %mul3A_194 : i32
      %add3A_196 = arith.constant 104 : i32
      %add3A_197 = arith.addi %mul3A_195, %add3A_196 : i32
      %dma_start3A_198 = arith.constant 1560 : i32
      %dma_start3A_199 = tpu.memref_slice %arg8[%scan3A_27, %dma_start3A_198] : memref<8x3328xf32, #tpu.memory_space<vmem>> -> memref<1x96xf32, #tpu.memory_space<vmem>>
      %dma_start3A_200 = tpu.memref_squeeze %dma_start3A_199 : memref<1x96xf32, #tpu.memory_space<vmem>> -> memref<96xf32, #tpu.memory_space<vmem>>
      %dma_start3A_201 = tpu.memref_slice %arg7[%add3A_197] : memref<25600xi32, #tpu.memory_space<vmem>> -> memref<96xi32, #tpu.memory_space<vmem>>
      %dma_start3A_202 = arith.constant 0 : i32
      %dma_start3A_203 = tpu.memref_slice %arg4[%dma_start3A_202] : memref<1015808xf32, #tpu.memory_space<hbm>> -> memref<1015808xf32, #tpu.memory_space<hbm>>
      tpu.enqueue_indirect_dma source(%dma_start3A_203 : memref<1015808xf32, #tpu.memory_space<hbm>>) target(%dma_start3A_200 : memref<96xf32, #tpu.memory_space<vmem>>) offsets(%dma_start3A_201 : memref<96xi32, #tpu.memory_space<vmem>>) semaphore(%arg12 : memref<!tpu.dma_semaphore, #tpu.memory_space<semaphore_mem>>)
      %mul3A_204 = arith.constant 16 : i32
      %mul3A_205 = arith.muli %scan3A_27, %mul3A_204 : i32
      %add3A_206 = arith.constant 8 : i32
      %add3A_207 = arith.addi %mul3A_205, %add3A_206 : i32
      %mul3A_208 = arith.constant 200 : i32
      %mul3A_209 = arith.muli %add3A_207, %mul3A_208 : i32
      %dma_start3A_210 = arith.constant 1664 : i32
      %dma_start3A_211 = tpu.memref_slice %arg8[%scan3A_27, %dma_start3A_210] : memref<8x3328xf32, #tpu.memory_space<vmem>> -> memref<1x104xf32, #tpu.memory_space<vmem>>
      %dma_start3A_212 = tpu.memref_squeeze %dma_start3A_211 : memref<1x104xf32, #tpu.memory_space<vmem>> -> memref<104xf32, #tpu.memory_space<vmem>>
      %dma_start3A_213 = tpu.memref_slice %arg7[%mul3A_209] : memref<25600xi32, #tpu.memory_space<vmem>> -> memref<104xi32, #tpu.memory_space<vmem>>
      %dma_start3A_214 = arith.constant 0 : i32
      %dma_start3A_215 = tpu.memref_slice %arg4[%dma_start3A_214] : memref<1015808xf32, #tpu.memory_space<hbm>> -> memref<1015808xf32, #tpu.memory_space<hbm>>
      tpu.enqueue_indirect_dma source(%dma_start3A_215 : memref<1015808xf32, #tpu.memory_space<hbm>>) target(%dma_start3A_212 : memref<104xf32, #tpu.memory_space<vmem>>) offsets(%dma_start3A_213 : memref<104xi32, #tpu.memory_space<vmem>>) semaphore(%arg12 : memref<!tpu.dma_semaphore, #tpu.memory_space<semaphore_mem>>)
      %mul3A_216 = arith.constant 200 : i32
      %mul3A_217 = arith.muli %add3A_207, %mul3A_216 : i32
      %add3A_218 = arith.constant 104 : i32
      %add3A_219 = arith.addi %mul3A_217, %add3A_218 : i32
      %dma_start3A_220 = arith.constant 1768 : i32
      %dma_start3A_221 = tpu.memref_slice %arg8[%scan3A_27, %dma_start3A_220] : memref<8x3328xf32, #tpu.memory_space<vmem>> -> memref<1x96xf32, #tpu.memory_space<vmem>>
      %dma_start3A_222 = tpu.memref_squeeze %dma_start3A_221 : memref<1x96xf32, #tpu.memory_space<vmem>> -> memref<96xf32, #tpu.memory_space<vmem>>
      %dma_start3A_223 = tpu.memref_slice %arg7[%add3A_219] : memref<25600xi32, #tpu.memory_space<vmem>> -> memref<96xi32, #tpu.memory_space<vmem>>
      %dma_start3A_224 = arith.constant 0 : i32
      %dma_start3A_225 = tpu.memref_slice %arg4[%dma_start3A_224] : memref<1015808xf32, #tpu.memory_space<hbm>> -> memref<1015808xf32, #tpu.memory_space<hbm>>
      tpu.enqueue_indirect_dma source(%dma_start3A_225 : memref<1015808xf32, #tpu.memory_space<hbm>>) target(%dma_start3A_222 : memref<96xf32, #tpu.memory_space<vmem>>) offsets(%dma_start3A_223 : memref<96xi32, #tpu.memory_space<vmem>>) semaphore(%arg12 : memref<!tpu.dma_semaphore, #tpu.memory_space<semaphore_mem>>)
      %mul3A_226 = arith.constant 16 : i32
      %mul3A_227 = arith.muli %scan3A_27, %mul3A_226 : i32
      %add3A_228 = arith.constant 9 : i32
      %add3A_229 = arith.addi %mul3A_227, %add3A_228 : i32
      %mul3A_230 = arith.constant 200 : i32
      %mul3A_231 = arith.muli %add3A_229, %mul3A_230 : i32
      %dma_start3A_232 = arith.constant 1872 : i32
      %dma_start3A_233 = tpu.memref_slice %arg8[%scan3A_27, %dma_start3A_232] : memref<8x3328xf32, #tpu.memory_space<vmem>> -> memref<1x104xf32, #tpu.memory_space<vmem>>
      %dma_start3A_234 = tpu.memref_squeeze %dma_start3A_233 : memref<1x104xf32, #tpu.memory_space<vmem>> -> memref<104xf32, #tpu.memory_space<vmem>>
      %dma_start3A_235 = tpu.memref_slice %arg7[%mul3A_231] : memref<25600xi32, #tpu.memory_space<vmem>> -> memref<104xi32, #tpu.memory_space<vmem>>
      %dma_start3A_236 = arith.constant 0 : i32
      %dma_start3A_237 = tpu.memref_slice %arg4[%dma_start3A_236] : memref<1015808xf32, #tpu.memory_space<hbm>> -> memref<1015808xf32, #tpu.memory_space<hbm>>
      tpu.enqueue_indirect_dma source(%dma_start3A_237 : memref<1015808xf32, #tpu.memory_space<hbm>>) target(%dma_start3A_234 : memref<104xf32, #tpu.memory_space<vmem>>) offsets(%dma_start3A_235 : memref<104xi32, #tpu.memory_space<vmem>>) semaphore(%arg12 : memref<!tpu.dma_semaphore, #tpu.memory_space<semaphore_mem>>)
      %mul3A_238 = arith.constant 200 : i32
      %mul3A_239 = arith.muli %add3A_229, %mul3A_238 : i32
      %add3A_240 = arith.constant 104 : i32
      %add3A_241 = arith.addi %mul3A_239, %add3A_240 : i32
      %dma_start3A_242 = arith.constant 1976 : i32
      %dma_start3A_243 = tpu.memref_slice %arg8[%scan3A_27, %dma_start3A_242] : memref<8x3328xf32, #tpu.memory_space<vmem>> -> memref<1x96xf32, #tpu.memory_space<vmem>>
      %dma_start3A_244 = tpu.memref_squeeze %dma_start3A_243 : memref<1x96xf32, #tpu.memory_space<vmem>> -> memref<96xf32, #tpu.memory_space<vmem>>
      %dma_start3A_245 = tpu.memref_slice %arg7[%add3A_241] : memref<25600xi32, #tpu.memory_space<vmem>> -> memref<96xi32, #tpu.memory_space<vmem>>
      %dma_start3A_246 = arith.constant 0 : i32
      %dma_start3A_247 = tpu.memref_slice %arg4[%dma_start3A_246] : memref<1015808xf32, #tpu.memory_space<hbm>> -> memref<1015808xf32, #tpu.memory_space<hbm>>
      tpu.enqueue_indirect_dma source(%dma_start3A_247 : memref<1015808xf32, #tpu.memory_space<hbm>>) target(%dma_start3A_244 : memref<96xf32, #tpu.memory_space<vmem>>) offsets(%dma_start3A_245 : memref<96xi32, #tpu.memory_space<vmem>>) semaphore(%arg12 : memref<!tpu.dma_semaphore, #tpu.memory_space<semaphore_mem>>)
      %mul3A_248 = arith.constant 16 : i32
      %mul3A_249 = arith.muli %scan3A_27, %mul3A_248 : i32
      %add3A_250 = arith.constant 10 : i32
      %add3A_251 = arith.addi %mul3A_249, %add3A_250 : i32
      %mul3A_252 = arith.constant 200 : i32
      %mul3A_253 = arith.muli %add3A_251, %mul3A_252 : i32
      %dma_start3A_254 = arith.constant 2080 : i32
      %dma_start3A_255 = tpu.memref_slice %arg8[%scan3A_27, %dma_start3A_254] : memref<8x3328xf32, #tpu.memory_space<vmem>> -> memref<1x104xf32, #tpu.memory_space<vmem>>
      %dma_start3A_256 = tpu.memref_squeeze %dma_start3A_255 : memref<1x104xf32, #tpu.memory_space<vmem>> -> memref<104xf32, #tpu.memory_space<vmem>>
      %dma_start3A_257 = tpu.memref_slice %arg7[%mul3A_253] : memref<25600xi32, #tpu.memory_space<vmem>> -> memref<104xi32, #tpu.memory_space<vmem>>
      %dma_start3A_258 = arith.constant 0 : i32
      %dma_start3A_259 = tpu.memref_slice %arg4[%dma_start3A_258] : memref<1015808xf32, #tpu.memory_space<hbm>> -> memref<1015808xf32, #tpu.memory_space<hbm>>
      tpu.enqueue_indirect_dma source(%dma_start3A_259 : memref<1015808xf32, #tpu.memory_space<hbm>>) target(%dma_start3A_256 : memref<104xf32, #tpu.memory_space<vmem>>) offsets(%dma_start3A_257 : memref<104xi32, #tpu.memory_space<vmem>>) semaphore(%arg12 : memref<!tpu.dma_semaphore, #tpu.memory_space<semaphore_mem>>)
      %mul3A_260 = arith.constant 200 : i32
      %mul3A_261 = arith.muli %add3A_251, %mul3A_260 : i32
      %add3A_262 = arith.constant 104 : i32
      %add3A_263 = arith.addi %mul3A_261, %add3A_262 : i32
      %dma_start3A_264 = arith.constant 2184 : i32
      %dma_start3A_265 = tpu.memref_slice %arg8[%scan3A_27, %dma_start3A_264] : memref<8x3328xf32, #tpu.memory_space<vmem>> -> memref<1x96xf32, #tpu.memory_space<vmem>>
      %dma_start3A_266 = tpu.memref_squeeze %dma_start3A_265 : memref<1x96xf32, #tpu.memory_space<vmem>> -> memref<96xf32, #tpu.memory_space<vmem>>
      %dma_start3A_267 = tpu.memref_slice %arg7[%add3A_263] : memref<25600xi32, #tpu.memory_space<vmem>> -> memref<96xi32, #tpu.memory_space<vmem>>
      %dma_start3A_268 = arith.constant 0 : i32
      %dma_start3A_269 = tpu.memref_slice %arg4[%dma_start3A_268] : memref<1015808xf32, #tpu.memory_space<hbm>> -> memref<1015808xf32, #tpu.memory_space<hbm>>
      tpu.enqueue_indirect_dma source(%dma_start3A_269 : memref<1015808xf32, #tpu.memory_space<hbm>>) target(%dma_start3A_266 : memref<96xf32, #tpu.memory_space<vmem>>) offsets(%dma_start3A_267 : memref<96xi32, #tpu.memory_space<vmem>>) semaphore(%arg12 : memref<!tpu.dma_semaphore, #tpu.memory_space<semaphore_mem>>)
      %mul3A_270 = arith.constant 16 : i32
      %mul3A_271 = arith.muli %scan3A_27, %mul3A_270 : i32
      %add3A_272 = arith.constant 11 : i32
      %add3A_273 = arith.addi %mul3A_271, %add3A_272 : i32
      %mul3A_274 = arith.constant 200 : i32
      %mul3A_275 = arith.muli %add3A_273, %mul3A_274 : i32
      %dma_start3A_276 = arith.constant 2288 : i32
      %dma_start3A_277 = tpu.memref_slice %arg8[%scan3A_27, %dma_start3A_276] : memref<8x3328xf32, #tpu.memory_space<vmem>> -> memref<1x104xf32, #tpu.memory_space<vmem>>
      %dma_start3A_278 = tpu.memref_squeeze %dma_start3A_277 : memref<1x104xf32, #tpu.memory_space<vmem>> -> memref<104xf32, #tpu.memory_space<vmem>>
      %dma_start3A_279 = tpu.memref_slice %arg7[%mul3A_275] : memref<25600xi32, #tpu.memory_space<vmem>> -> memref<104xi32, #tpu.memory_space<vmem>>
      %dma_start3A_280 = arith.constant 0 : i32
      %dma_start3A_281 = tpu.memref_slice %arg4[%dma_start3A_280] : memref<1015808xf32, #tpu.memory_space<hbm>> -> memref<1015808xf32, #tpu.memory_space<hbm>>
      tpu.enqueue_indirect_dma source(%dma_start3A_281 : memref<1015808xf32, #tpu.memory_space<hbm>>) target(%dma_start3A_278 : memref<104xf32, #tpu.memory_space<vmem>>) offsets(%dma_start3A_279 : memref<104xi32, #tpu.memory_space<vmem>>) semaphore(%arg12 : memref<!tpu.dma_semaphore, #tpu.memory_space<semaphore_mem>>)
      %mul3A_282 = arith.constant 200 : i32
      %mul3A_283 = arith.muli %add3A_273, %mul3A_282 : i32
      %add3A_284 = arith.constant 104 : i32
      %add3A_285 = arith.addi %mul3A_283, %add3A_284 : i32
      %dma_start3A_286 = arith.constant 2392 : i32
      %dma_start3A_287 = tpu.memref_slice %arg8[%scan3A_27, %dma_start3A_286] : memref<8x3328xf32, #tpu.memory_space<vmem>> -> memref<1x96xf32, #tpu.memory_space<vmem>>
      %dma_start3A_288 = tpu.memref_squeeze %dma_start3A_287 : memref<1x96xf32, #tpu.memory_space<vmem>> -> memref<96xf32, #tpu.memory_space<vmem>>
      %dma_start3A_289 = tpu.memref_slice %arg7[%add3A_285] : memref<25600xi32, #tpu.memory_space<vmem>> -> memref<96xi32, #tpu.memory_space<vmem>>
      %dma_start3A_290 = arith.constant 0 : i32
      %dma_start3A_291 = tpu.memref_slice %arg4[%dma_start3A_290] : memref<1015808xf32, #tpu.memory_space<hbm>> -> memref<1015808xf32, #tpu.memory_space<hbm>>
      tpu.enqueue_indirect_dma source(%dma_start3A_291 : memref<1015808xf32, #tpu.memory_space<hbm>>) target(%dma_start3A_288 : memref<96xf32, #tpu.memory_space<vmem>>) offsets(%dma_start3A_289 : memref<96xi32, #tpu.memory_space<vmem>>) semaphore(%arg12 : memref<!tpu.dma_semaphore, #tpu.memory_space<semaphore_mem>>)
      %mul3A_292 = arith.constant 16 : i32
      %mul3A_293 = arith.muli %scan3A_27, %mul3A_292 : i32
      %add3A_294 = arith.constant 12 : i32
      %add3A_295 = arith.addi %mul3A_293, %add3A_294 : i32
      %mul3A_296 = arith.constant 200 : i32
      %mul3A_297 = arith.muli %add3A_295, %mul3A_296 : i32
      %dma_start3A_298 = arith.constant 2496 : i32
      %dma_start3A_299 = tpu.memref_slice %arg8[%scan3A_27, %dma_start3A_298] : memref<8x3328xf32, #tpu.memory_space<vmem>> -> memref<1x104xf32, #tpu.memory_space<vmem>>
      %dma_start3A_300 = tpu.memref_squeeze %dma_start3A_299 : memref<1x104xf32, #tpu.memory_space<vmem>> -> memref<104xf32, #tpu.memory_space<vmem>>
      %dma_start3A_301 = tpu.memref_slice %arg7[%mul3A_297] : memref<25600xi32, #tpu.memory_space<vmem>> -> memref<104xi32, #tpu.memory_space<vmem>>
      %dma_start3A_302 = arith.constant 0 : i32
      %dma_start3A_303 = tpu.memref_slice %arg4[%dma_start3A_302] : memref<1015808xf32, #tpu.memory_space<hbm>> -> memref<1015808xf32, #tpu.memory_space<hbm>>
      tpu.enqueue_indirect_dma source(%dma_start3A_303 : memref<1015808xf32, #tpu.memory_space<hbm>>) target(%dma_start3A_300 : memref<104xf32, #tpu.memory_space<vmem>>) offsets(%dma_start3A_301 : memref<104xi32, #tpu.memory_space<vmem>>) semaphore(%arg12 : memref<!tpu.dma_semaphore, #tpu.memory_space<semaphore_mem>>)
      %mul3A_304 = arith.constant 200 : i32
      %mul3A_305 = arith.muli %add3A_295, %mul3A_304 : i32
      %add3A_306 = arith.constant 104 : i32
      %add3A_307 = arith.addi %mul3A_305, %add3A_306 : i32
      %dma_start3A_308 = arith.constant 2600 : i32
      %dma_start3A_309 = tpu.memref_slice %arg8[%scan3A_27, %dma_start3A_308] : memref<8x3328xf32, #tpu.memory_space<vmem>> -> memref<1x96xf32, #tpu.memory_space<vmem>>
      %dma_start3A_310 = tpu.memref_squeeze %dma_start3A_309 : memref<1x96xf32, #tpu.memory_space<vmem>> -> memref<96xf32, #tpu.memory_space<vmem>>
      %dma_start3A_311 = tpu.memref_slice %arg7[%add3A_307] : memref<25600xi32, #tpu.memory_space<vmem>> -> memref<96xi32, #tpu.memory_space<vmem>>
      %dma_start3A_312 = arith.constant 0 : i32
      %dma_start3A_313 = tpu.memref_slice %arg4[%dma_start3A_312] : memref<1015808xf32, #tpu.memory_space<hbm>> -> memref<1015808xf32, #tpu.memory_space<hbm>>
      tpu.enqueue_indirect_dma source(%dma_start3A_313 : memref<1015808xf32, #tpu.memory_space<hbm>>) target(%dma_start3A_310 : memref<96xf32, #tpu.memory_space<vmem>>) offsets(%dma_start3A_311 : memref<96xi32, #tpu.memory_space<vmem>>) semaphore(%arg12 : memref<!tpu.dma_semaphore, #tpu.memory_space<semaphore_mem>>)
      %mul3A_314 = arith.constant 16 : i32
      %mul3A_315 = arith.muli %scan3A_27, %mul3A_314 : i32
      %add3A_316 = arith.constant 13 : i32
      %add3A_317 = arith.addi %mul3A_315, %add3A_316 : i32
      %mul3A_318 = arith.constant 200 : i32
      %mul3A_319 = arith.muli %add3A_317, %mul3A_318 : i32
      %dma_start3A_320 = arith.constant 2704 : i32
      %dma_start3A_321 = tpu.memref_slice %arg8[%scan3A_27, %dma_start3A_320] : memref<8x3328xf32, #tpu.memory_space<vmem>> -> memref<1x104xf32, #tpu.memory_space<vmem>>
      %dma_start3A_322 = tpu.memref_squeeze %dma_start3A_321 : memref<1x104xf32, #tpu.memory_space<vmem>> -> memref<104xf32, #tpu.memory_space<vmem>>
      %dma_start3A_323 = tpu.memref_slice %arg7[%mul3A_319] : memref<25600xi32, #tpu.memory_space<vmem>> -> memref<104xi32, #tpu.memory_space<vmem>>
      %dma_start3A_324 = arith.constant 0 : i32
      %dma_start3A_325 = tpu.memref_slice %arg4[%dma_start3A_324] : memref<1015808xf32, #tpu.memory_space<hbm>> -> memref<1015808xf32, #tpu.memory_space<hbm>>
      tpu.enqueue_indirect_dma source(%dma_start3A_325 : memref<1015808xf32, #tpu.memory_space<hbm>>) target(%dma_start3A_322 : memref<104xf32, #tpu.memory_space<vmem>>) offsets(%dma_start3A_323 : memref<104xi32, #tpu.memory_space<vmem>>) semaphore(%arg12 : memref<!tpu.dma_semaphore, #tpu.memory_space<semaphore_mem>>)
      %mul3A_326 = arith.constant 200 : i32
      %mul3A_327 = arith.muli %add3A_317, %mul3A_326 : i32
      %add3A_328 = arith.constant 104 : i32
      %add3A_329 = arith.addi %mul3A_327, %add3A_328 : i32
      %dma_start3A_330 = arith.constant 2808 : i32
      %dma_start3A_331 = tpu.memref_slice %arg8[%scan3A_27, %dma_start3A_330] : memref<8x3328xf32, #tpu.memory_space<vmem>> -> memref<1x96xf32, #tpu.memory_space<vmem>>
      %dma_start3A_332 = tpu.memref_squeeze %dma_start3A_331 : memref<1x96xf32, #tpu.memory_space<vmem>> -> memref<96xf32, #tpu.memory_space<vmem>>
      %dma_start3A_333 = tpu.memref_slice %arg7[%add3A_329] : memref<25600xi32, #tpu.memory_space<vmem>> -> memref<96xi32, #tpu.memory_space<vmem>>
      %dma_start3A_334 = arith.constant 0 : i32
      %dma_start3A_335 = tpu.memref_slice %arg4[%dma_start3A_334] : memref<1015808xf32, #tpu.memory_space<hbm>> -> memref<1015808xf32, #tpu.memory_space<hbm>>
      tpu.enqueue_indirect_dma source(%dma_start3A_335 : memref<1015808xf32, #tpu.memory_space<hbm>>) target(%dma_start3A_332 : memref<96xf32, #tpu.memory_space<vmem>>) offsets(%dma_start3A_333 : memref<96xi32, #tpu.memory_space<vmem>>) semaphore(%arg12 : memref<!tpu.dma_semaphore, #tpu.memory_space<semaphore_mem>>)
      %mul3A_336 = arith.constant 16 : i32
      %mul3A_337 = arith.muli %scan3A_27, %mul3A_336 : i32
      %add3A_338 = arith.constant 14 : i32
      %add3A_339 = arith.addi %mul3A_337, %add3A_338 : i32
      %mul3A_340 = arith.constant 200 : i32
      %mul3A_341 = arith.muli %add3A_339, %mul3A_340 : i32
      %dma_start3A_342 = arith.constant 2912 : i32
      %dma_start3A_343 = tpu.memref_slice %arg8[%scan3A_27, %dma_start3A_342] : memref<8x3328xf32, #tpu.memory_space<vmem>> -> memref<1x104xf32, #tpu.memory_space<vmem>>
      %dma_start3A_344 = tpu.memref_squeeze %dma_start3A_343 : memref<1x104xf32, #tpu.memory_space<vmem>> -> memref<104xf32, #tpu.memory_space<vmem>>
      %dma_start3A_345 = tpu.memref_slice %arg7[%mul3A_341] : memref<25600xi32, #tpu.memory_space<vmem>> -> memref<104xi32, #tpu.memory_space<vmem>>
      %dma_start3A_346 = arith.constant 0 : i32
      %dma_start3A_347 = tpu.memref_slice %arg4[%dma_start3A_346] : memref<1015808xf32, #tpu.memory_space<hbm>> -> memref<1015808xf32, #tpu.memory_space<hbm>>
      tpu.enqueue_indirect_dma source(%dma_start3A_347 : memref<1015808xf32, #tpu.memory_space<hbm>>) target(%dma_start3A_344 : memref<104xf32, #tpu.memory_space<vmem>>) offsets(%dma_start3A_345 : memref<104xi32, #tpu.memory_space<vmem>>) semaphore(%arg12 : memref<!tpu.dma_semaphore, #tpu.memory_space<semaphore_mem>>)
      %mul3A_348 = arith.constant 200 : i32
      %mul3A_349 = arith.muli %add3A_339, %mul3A_348 : i32
      %add3A_350 = arith.constant 104 : i32
      %add3A_351 = arith.addi %mul3A_349, %add3A_350 : i32
      %dma_start3A_352 = arith.constant 3016 : i32
      %dma_start3A_353 = tpu.memref_slice %arg8[%scan3A_27, %dma_start3A_352] : memref<8x3328xf32, #tpu.memory_space<vmem>> -> memref<1x96xf32, #tpu.memory_space<vmem>>
      %dma_start3A_354 = tpu.memref_squeeze %dma_start3A_353 : memref<1x96xf32, #tpu.memory_space<vmem>> -> memref<96xf32, #tpu.memory_space<vmem>>
      %dma_start3A_355 = tpu.memref_slice %arg7[%add3A_351] : memref<25600xi32, #tpu.memory_space<vmem>> -> memref<96xi32, #tpu.memory_space<vmem>>
      %dma_start3A_356 = arith.constant 0 : i32
      %dma_start3A_357 = tpu.memref_slice %arg4[%dma_start3A_356] : memref<1015808xf32, #tpu.memory_space<hbm>> -> memref<1015808xf32, #tpu.memory_space<hbm>>
      tpu.enqueue_indirect_dma source(%dma_start3A_357 : memref<1015808xf32, #tpu.memory_space<hbm>>) target(%dma_start3A_354 : memref<96xf32, #tpu.memory_space<vmem>>) offsets(%dma_start3A_355 : memref<96xi32, #tpu.memory_space<vmem>>) semaphore(%arg12 : memref<!tpu.dma_semaphore, #tpu.memory_space<semaphore_mem>>)
      %mul3A_358 = arith.constant 16 : i32
      %mul3A_359 = arith.muli %scan3A_27, %mul3A_358 : i32
      %add3A_360 = arith.constant 15 : i32
      %add3A_361 = arith.addi %mul3A_359, %add3A_360 : i32
      %mul3A_362 = arith.constant 200 : i32
      %mul3A_363 = arith.muli %add3A_361, %mul3A_362 : i32
      %dma_start3A_364 = arith.constant 3120 : i32
      %dma_start3A_365 = tpu.memref_slice %arg8[%scan3A_27, %dma_start3A_364] : memref<8x3328xf32, #tpu.memory_space<vmem>> -> memref<1x104xf32, #tpu.memory_space<vmem>>
      %dma_start3A_366 = tpu.memref_squeeze %dma_start3A_365 : memref<1x104xf32, #tpu.memory_space<vmem>> -> memref<104xf32, #tpu.memory_space<vmem>>
      %dma_start3A_367 = tpu.memref_slice %arg7[%mul3A_363] : memref<25600xi32, #tpu.memory_space<vmem>> -> memref<104xi32, #tpu.memory_space<vmem>>
      %dma_start3A_368 = arith.constant 0 : i32
      %dma_start3A_369 = tpu.memref_slice %arg4[%dma_start3A_368] : memref<1015808xf32, #tpu.memory_space<hbm>> -> memref<1015808xf32, #tpu.memory_space<hbm>>
      tpu.enqueue_indirect_dma source(%dma_start3A_369 : memref<1015808xf32, #tpu.memory_space<hbm>>) target(%dma_start3A_366 : memref<104xf32, #tpu.memory_space<vmem>>) offsets(%dma_start3A_367 : memref<104xi32, #tpu.memory_space<vmem>>) semaphore(%arg12 : memref<!tpu.dma_semaphore, #tpu.memory_space<semaphore_mem>>)
      %mul3A_370 = arith.constant 200 : i32
      %mul3A_371 = arith.muli %add3A_361, %mul3A_370 : i32
      %add3A_372 = arith.constant 104 : i32
      %add3A_373 = arith.addi %mul3A_371, %add3A_372 : i32
      %dma_start3A_374 = arith.constant 3224 : i32
      %dma_start3A_375 = tpu.memref_slice %arg8[%scan3A_27, %dma_start3A_374] : memref<8x3328xf32, #tpu.memory_space<vmem>> -> memref<1x96xf32, #tpu.memory_space<vmem>>
      %dma_start3A_376 = tpu.memref_squeeze %dma_start3A_375 : memref<1x96xf32, #tpu.memory_space<vmem>> -> memref<96xf32, #tpu.memory_space<vmem>>
      %dma_start3A_377 = tpu.memref_slice %arg7[%add3A_373] : memref<25600xi32, #tpu.memory_space<vmem>> -> memref<96xi32, #tpu.memory_space<vmem>>
      %dma_start3A_378 = arith.constant 0 : i32
      %dma_start3A_379 = tpu.memref_slice %arg4[%dma_start3A_378] : memref<1015808xf32, #tpu.memory_space<hbm>> -> memref<1015808xf32, #tpu.memory_space<hbm>>
      tpu.enqueue_indirect_dma source(%dma_start3A_379 : memref<1015808xf32, #tpu.memory_space<hbm>>) target(%dma_start3A_376 : memref<96xf32, #tpu.memory_space<vmem>>) offsets(%dma_start3A_377 : memref<96xi32, #tpu.memory_space<vmem>>) semaphore(%arg12 : memref<!tpu.dma_semaphore, #tpu.memory_space<semaphore_mem>>)
      %scan3A_380 = arith.constant 0 : i32
      scf.yield %scan3A_380 : i32
    }
    %scan3A_19 = arith.constant 8 : i32
    %scan3A_20 = arith.constant 0 : i32
    %scan3A_21 = arith.constant 0 : i32
    %scan3A_22 = arith.constant 8 : i32
    %scan3A_23 = arith.addi %scan3A_21, %scan3A_22 : i32
    %scan3A_24 = arith.constant 1 : i32
    %scan3A_25 = scf.for %scan3A_27 = %scan3A_21 to %scan3A_23 step %scan3A_24 iter_args(%scan3A_28 = %scan3A_20) -> (i32)  : i32 {
      %dma_wait3A = arith.constant 0 : i32
      %dma_wait3A_29 = tpu.memref_slice %arg8[%scan3A_27, %dma_wait3A] : memref<8x3328xf32, #tpu.memory_space<vmem>> -> memref<1x3200xf32, #tpu.memory_space<vmem>>
      %dma_wait3A_30 = tpu.memref_squeeze %dma_wait3A_29 : memref<1x3200xf32, #tpu.memory_space<vmem>> -> memref<3200xf32, #tpu.memory_space<vmem>>
      %dma_wait3A_31 = arith.constant 0 : i32
      %dma_wait3A_32 = tpu.memref_slice %arg4[%dma_wait3A_31] : memref<1015808xf32, #tpu.memory_space<hbm>> -> memref<3200xf32, #tpu.memory_space<hbm>>
      %dma_wait3A_33 = arith.constant 0 : i32
      %dma_wait3A_34 = tpu.memref_slice %arg8[%scan3A_27, %dma_wait3A_33] : memref<8x3328xf32, #tpu.memory_space<vmem>> -> memref<1x3200xf32, #tpu.memory_space<vmem>>
      %dma_wait3A_35 = tpu.memref_squeeze %dma_wait3A_34 : memref<1x3200xf32, #tpu.memory_space<vmem>> -> memref<3200xf32, #tpu.memory_space<vmem>>
      %dma_wait3A_36 = arith.constant 0 : i32
      %dma_wait3A_37 = tpu.memref_slice %arg4[%dma_wait3A_36] : memref<1015808xf32, #tpu.memory_space<hbm>> -> memref<3200xf32, #tpu.memory_space<hbm>>
      tpu.wait_dma2 semaphore(%arg12 : memref<!tpu.dma_semaphore, #tpu.memory_space<semaphore_mem>>) src(%dma_wait3A_37 : memref<3200xf32, #tpu.memory_space<hbm>>) dst(%dma_wait3A_35 : memref<3200xf32, #tpu.memory_space<vmem>>)
      %get3A_38 = arith.index_cast %scan3A_27 : i32 to index
      %get3A_39 = arith.constant 0 : index
      %get3A_40 = tpu.vector_load %arg8[%get3A_38, %get3A_39] {strides = array<i32>} : memref<8x3328xf32, #tpu.memory_space<vmem>>, vector<16xf32>,
      %add3A_41 = arith.addf %broadcast_in_dim3A_5, %get3A_40 : vector<16xf32>
      %get3A_42 = arith.index_cast %scan3A_27 : i32 to index
      %get3A_43 = arith.constant 16 : index
      %get3A_44 = tpu.vector_load %arg8[%get3A_42, %get3A_43] {strides = array<i32>} : memref<8x3328xf32, #tpu.memory_space<vmem>>, vector<16xf32>,
      %add3A_45 = arith.addf %add3A_41, %get3A_44 : vector<16xf32>
      %get3A_46 = arith.index_cast %scan3A_27 : i32 to index
      %get3A_47 = arith.constant 32 : index
      %get3A_48 = tpu.vector_load %arg8[%get3A_46, %get3A_47] {strides = array<i32>} : memref<8x3328xf32, #tpu.memory_space<vmem>>, vector<16xf32>,
      %add3A_49 = arith.addf %add3A_45, %get3A_48 : vector<16xf32>
      %get3A_50 = arith.index_cast %scan3A_27 : i32 to index
      %get3A_51 = arith.constant 48 : index
      %get3A_52 = tpu.vector_load %arg8[%get3A_50, %get3A_51] {strides = array<i32>} : memref<8x3328xf32, #tpu.memory_space<vmem>>, vector<16xf32>,
      %add3A_53 = arith.addf %add3A_49, %get3A_52 : vector<16xf32>
      %get3A_54 = arith.index_cast %scan3A_27 : i32 to index
      %get3A_55 = arith.constant 64 : index
      %get3A_56 = tpu.vector_load %arg8[%get3A_54, %get3A_55] {strides = array<i32>} : memref<8x3328xf32, #tpu.memory_space<vmem>>, vector<16xf32>,
      %add3A_57 = arith.addf %add3A_53, %get3A_56 : vector<16xf32>
      %get3A_58 = arith.index_cast %scan3A_27 : i32 to index
      %get3A_59 = arith.constant 80 : index
      %get3A_60 = tpu.vector_load %arg8[%get3A_58, %get3A_59] {strides = array<i32>} : memref<8x3328xf32, #tpu.memory_space<vmem>>, vector<16xf32>,
      %add3A_61 = arith.addf %add3A_57, %get3A_60 : vector<16xf32>
      %get3A_62 = arith.index_cast %scan3A_27 : i32 to index
      %get3A_63 = arith.constant 96 : index
      %get3A_64 = tpu.vector_load %arg8[%get3A_62, %get3A_63] {strides = array<i32>} : memref<8x3328xf32, #tpu.memory_space<vmem>>, vector<16xf32>,
      %add3A_65 = arith.addf %add3A_61, %get3A_64 : vector<16xf32>
      %get3A_66 = arith.index_cast %scan3A_27 : i32 to index
      %get3A_67 = arith.constant 112 : index
      %get3A_68 = tpu.vector_load %arg8[%get3A_66, %get3A_67] {strides = array<i32>} : memref<8x3328xf32, #tpu.memory_space<vmem>>, vector<16xf32>,
      %add3A_69 = arith.addf %add3A_65, %get3A_68 : vector<16xf32>
      %get3A_70 = arith.index_cast %scan3A_27 : i32 to index
      %get3A_71 = arith.constant 128 : index
      %get3A_72 = tpu.vector_load %arg8[%get3A_70, %get3A_71] {strides = array<i32>} : memref<8x3328xf32, #tpu.memory_space<vmem>>, vector<16xf32>,
      %add3A_73 = arith.addf %add3A_69, %get3A_72 : vector<16xf32>
      %get3A_74 = arith.index_cast %scan3A_27 : i32 to index
      %get3A_75 = arith.constant 144 : index
      %get3A_76 = tpu.vector_load %arg8[%get3A_74, %get3A_75] {strides = array<i32>} : memref<8x3328xf32, #tpu.memory_space<vmem>>, vector<16xf32>,
      %add3A_77 = arith.addf %add3A_73, %get3A_76 : vector<16xf32>
      %get3A_78 = arith.index_cast %scan3A_27 : i32 to index
      %get3A_79 = arith.constant 160 : index
      %get3A_80 = tpu.vector_load %arg8[%get3A_78, %get3A_79] {strides = array<i32>} : memref<8x3328xf32, #tpu.memory_space<vmem>>, vector<16xf32>,
      %add3A_81 = arith.addf %add3A_77, %get3A_80 : vector<16xf32>
      %get3A_82 = arith.index_cast %scan3A_27 : i32 to index
      %get3A_83 = arith.constant 176 : index
      %get3A_84 = tpu.vector_load %arg8[%get3A_82, %get3A_83] {strides = array<i32>} : memref<8x3328xf32, #tpu.memory_space<vmem>>, vector<16xf32>,
      %add3A_85 = arith.addf %add3A_81, %get3A_84 : vector<16xf32>
      %get3A_86 = arith.index_cast %scan3A_27 : i32 to index
      %get3A_87 = arith.constant 192 : index
      %get3A_88 = tpu.vector_load %arg8[%get3A_86, %get3A_87] {strides = array<i32>} : memref<8x3328xf32, #tpu.memory_space<vmem>>, vector<16xf32>,
      %add3A_89 = arith.addf %add3A_85, %get3A_88 : vector<16xf32>
      %eq3A = arith.constant 0 : i32
      %eq3A_90 = vector.broadcast %eq3A : i32 to vector<16xi32>
      %eq3A_91 = arith.cmpi eq, %iota3A, %eq3A_90 : vector<16xi32>
      %reduce_sum3A = arith.constant true
      %reduce_sum3A_92 = vector.broadcast %reduce_sum3A : i1 to vector<16xi1>
      %reduce_sum3A_93 = tpu.scan <sum>, %add3A_89 masked %reduce_sum3A_92 : vector<16xf32>, vector<16xi1> -> vector<16xf32>
      %reduce_sum3A_94 = vector.extract %reduce_sum3A_93[15] : f32 from vector<16xf32>
      %broadcast_in_dim3A_95 = vector.broadcast %reduce_sum3A_94 : f32 to vector<16xf32>
      %select_n3A = arith.select %eq3A_91, %broadcast_in_dim3A_95, %broadcast_in_dim3A_5 : vector<16xi1>, vector<16xf32>
      %get3A_96 = arith.index_cast %scan3A_27 : i32 to index
      %get3A_97 = arith.constant 208 : index
      %get3A_98 = tpu.vector_load %arg8[%get3A_96, %get3A_97] {strides = array<i32>} : memref<8x3328xf32, #tpu.memory_space<vmem>>, vector<16xf32>,
      %add3A_99 = arith.addf %broadcast_in_dim3A_5, %get3A_98 : vector<16xf32>
      %get3A_100 = arith.index_cast %scan3A_27 : i32 to index
      %get3A_101 = arith.constant 224 : index
      %get3A_102 = tpu.vector_load %arg8[%get3A_100, %get3A_101] {strides = array<i32>} : memref<8x3328xf32, #tpu.memory_space<vmem>>, vector<16xf32>,
      %add3A_103 = arith.addf %add3A_99, %get3A_102 : vector<16xf32>
      %get3A_104 = arith.index_cast %scan3A_27 : i32 to index
      %get3A_105 = arith.constant 240 : index
      %get3A_106 = tpu.vector_load %arg8[%get3A_104, %get3A_105] {strides = array<i32>} : memref<8x3328xf32, #tpu.memory_space<vmem>>, vector<16xf32>,
      %add3A_107 = arith.addf %add3A_103, %get3A_106 : vector<16xf32>
      %get3A_108 = arith.index_cast %scan3A_27 : i32 to index
      %get3A_109 = arith.constant 256 : index
      %get3A_110 = tpu.vector_load %arg8[%get3A_108, %get3A_109] {strides = array<i32>} : memref<8x3328xf32, #tpu.memory_space<vmem>>, vector<16xf32>,
      %add3A_111 = arith.addf %add3A_107, %get3A_110 : vector<16xf32>
      %get3A_112 = arith.index_cast %scan3A_27 : i32 to index
      %get3A_113 = arith.constant 272 : index
      %get3A_114 = tpu.vector_load %arg8[%get3A_112, %get3A_113] {strides = array<i32>} : memref<8x3328xf32, #tpu.memory_space<vmem>>, vector<16xf32>,
      %add3A_115 = arith.addf %add3A_111, %get3A_114 : vector<16xf32>
      %get3A_116 = arith.index_cast %scan3A_27 : i32 to index
      %get3A_117 = arith.constant 288 : index
      %get3A_118 = tpu.vector_load %arg8[%get3A_116, %get3A_117] {strides = array<i32>} : memref<8x3328xf32, #tpu.memory_space<vmem>>, vector<16xf32>,
      %add3A_119 = arith.addf %add3A_115, %get3A_118 : vector<16xf32>
      %get3A_120 = arith.index_cast %scan3A_27 : i32 to index
      %get3A_121 = arith.constant 304 : index
      %get3A_122 = tpu.vector_load %arg8[%get3A_120, %get3A_121] {strides = array<i32>} : memref<8x3328xf32, #tpu.memory_space<vmem>>, vector<16xf32>,
      %add3A_123 = arith.addf %add3A_119, %get3A_122 : vector<16xf32>
      %get3A_124 = arith.index_cast %scan3A_27 : i32 to index
      %get3A_125 = arith.constant 320 : index
      %get3A_126 = tpu.vector_load %arg8[%get3A_124, %get3A_125] {strides = array<i32>} : memref<8x3328xf32, #tpu.memory_space<vmem>>, vector<16xf32>,
      %add3A_127 = arith.addf %add3A_123, %get3A_126 : vector<16xf32>
      %get3A_128 = arith.index_cast %scan3A_27 : i32 to index
      %get3A_129 = arith.constant 336 : index
      %get3A_130 = tpu.vector_load %arg8[%get3A_128, %get3A_129] {strides = array<i32>} : memref<8x3328xf32, #tpu.memory_space<vmem>>, vector<16xf32>,
      %add3A_131 = arith.addf %add3A_127, %get3A_130 : vector<16xf32>
      %get3A_132 = arith.index_cast %scan3A_27 : i32 to index
      %get3A_133 = arith.constant 352 : index
      %get3A_134 = tpu.vector_load %arg8[%get3A_132, %get3A_133] {strides = array<i32>} : memref<8x3328xf32, #tpu.memory_space<vmem>>, vector<16xf32>,
      %add3A_135 = arith.addf %add3A_131, %get3A_134 : vector<16xf32>
      %get3A_136 = arith.index_cast %scan3A_27 : i32 to index
      %get3A_137 = arith.constant 368 : index
      %get3A_138 = tpu.vector_load %arg8[%get3A_136, %get3A_137] {strides = array<i32>} : memref<8x3328xf32, #tpu.memory_space<vmem>>, vector<16xf32>,
      %add3A_139 = arith.addf %add3A_135, %get3A_138 : vector<16xf32>
      %get3A_140 = arith.index_cast %scan3A_27 : i32 to index
      %get3A_141 = arith.constant 384 : index
      %get3A_142 = tpu.vector_load %arg8[%get3A_140, %get3A_141] {strides = array<i32>} : memref<8x3328xf32, #tpu.memory_space<vmem>>, vector<16xf32>,
      %add3A_143 = arith.addf %add3A_139, %get3A_142 : vector<16xf32>
      %get3A_144 = arith.index_cast %scan3A_27 : i32 to index
      %get3A_145 = arith.constant 400 : index
      %get3A_146 = tpu.vector_load %arg8[%get3A_144, %get3A_145] {strides = array<i32>} : memref<8x3328xf32, #tpu.memory_space<vmem>>, vector<16xf32>,
      %add3A_147 = arith.addf %add3A_143, %get3A_146 : vector<16xf32>
      %eq3A_148 = arith.constant 1 : i32
      %eq3A_149 = vector.broadcast %eq3A_148 : i32 to vector<16xi32>
      %eq3A_150 = arith.cmpi eq, %iota3A, %eq3A_149 : vector<16xi32>
      %reduce_sum3A_151 = arith.constant true
      %reduce_sum3A_152 = vector.broadcast %reduce_sum3A_151 : i1 to vector<16xi1>
      %reduce_sum3A_153 = tpu.scan <sum>, %add3A_147 masked %reduce_sum3A_152 : vector<16xf32>, vector<16xi1> -> vector<16xf32>
      %reduce_sum3A_154 = vector.extract %reduce_sum3A_153[15] : f32 from vector<16xf32>
      %broadcast_in_dim3A_155 = vector.broadcast %reduce_sum3A_154 : f32 to vector<16xf32>
      %select_n3A_156 = arith.select %eq3A_150, %broadcast_in_dim3A_155, %select_n3A : vector<16xi1>, vector<16xf32>
      %get3A_157 = arith.index_cast %scan3A_27 : i32 to index
      %get3A_158 = arith.constant 416 : index
      %get3A_159 = tpu.vector_load %arg8[%get3A_157, %get3A_158] {strides = array<i32>} : memref<8x3328xf32, #tpu.memory_space<vmem>>, vector<16xf32>,
      %add3A_160 = arith.addf %broadcast_in_dim3A_5, %get3A_159 : vector<16xf32>
      %get3A_161 = arith.index_cast %scan3A_27 : i32 to index
      %get3A_162 = arith.constant 432 : index
      %get3A_163 = tpu.vector_load %arg8[%get3A_161, %get3A_162] {strides = array<i32>} : memref<8x3328xf32, #tpu.memory_space<vmem>>, vector<16xf32>,
      %add3A_164 = arith.addf %add3A_160, %get3A_163 : vector<16xf32>
      %get3A_165 = arith.index_cast %scan3A_27 : i32 to index
      %get3A_166 = arith.constant 448 : index
      %get3A_167 = tpu.vector_load %arg8[%get3A_165, %get3A_166] {strides = array<i32>} : memref<8x3328xf32, #tpu.memory_space<vmem>>, vector<16xf32>,
      %add3A_168 = arith.addf %add3A_164, %get3A_167 : vector<16xf32>
      %get3A_169 = arith.index_cast %scan3A_27 : i32 to index
      %get3A_170 = arith.constant 464 : index
      %get3A_171 = tpu.vector_load %arg8[%get3A_169, %get3A_170] {strides = array<i32>} : memref<8x3328xf32, #tpu.memory_space<vmem>>, vector<16xf32>,
      %add3A_172 = arith.addf %add3A_168, %get3A_171 : vector<16xf32>
      %get3A_173 = arith.index_cast %scan3A_27 : i32 to index
      %get3A_174 = arith.constant 480 : index
      %get3A_175 = tpu.vector_load %arg8[%get3A_173, %get3A_174] {strides = array<i32>} : memref<8x3328xf32, #tpu.memory_space<vmem>>, vector<16xf32>,
      %add3A_176 = arith.addf %add3A_172, %get3A_175 : vector<16xf32>
      %get3A_177 = arith.index_cast %scan3A_27 : i32 to index
      %get3A_178 = arith.constant 496 : index
      %get3A_179 = tpu.vector_load %arg8[%get3A_177, %get3A_178] {strides = array<i32>} : memref<8x3328xf32, #tpu.memory_space<vmem>>, vector<16xf32>,
      %add3A_180 = arith.addf %add3A_176, %get3A_179 : vector<16xf32>
      %get3A_181 = arith.index_cast %scan3A_27 : i32 to index
      %get3A_182 = arith.constant 512 : index
      %get3A_183 = tpu.vector_load %arg8[%get3A_181, %get3A_182] {strides = array<i32>} : memref<8x3328xf32, #tpu.memory_space<vmem>>, vector<16xf32>,
      %add3A_184 = arith.addf %add3A_180, %get3A_183 : vector<16xf32>
      %get3A_185 = arith.index_cast %scan3A_27 : i32 to index
      %get3A_186 = arith.constant 528 : index
      %get3A_187 = tpu.vector_load %arg8[%get3A_185, %get3A_186] {strides = array<i32>} : memref<8x3328xf32, #tpu.memory_space<vmem>>, vector<16xf32>,
      %add3A_188 = arith.addf %add3A_184, %get3A_187 : vector<16xf32>
      %get3A_189 = arith.index_cast %scan3A_27 : i32 to index
      %get3A_190 = arith.constant 544 : index
      %get3A_191 = tpu.vector_load %arg8[%get3A_189, %get3A_190] {strides = array<i32>} : memref<8x3328xf32, #tpu.memory_space<vmem>>, vector<16xf32>,
      %add3A_192 = arith.addf %add3A_188, %get3A_191 : vector<16xf32>
      %get3A_193 = arith.index_cast %scan3A_27 : i32 to index
      %get3A_194 = arith.constant 560 : index
      %get3A_195 = tpu.vector_load %arg8[%get3A_193, %get3A_194] {strides = array<i32>} : memref<8x3328xf32, #tpu.memory_space<vmem>>, vector<16xf32>,
      %add3A_196 = arith.addf %add3A_192, %get3A_195 : vector<16xf32>
      %get3A_197 = arith.index_cast %scan3A_27 : i32 to index
      %get3A_198 = arith.constant 576 : index
      %get3A_199 = tpu.vector_load %arg8[%get3A_197, %get3A_198] {strides = array<i32>} : memref<8x3328xf32, #tpu.memory_space<vmem>>, vector<16xf32>,
      %add3A_200 = arith.addf %add3A_196, %get3A_199 : vector<16xf32>
      %get3A_201 = arith.index_cast %scan3A_27 : i32 to index
      %get3A_202 = arith.constant 592 : index
      %get3A_203 = tpu.vector_load %arg8[%get3A_201, %get3A_202] {strides = array<i32>} : memref<8x3328xf32, #tpu.memory_space<vmem>>, vector<16xf32>,
      %add3A_204 = arith.addf %add3A_200, %get3A_203 : vector<16xf32>
      %get3A_205 = arith.index_cast %scan3A_27 : i32 to index
      %get3A_206 = arith.constant 608 : index
      %get3A_207 = tpu.vector_load %arg8[%get3A_205, %get3A_206] {strides = array<i32>} : memref<8x3328xf32, #tpu.memory_space<vmem>>, vector<16xf32>,
      %add3A_208 = arith.addf %add3A_204, %get3A_207 : vector<16xf32>
      %eq3A_209 = arith.constant 2 : i32
      %eq3A_210 = vector.broadcast %eq3A_209 : i32 to vector<16xi32>
      %eq3A_211 = arith.cmpi eq, %iota3A, %eq3A_210 : vector<16xi32>
      %reduce_sum3A_212 = arith.constant true
      %reduce_sum3A_213 = vector.broadcast %reduce_sum3A_212 : i1 to vector<16xi1>
      %reduce_sum3A_214 = tpu.scan <sum>, %add3A_208 masked %reduce_sum3A_213 : vector<16xf32>, vector<16xi1> -> vector<16xf32>
      %reduce_sum3A_215 = vector.extract %reduce_sum3A_214[15] : f32 from vector<16xf32>
      %broadcast_in_dim3A_216 = vector.broadcast %reduce_sum3A_215 : f32 to vector<16xf32>
      %select_n3A_217 = arith.select %eq3A_211, %broadcast_in_dim3A_216, %select_n3A_156 : vector<16xi1>, vector<16xf32>
      %get3A_218 = arith.index_cast %scan3A_27 : i32 to index
      %get3A_219 = arith.constant 624 : index
      %get3A_220 = tpu.vector_load %arg8[%get3A_218, %get3A_219] {strides = array<i32>} : memref<8x3328xf32, #tpu.memory_space<vmem>>, vector<16xf32>,
      %add3A_221 = arith.addf %broadcast_in_dim3A_5, %get3A_220 : vector<16xf32>
      %get3A_222 = arith.index_cast %scan3A_27 : i32 to index
      %get3A_223 = arith.constant 640 : index
      %get3A_224 = tpu.vector_load %arg8[%get3A_222, %get3A_223] {strides = array<i32>} : memref<8x3328xf32, #tpu.memory_space<vmem>>, vector<16xf32>,
      %add3A_225 = arith.addf %add3A_221, %get3A_224 : vector<16xf32>
      %get3A_226 = arith.index_cast %scan3A_27 : i32 to index
      %get3A_227 = arith.constant 656 : index
      %get3A_228 = tpu.vector_load %arg8[%get3A_226, %get3A_227] {strides = array<i32>} : memref<8x3328xf32, #tpu.memory_space<vmem>>, vector<16xf32>,
      %add3A_229 = arith.addf %add3A_225, %get3A_228 : vector<16xf32>
      %get3A_230 = arith.index_cast %scan3A_27 : i32 to index
      %get3A_231 = arith.constant 672 : index
      %get3A_232 = tpu.vector_load %arg8[%get3A_230, %get3A_231] {strides = array<i32>} : memref<8x3328xf32, #tpu.memory_space<vmem>>, vector<16xf32>,
      %add3A_233 = arith.addf %add3A_229, %get3A_232 : vector<16xf32>
      %get3A_234 = arith.index_cast %scan3A_27 : i32 to index
      %get3A_235 = arith.constant 688 : index
      %get3A_236 = tpu.vector_load %arg8[%get3A_234, %get3A_235] {strides = array<i32>} : memref<8x3328xf32, #tpu.memory_space<vmem>>, vector<16xf32>,
      %add3A_237 = arith.addf %add3A_233, %get3A_236 : vector<16xf32>
      %get3A_238 = arith.index_cast %scan3A_27 : i32 to index
      %get3A_239 = arith.constant 704 : index
      %get3A_240 = tpu.vector_load %arg8[%get3A_238, %get3A_239] {strides = array<i32>} : memref<8x3328xf32, #tpu.memory_space<vmem>>, vector<16xf32>,
      %add3A_241 = arith.addf %add3A_237, %get3A_240 : vector<16xf32>
      %get3A_242 = arith.index_cast %scan3A_27 : i32 to index
      %get3A_243 = arith.constant 720 : index
      %get3A_244 = tpu.vector_load %arg8[%get3A_242, %get3A_243] {strides = array<i32>} : memref<8x3328xf32, #tpu.memory_space<vmem>>, vector<16xf32>,
      %add3A_245 = arith.addf %add3A_241, %get3A_244 : vector<16xf32>
      %get3A_246 = arith.index_cast %scan3A_27 : i32 to index
      %get3A_247 = arith.constant 736 : index
      %get3A_248 = tpu.vector_load %arg8[%get3A_246, %get3A_247] {strides = array<i32>} : memref<8x3328xf32, #tpu.memory_space<vmem>>, vector<16xf32>,
      %add3A_249 = arith.addf %add3A_245, %get3A_248 : vector<16xf32>
      %get3A_250 = arith.index_cast %scan3A_27 : i32 to index
      %get3A_251 = arith.constant 752 : index
      %get3A_252 = tpu.vector_load %arg8[%get3A_250, %get3A_251] {strides = array<i32>} : memref<8x3328xf32, #tpu.memory_space<vmem>>, vector<16xf32>,
      %add3A_253 = arith.addf %add3A_249, %get3A_252 : vector<16xf32>
      %get3A_254 = arith.index_cast %scan3A_27 : i32 to index
      %get3A_255 = arith.constant 768 : index
      %get3A_256 = tpu.vector_load %arg8[%get3A_254, %get3A_255] {strides = array<i32>} : memref<8x3328xf32, #tpu.memory_space<vmem>>, vector<16xf32>,
      %add3A_257 = arith.addf %add3A_253, %get3A_256 : vector<16xf32>
      %get3A_258 = arith.index_cast %scan3A_27 : i32 to index
      %get3A_259 = arith.constant 784 : index
      %get3A_260 = tpu.vector_load %arg8[%get3A_258, %get3A_259] {strides = array<i32>} : memref<8x3328xf32, #tpu.memory_space<vmem>>, vector<16xf32>,
      %add3A_261 = arith.addf %add3A_257, %get3A_260 : vector<16xf32>
      %get3A_262 = arith.index_cast %scan3A_27 : i32 to index
      %get3A_263 = arith.constant 800 : index
      %get3A_264 = tpu.vector_load %arg8[%get3A_262, %get3A_263] {strides = array<i32>} : memref<8x3328xf32, #tpu.memory_space<vmem>>, vector<16xf32>,
      %add3A_265 = arith.addf %add3A_261, %get3A_264 : vector<16xf32>
      %get3A_266 = arith.index_cast %scan3A_27 : i32 to index
      %get3A_267 = arith.constant 816 : index
      %get3A_268 = tpu.vector_load %arg8[%get3A_266, %get3A_267] {strides = array<i32>} : memref<8x3328xf32, #tpu.memory_space<vmem>>, vector<16xf32>,
      %add3A_269 = arith.addf %add3A_265, %get3A_268 : vector<16xf32>
      %eq3A_270 = arith.constant 3 : i32
      %eq3A_271 = vector.broadcast %eq3A_270 : i32 to vector<16xi32>
      %eq3A_272 = arith.cmpi eq, %iota3A, %eq3A_271 : vector<16xi32>
      %reduce_sum3A_273 = arith.constant true
      %reduce_sum3A_274 = vector.broadcast %reduce_sum3A_273 : i1 to vector<16xi1>
      %reduce_sum3A_275 = tpu.scan <sum>, %add3A_269 masked %reduce_sum3A_274 : vector<16xf32>, vector<16xi1> -> vector<16xf32>
      %reduce_sum3A_276 = vector.extract %reduce_sum3A_275[15] : f32 from vector<16xf32>
      %broadcast_in_dim3A_277 = vector.broadcast %reduce_sum3A_276 : f32 to vector<16xf32>
      %select_n3A_278 = arith.select %eq3A_272, %broadcast_in_dim3A_277, %select_n3A_217 : vector<16xi1>, vector<16xf32>
      %get3A_279 = arith.index_cast %scan3A_27 : i32 to index
      %get3A_280 = arith.constant 832 : index
      %get3A_281 = tpu.vector_load %arg8[%get3A_279, %get3A_280] {strides = array<i32>} : memref<8x3328xf32, #tpu.memory_space<vmem>>, vector<16xf32>,
      %add3A_282 = arith.addf %broadcast_in_dim3A_5, %get3A_281 : vector<16xf32>
      %get3A_283 = arith.index_cast %scan3A_27 : i32 to index
      %get3A_284 = arith.constant 848 : index
      %get3A_285 = tpu.vector_load %arg8[%get3A_283, %get3A_284] {strides = array<i32>} : memref<8x3328xf32, #tpu.memory_space<vmem>>, vector<16xf32>,
      %add3A_286 = arith.addf %add3A_282, %get3A_285 : vector<16xf32>
      %get3A_287 = arith.index_cast %scan3A_27 : i32 to index
      %get3A_288 = arith.constant 864 : index
      %get3A_289 = tpu.vector_load %arg8[%get3A_287, %get3A_288] {strides = array<i32>} : memref<8x3328xf32, #tpu.memory_space<vmem>>, vector<16xf32>,
      %add3A_290 = arith.addf %add3A_286, %get3A_289 : vector<16xf32>
      %get3A_291 = arith.index_cast %scan3A_27 : i32 to index
      %get3A_292 = arith.constant 880 : index
      %get3A_293 = tpu.vector_load %arg8[%get3A_291, %get3A_292] {strides = array<i32>} : memref<8x3328xf32, #tpu.memory_space<vmem>>, vector<16xf32>,
      %add3A_294 = arith.addf %add3A_290, %get3A_293 : vector<16xf32>
      %get3A_295 = arith.index_cast %scan3A_27 : i32 to index
      %get3A_296 = arith.constant 896 : index
      %get3A_297 = tpu.vector_load %arg8[%get3A_295, %get3A_296] {strides = array<i32>} : memref<8x3328xf32, #tpu.memory_space<vmem>>, vector<16xf32>,
      %add3A_298 = arith.addf %add3A_294, %get3A_297 : vector<16xf32>
      %get3A_299 = arith.index_cast %scan3A_27 : i32 to index
      %get3A_300 = arith.constant 912 : index
      %get3A_301 = tpu.vector_load %arg8[%get3A_299, %get3A_300] {strides = array<i32>} : memref<8x3328xf32, #tpu.memory_space<vmem>>, vector<16xf32>,
      %add3A_302 = arith.addf %add3A_298, %get3A_301 : vector<16xf32>
      %get3A_303 = arith.index_cast %scan3A_27 : i32 to index
      %get3A_304 = arith.constant 928 : index
      %get3A_305 = tpu.vector_load %arg8[%get3A_303, %get3A_304] {strides = array<i32>} : memref<8x3328xf32, #tpu.memory_space<vmem>>, vector<16xf32>,
      %add3A_306 = arith.addf %add3A_302, %get3A_305 : vector<16xf32>
      %get3A_307 = arith.index_cast %scan3A_27 : i32 to index
      %get3A_308 = arith.constant 944 : index
      %get3A_309 = tpu.vector_load %arg8[%get3A_307, %get3A_308] {strides = array<i32>} : memref<8x3328xf32, #tpu.memory_space<vmem>>, vector<16xf32>,
      %add3A_310 = arith.addf %add3A_306, %get3A_309 : vector<16xf32>
      %get3A_311 = arith.index_cast %scan3A_27 : i32 to index
      %get3A_312 = arith.constant 960 : index
      %get3A_313 = tpu.vector_load %arg8[%get3A_311, %get3A_312] {strides = array<i32>} : memref<8x3328xf32, #tpu.memory_space<vmem>>, vector<16xf32>,
      %add3A_314 = arith.addf %add3A_310, %get3A_313 : vector<16xf32>
      %get3A_315 = arith.index_cast %scan3A_27 : i32 to index
      %get3A_316 = arith.constant 976 : index
      %get3A_317 = tpu.vector_load %arg8[%get3A_315, %get3A_316] {strides = array<i32>} : memref<8x3328xf32, #tpu.memory_space<vmem>>, vector<16xf32>,
      %add3A_318 = arith.addf %add3A_314, %get3A_317 : vector<16xf32>
      %get3A_319 = arith.index_cast %scan3A_27 : i32 to index
      %get3A_320 = arith.constant 992 : index
      %get3A_321 = tpu.vector_load %arg8[%get3A_319, %get3A_320] {strides = array<i32>} : memref<8x3328xf32, #tpu.memory_space<vmem>>, vector<16xf32>,
      %add3A_322 = arith.addf %add3A_318, %get3A_321 : vector<16xf32>
      %get3A_323 = arith.index_cast %scan3A_27 : i32 to index
      %get3A_324 = arith.constant 1008 : index
      %get3A_325 = tpu.vector_load %arg8[%get3A_323, %get3A_324] {strides = array<i32>} : memref<8x3328xf32, #tpu.memory_space<vmem>>, vector<16xf32>,
      %add3A_326 = arith.addf %add3A_322, %get3A_325 : vector<16xf32>
      %get3A_327 = arith.index_cast %scan3A_27 : i32 to index
      %get3A_328 = arith.constant 1024 : index
      %get3A_329 = tpu.vector_load %arg8[%get3A_327, %get3A_328] {strides = array<i32>} : memref<8x3328xf32, #tpu.memory_space<vmem>>, vector<16xf32>,
      %add3A_330 = arith.addf %add3A_326, %get3A_329 : vector<16xf32>
      %eq3A_331 = arith.constant 4 : i32
      %eq3A_332 = vector.broadcast %eq3A_331 : i32 to vector<16xi32>
      %eq3A_333 = arith.cmpi eq, %iota3A, %eq3A_332 : vector<16xi32>
      %reduce_sum3A_334 = arith.constant true
      %reduce_sum3A_335 = vector.broadcast %reduce_sum3A_334 : i1 to vector<16xi1>
      %reduce_sum3A_336 = tpu.scan <sum>, %add3A_330 masked %reduce_sum3A_335 : vector<16xf32>, vector<16xi1> -> vector<16xf32>
      %reduce_sum3A_337 = vector.extract %reduce_sum3A_336[15] : f32 from vector<16xf32>
      %broadcast_in_dim3A_338 = vector.broadcast %reduce_sum3A_337 : f32 to vector<16xf32>
      %select_n3A_339 = arith.select %eq3A_333, %broadcast_in_dim3A_338, %select_n3A_278 : vector<16xi1>, vector<16xf32>
      %get3A_340 = arith.index_cast %scan3A_27 : i32 to index
      %get3A_341 = arith.constant 1040 : index
      %get3A_342 = tpu.vector_load %arg8[%get3A_340, %get3A_341] {strides = array<i32>} : memref<8x3328xf32, #tpu.memory_space<vmem>>, vector<16xf32>,
      %add3A_343 = arith.addf %broadcast_in_dim3A_5, %get3A_342 : vector<16xf32>
      %get3A_344 = arith.index_cast %scan3A_27 : i32 to index
      %get3A_345 = arith.constant 1056 : index
      %get3A_346 = tpu.vector_load %arg8[%get3A_344, %get3A_345] {strides = array<i32>} : memref<8x3328xf32, #tpu.memory_space<vmem>>, vector<16xf32>,
      %add3A_347 = arith.addf %add3A_343, %get3A_346 : vector<16xf32>
      %get3A_348 = arith.index_cast %scan3A_27 : i32 to index
      %get3A_349 = arith.constant 1072 : index
      %get3A_350 = tpu.vector_load %arg8[%get3A_348, %get3A_349] {strides = array<i32>} : memref<8x3328xf32, #tpu.memory_space<vmem>>, vector<16xf32>,
      %add3A_351 = arith.addf %add3A_347, %get3A_350 : vector<16xf32>
      %get3A_352 = arith.index_cast %scan3A_27 : i32 to index
      %get3A_353 = arith.constant 1088 : index
      %get3A_354 = tpu.vector_load %arg8[%get3A_352, %get3A_353] {strides = array<i32>} : memref<8x3328xf32, #tpu.memory_space<vmem>>, vector<16xf32>,
      %add3A_355 = arith.addf %add3A_351, %get3A_354 : vector<16xf32>
      %get3A_356 = arith.index_cast %scan3A_27 : i32 to index
      %get3A_357 = arith.constant 1104 : index
      %get3A_358 = tpu.vector_load %arg8[%get3A_356, %get3A_357] {strides = array<i32>} : memref<8x3328xf32, #tpu.memory_space<vmem>>, vector<16xf32>,
      %add3A_359 = arith.addf %add3A_355, %get3A_358 : vector<16xf32>
      %get3A_360 = arith.index_cast %scan3A_27 : i32 to index
      %get3A_361 = arith.constant 1120 : index
      %get3A_362 = tpu.vector_load %arg8[%get3A_360, %get3A_361] {strides = array<i32>} : memref<8x3328xf32, #tpu.memory_space<vmem>>, vector<16xf32>,
      %add3A_363 = arith.addf %add3A_359, %get3A_362 : vector<16xf32>
      %get3A_364 = arith.index_cast %scan3A_27 : i32 to index
      %get3A_365 = arith.constant 1136 : index
      %get3A_366 = tpu.vector_load %arg8[%get3A_364, %get3A_365] {strides = array<i32>} : memref<8x3328xf32, #tpu.memory_space<vmem>>, vector<16xf32>,
      %add3A_367 = arith.addf %add3A_363, %get3A_366 : vector<16xf32>
      %get3A_368 = arith.index_cast %scan3A_27 : i32 to index
      %get3A_369 = arith.constant 1152 : index
      %get3A_370 = tpu.vector_load %arg8[%get3A_368, %get3A_369] {strides = array<i32>} : memref<8x3328xf32, #tpu.memory_space<vmem>>, vector<16xf32>,
      %add3A_371 = arith.addf %add3A_367, %get3A_370 : vector<16xf32>
      %get3A_372 = arith.index_cast %scan3A_27 : i32 to index
      %get3A_373 = arith.constant 1168 : index
      %get3A_374 = tpu.vector_load %arg8[%get3A_372, %get3A_373] {strides = array<i32>} : memref<8x3328xf32, #tpu.memory_space<vmem>>, vector<16xf32>,
      %add3A_375 = arith.addf %add3A_371, %get3A_374 : vector<16xf32>
      %get3A_376 = arith.index_cast %scan3A_27 : i32 to index
      %get3A_377 = arith.constant 1184 : index
      %get3A_378 = tpu.vector_load %arg8[%get3A_376, %get3A_377] {strides = array<i32>} : memref<8x3328xf32, #tpu.memory_space<vmem>>, vector<16xf32>,
      %add3A_379 = arith.addf %add3A_375, %get3A_378 : vector<16xf32>
      %get3A_380 = arith.index_cast %scan3A_27 : i32 to index
      %get3A_381 = arith.constant 1200 : index
      %get3A_382 = tpu.vector_load %arg8[%get3A_380, %get3A_381] {strides = array<i32>} : memref<8x3328xf32, #tpu.memory_space<vmem>>, vector<16xf32>,
      %add3A_383 = arith.addf %add3A_379, %get3A_382 : vector<16xf32>
      %get3A_384 = arith.index_cast %scan3A_27 : i32 to index
      %get3A_385 = arith.constant 1216 : index
      %get3A_386 = tpu.vector_load %arg8[%get3A_384, %get3A_385] {strides = array<i32>} : memref<8x3328xf32, #tpu.memory_space<vmem>>, vector<16xf32>,
      %add3A_387 = arith.addf %add3A_383, %get3A_386 : vector<16xf32>
      %get3A_388 = arith.index_cast %scan3A_27 : i32 to index
      %get3A_389 = arith.constant 1232 : index
      %get3A_390 = tpu.vector_load %arg8[%get3A_388, %get3A_389] {strides = array<i32>} : memref<8x3328xf32, #tpu.memory_space<vmem>>, vector<16xf32>,
      %add3A_391 = arith.addf %add3A_387, %get3A_390 : vector<16xf32>
      %eq3A_392 = arith.constant 5 : i32
      %eq3A_393 = vector.broadcast %eq3A_392 : i32 to vector<16xi32>
      %eq3A_394 = arith.cmpi eq, %iota3A, %eq3A_393 : vector<16xi32>
      %reduce_sum3A_395 = arith.constant true
      %reduce_sum3A_396 = vector.broadcast %reduce_sum3A_395 : i1 to vector<16xi1>
      %reduce_sum3A_397 = tpu.scan <sum>, %add3A_391 masked %reduce_sum3A_396 : vector<16xf32>, vector<16xi1> -> vector<16xf32>
      %reduce_sum3A_398 = vector.extract %reduce_sum3A_397[15] : f32 from vector<16xf32>
      %broadcast_in_dim3A_399 = vector.broadcast %reduce_sum3A_398 : f32 to vector<16xf32>
      %select_n3A_400 = arith.select %eq3A_394, %broadcast_in_dim3A_399, %select_n3A_339 : vector<16xi1>, vector<16xf32>
      %get3A_401 = arith.index_cast %scan3A_27 : i32 to index
      %get3A_402 = arith.constant 1248 : index
      %get3A_403 = tpu.vector_load %arg8[%get3A_401, %get3A_402] {strides = array<i32>} : memref<8x3328xf32, #tpu.memory_space<vmem>>, vector<16xf32>,
      %add3A_404 = arith.addf %broadcast_in_dim3A_5, %get3A_403 : vector<16xf32>
      %get3A_405 = arith.index_cast %scan3A_27 : i32 to index
      %get3A_406 = arith.constant 1264 : index
      %get3A_407 = tpu.vector_load %arg8[%get3A_405, %get3A_406] {strides = array<i32>} : memref<8x3328xf32, #tpu.memory_space<vmem>>, vector<16xf32>,
      %add3A_408 = arith.addf %add3A_404, %get3A_407 : vector<16xf32>
      %get3A_409 = arith.index_cast %scan3A_27 : i32 to index
      %get3A_410 = arith.constant 1280 : index
      %get3A_411 = tpu.vector_load %arg8[%get3A_409, %get3A_410] {strides = array<i32>} : memref<8x3328xf32, #tpu.memory_space<vmem>>, vector<16xf32>,
      %add3A_412 = arith.addf %add3A_408, %get3A_411 : vector<16xf32>
      %get3A_413 = arith.index_cast %scan3A_27 : i32 to index
      %get3A_414 = arith.constant 1296 : index
      %get3A_415 = tpu.vector_load %arg8[%get3A_413, %get3A_414] {strides = array<i32>} : memref<8x3328xf32, #tpu.memory_space<vmem>>, vector<16xf32>,
      %add3A_416 = arith.addf %add3A_412, %get3A_415 : vector<16xf32>
      %get3A_417 = arith.index_cast %scan3A_27 : i32 to index
      %get3A_418 = arith.constant 1312 : index
      %get3A_419 = tpu.vector_load %arg8[%get3A_417, %get3A_418] {strides = array<i32>} : memref<8x3328xf32, #tpu.memory_space<vmem>>, vector<16xf32>,
      %add3A_420 = arith.addf %add3A_416, %get3A_419 : vector<16xf32>
      %get3A_421 = arith.index_cast %scan3A_27 : i32 to index
      %get3A_422 = arith.constant 1328 : index
      %get3A_423 = tpu.vector_load %arg8[%get3A_421, %get3A_422] {strides = array<i32>} : memref<8x3328xf32, #tpu.memory_space<vmem>>, vector<16xf32>,
      %add3A_424 = arith.addf %add3A_420, %get3A_423 : vector<16xf32>
      %get3A_425 = arith.index_cast %scan3A_27 : i32 to index
      %get3A_426 = arith.constant 1344 : index
      %get3A_427 = tpu.vector_load %arg8[%get3A_425, %get3A_426] {strides = array<i32>} : memref<8x3328xf32, #tpu.memory_space<vmem>>, vector<16xf32>,
      %add3A_428 = arith.addf %add3A_424, %get3A_427 : vector<16xf32>
      %get3A_429 = arith.index_cast %scan3A_27 : i32 to index
      %get3A_430 = arith.constant 1360 : index
      %get3A_431 = tpu.vector_load %arg8[%get3A_429, %get3A_430] {strides = array<i32>} : memref<8x3328xf32, #tpu.memory_space<vmem>>, vector<16xf32>,
      %add3A_432 = arith.addf %add3A_428, %get3A_431 : vector<16xf32>
      %get3A_433 = arith.index_cast %scan3A_27 : i32 to index
      %get3A_434 = arith.constant 1376 : index
      %get3A_435 = tpu.vector_load %arg8[%get3A_433, %get3A_434] {strides = array<i32>} : memref<8x3328xf32, #tpu.memory_space<vmem>>, vector<16xf32>,
      %add3A_436 = arith.addf %add3A_432, %get3A_435 : vector<16xf32>
      %get3A_437 = arith.index_cast %scan3A_27 : i32 to index
      %get3A_438 = arith.constant 1392 : index
      %get3A_439 = tpu.vector_load %arg8[%get3A_437, %get3A_438] {strides = array<i32>} : memref<8x3328xf32, #tpu.memory_space<vmem>>, vector<16xf32>,
      %add3A_440 = arith.addf %add3A_436, %get3A_439 : vector<16xf32>
      %get3A_441 = arith.index_cast %scan3A_27 : i32 to index
      %get3A_442 = arith.constant 1408 : index
      %get3A_443 = tpu.vector_load %arg8[%get3A_441, %get3A_442] {strides = array<i32>} : memref<8x3328xf32, #tpu.memory_space<vmem>>, vector<16xf32>,
      %add3A_444 = arith.addf %add3A_440, %get3A_443 : vector<16xf32>
      %get3A_445 = arith.index_cast %scan3A_27 : i32 to index
      %get3A_446 = arith.constant 1424 : index
      %get3A_447 = tpu.vector_load %arg8[%get3A_445, %get3A_446] {strides = array<i32>} : memref<8x3328xf32, #tpu.memory_space<vmem>>, vector<16xf32>,
      %add3A_448 = arith.addf %add3A_444, %get3A_447 : vector<16xf32>
      %get3A_449 = arith.index_cast %scan3A_27 : i32 to index
      %get3A_450 = arith.constant 1440 : index
      %get3A_451 = tpu.vector_load %arg8[%get3A_449, %get3A_450] {strides = array<i32>} : memref<8x3328xf32, #tpu.memory_space<vmem>>, vector<16xf32>,
      %add3A_452 = arith.addf %add3A_448, %get3A_451 : vector<16xf32>
      %eq3A_453 = arith.constant 6 : i32
      %eq3A_454 = vector.broadcast %eq3A_453 : i32 to vector<16xi32>
      %eq3A_455 = arith.cmpi eq, %iota3A, %eq3A_454 : vector<16xi32>
      %reduce_sum3A_456 = arith.constant true
      %reduce_sum3A_457 = vector.broadcast %reduce_sum3A_456 : i1 to vector<16xi1>
      %reduce_sum3A_458 = tpu.scan <sum>, %add3A_452 masked %reduce_sum3A_457 : vector<16xf32>, vector<16xi1> -> vector<16xf32>
      %reduce_sum3A_459 = vector.extract %reduce_sum3A_458[15] : f32 from vector<16xf32>
      %broadcast_in_dim3A_460 = vector.broadcast %reduce_sum3A_459 : f32 to vector<16xf32>
      %select_n3A_461 = arith.select %eq3A_455, %broadcast_in_dim3A_460, %select_n3A_400 : vector<16xi1>, vector<16xf32>
      %get3A_462 = arith.index_cast %scan3A_27 : i32 to index
      %get3A_463 = arith.constant 1456 : index
      %get3A_464 = tpu.vector_load %arg8[%get3A_462, %get3A_463] {strides = array<i32>} : memref<8x3328xf32, #tpu.memory_space<vmem>>, vector<16xf32>,
      %add3A_465 = arith.addf %broadcast_in_dim3A_5, %get3A_464 : vector<16xf32>
      %get3A_466 = arith.index_cast %scan3A_27 : i32 to index
      %get3A_467 = arith.constant 1472 : index
      %get3A_468 = tpu.vector_load %arg8[%get3A_466, %get3A_467] {strides = array<i32>} : memref<8x3328xf32, #tpu.memory_space<vmem>>, vector<16xf32>,
      %add3A_469 = arith.addf %add3A_465, %get3A_468 : vector<16xf32>
      %get3A_470 = arith.index_cast %scan3A_27 : i32 to index
      %get3A_471 = arith.constant 1488 : index
      %get3A_472 = tpu.vector_load %arg8[%get3A_470, %get3A_471] {strides = array<i32>} : memref<8x3328xf32, #tpu.memory_space<vmem>>, vector<16xf32>,
      %add3A_473 = arith.addf %add3A_469, %get3A_472 : vector<16xf32>
      %get3A_474 = arith.index_cast %scan3A_27 : i32 to index
      %get3A_475 = arith.constant 1504 : index
      %get3A_476 = tpu.vector_load %arg8[%get3A_474, %get3A_475] {strides = array<i32>} : memref<8x3328xf32, #tpu.memory_space<vmem>>, vector<16xf32>,
      %add3A_477 = arith.addf %add3A_473, %get3A_476 : vector<16xf32>
      %get3A_478 = arith.index_cast %scan3A_27 : i32 to index
      %get3A_479 = arith.constant 1520 : index
      %get3A_480 = tpu.vector_load %arg8[%get3A_478, %get3A_479] {strides = array<i32>} : memref<8x3328xf32, #tpu.memory_space<vmem>>, vector<16xf32>,
      %add3A_481 = arith.addf %add3A_477, %get3A_480 : vector<16xf32>
      %get3A_482 = arith.index_cast %scan3A_27 : i32 to index
      %get3A_483 = arith.constant 1536 : index
      %get3A_484 = tpu.vector_load %arg8[%get3A_482, %get3A_483] {strides = array<i32>} : memref<8x3328xf32, #tpu.memory_space<vmem>>, vector<16xf32>,
      %add3A_485 = arith.addf %add3A_481, %get3A_484 : vector<16xf32>
      %get3A_486 = arith.index_cast %scan3A_27 : i32 to index
      %get3A_487 = arith.constant 1552 : index
      %get3A_488 = tpu.vector_load %arg8[%get3A_486, %get3A_487] {strides = array<i32>} : memref<8x3328xf32, #tpu.memory_space<vmem>>, vector<16xf32>,
      %add3A_489 = arith.addf %add3A_485, %get3A_488 : vector<16xf32>
      %get3A_490 = arith.index_cast %scan3A_27 : i32 to index
      %get3A_491 = arith.constant 1568 : index
      %get3A_492 = tpu.vector_load %arg8[%get3A_490, %get3A_491] {strides = array<i32>} : memref<8x3328xf32, #tpu.memory_space<vmem>>, vector<16xf32>,
      %add3A_493 = arith.addf %add3A_489, %get3A_492 : vector<16xf32>
      %get3A_494 = arith.index_cast %scan3A_27 : i32 to index
      %get3A_495 = arith.constant 1584 : index
      %get3A_496 = tpu.vector_load %arg8[%get3A_494, %get3A_495] {strides = array<i32>} : memref<8x3328xf32, #tpu.memory_space<vmem>>, vector<16xf32>,
      %add3A_497 = arith.addf %add3A_493, %get3A_496 : vector<16xf32>
      %get3A_498 = arith.index_cast %scan3A_27 : i32 to index
      %get3A_499 = arith.constant 1600 : index
      %get3A_500 = tpu.vector_load %arg8[%get3A_498, %get3A_499] {strides = array<i32>} : memref<8x3328xf32, #tpu.memory_space<vmem>>, vector<16xf32>,
      %add3A_501 = arith.addf %add3A_497, %get3A_500 : vector<16xf32>
      %get3A_502 = arith.index_cast %scan3A_27 : i32 to index
      %get3A_503 = arith.constant 1616 : index
      %get3A_504 = tpu.vector_load %arg8[%get3A_502, %get3A_503] {strides = array<i32>} : memref<8x3328xf32, #tpu.memory_space<vmem>>, vector<16xf32>,
      %add3A_505 = arith.addf %add3A_501, %get3A_504 : vector<16xf32>
      %get3A_506 = arith.index_cast %scan3A_27 : i32 to index
      %get3A_507 = arith.constant 1632 : index
      %get3A_508 = tpu.vector_load %arg8[%get3A_506, %get3A_507] {strides = array<i32>} : memref<8x3328xf32, #tpu.memory_space<vmem>>, vector<16xf32>,
      %add3A_509 = arith.addf %add3A_505, %get3A_508 : vector<16xf32>
      %get3A_510 = arith.index_cast %scan3A_27 : i32 to index
      %get3A_511 = arith.constant 1648 : index
      %get3A_512 = tpu.vector_load %arg8[%get3A_510, %get3A_511] {strides = array<i32>} : memref<8x3328xf32, #tpu.memory_space<vmem>>, vector<16xf32>,
      %add3A_513 = arith.addf %add3A_509, %get3A_512 : vector<16xf32>
      %eq3A_514 = arith.constant 7 : i32
      %eq3A_515 = vector.broadcast %eq3A_514 : i32 to vector<16xi32>
      %eq3A_516 = arith.cmpi eq, %iota3A, %eq3A_515 : vector<16xi32>
      %reduce_sum3A_517 = arith.constant true
      %reduce_sum3A_518 = vector.broadcast %reduce_sum3A_517 : i1 to vector<16xi1>
      %reduce_sum3A_519 = tpu.scan <sum>, %add3A_513 masked %reduce_sum3A_518 : vector<16xf32>, vector<16xi1> -> vector<16xf32>
      %reduce_sum3A_520 = vector.extract %reduce_sum3A_519[15] : f32 from vector<16xf32>
      %broadcast_in_dim3A_521 = vector.broadcast %reduce_sum3A_520 : f32 to vector<16xf32>
      %select_n3A_522 = arith.select %eq3A_516, %broadcast_in_dim3A_521, %select_n3A_461 : vector<16xi1>, vector<16xf32>
      %get3A_523 = arith.index_cast %scan3A_27 : i32 to index
      %get3A_524 = arith.constant 1664 : index
      %get3A_525 = tpu.vector_load %arg8[%get3A_523, %get3A_524] {strides = array<i32>} : memref<8x3328xf32, #tpu.memory_space<vmem>>, vector<16xf32>,
      %add3A_526 = arith.addf %broadcast_in_dim3A_5, %get3A_525 : vector<16xf32>
      %get3A_527 = arith.index_cast %scan3A_27 : i32 to index
      %get3A_528 = arith.constant 1680 : index
      %get3A_529 = tpu.vector_load %arg8[%get3A_527, %get3A_528] {strides = array<i32>} : memref<8x3328xf32, #tpu.memory_space<vmem>>, vector<16xf32>,
      %add3A_530 = arith.addf %add3A_526, %get3A_529 : vector<16xf32>
      %get3A_531 = arith.index_cast %scan3A_27 : i32 to index
      %get3A_532 = arith.constant 1696 : index
      %get3A_533 = tpu.vector_load %arg8[%get3A_531, %get3A_532] {strides = array<i32>} : memref<8x3328xf32, #tpu.memory_space<vmem>>, vector<16xf32>,
      %add3A_534 = arith.addf %add3A_530, %get3A_533 : vector<16xf32>
      %get3A_535 = arith.index_cast %scan3A_27 : i32 to index
      %get3A_536 = arith.constant 1712 : index
      %get3A_537 = tpu.vector_load %arg8[%get3A_535, %get3A_536] {strides = array<i32>} : memref<8x3328xf32, #tpu.memory_space<vmem>>, vector<16xf32>,
      %add3A_538 = arith.addf %add3A_534, %get3A_537 : vector<16xf32>
      %get3A_539 = arith.index_cast %scan3A_27 : i32 to index
      %get3A_540 = arith.constant 1728 : index
      %get3A_541 = tpu.vector_load %arg8[%get3A_539, %get3A_540] {strides = array<i32>} : memref<8x3328xf32, #tpu.memory_space<vmem>>, vector<16xf32>,
      %add3A_542 = arith.addf %add3A_538, %get3A_541 : vector<16xf32>
      %get3A_543 = arith.index_cast %scan3A_27 : i32 to index
      %get3A_544 = arith.constant 1744 : index
      %get3A_545 = tpu.vector_load %arg8[%get3A_543, %get3A_544] {strides = array<i32>} : memref<8x3328xf32, #tpu.memory_space<vmem>>, vector<16xf32>,
      %add3A_546 = arith.addf %add3A_542, %get3A_545 : vector<16xf32>
      %get3A_547 = arith.index_cast %scan3A_27 : i32 to index
      %get3A_548 = arith.constant 1760 : index
      %get3A_549 = tpu.vector_load %arg8[%get3A_547, %get3A_548] {strides = array<i32>} : memref<8x3328xf32, #tpu.memory_space<vmem>>, vector<16xf32>,
      %add3A_550 = arith.addf %add3A_546, %get3A_549 : vector<16xf32>
      %get3A_551 = arith.index_cast %scan3A_27 : i32 to index
      %get3A_552 = arith.constant 1776 : index
      %get3A_553 = tpu.vector_load %arg8[%get3A_551, %get3A_552] {strides = array<i32>} : memref<8x3328xf32, #tpu.memory_space<vmem>>, vector<16xf32>,
      %add3A_554 = arith.addf %add3A_550, %get3A_553 : vector<16xf32>
      %get3A_555 = arith.index_cast %scan3A_27 : i32 to index
      %get3A_556 = arith.constant 1792 : index
      %get3A_557 = tpu.vector_load %arg8[%get3A_555, %get3A_556] {strides = array<i32>} : memref<8x3328xf32, #tpu.memory_space<vmem>>, vector<16xf32>,
      %add3A_558 = arith.addf %add3A_554, %get3A_557 : vector<16xf32>
      %get3A_559 = arith.index_cast %scan3A_27 : i32 to index
      %get3A_560 = arith.constant 1808 : index
      %get3A_561 = tpu.vector_load %arg8[%get3A_559, %get3A_560] {strides = array<i32>} : memref<8x3328xf32, #tpu.memory_space<vmem>>, vector<16xf32>,
      %add3A_562 = arith.addf %add3A_558, %get3A_561 : vector<16xf32>
      %get3A_563 = arith.index_cast %scan3A_27 : i32 to index
      %get3A_564 = arith.constant 1824 : index
      %get3A_565 = tpu.vector_load %arg8[%get3A_563, %get3A_564] {strides = array<i32>} : memref<8x3328xf32, #tpu.memory_space<vmem>>, vector<16xf32>,
      %add3A_566 = arith.addf %add3A_562, %get3A_565 : vector<16xf32>
      %get3A_567 = arith.index_cast %scan3A_27 : i32 to index
      %get3A_568 = arith.constant 1840 : index
      %get3A_569 = tpu.vector_load %arg8[%get3A_567, %get3A_568] {strides = array<i32>} : memref<8x3328xf32, #tpu.memory_space<vmem>>, vector<16xf32>,
      %add3A_570 = arith.addf %add3A_566, %get3A_569 : vector<16xf32>
      %get3A_571 = arith.index_cast %scan3A_27 : i32 to index
      %get3A_572 = arith.constant 1856 : index
      %get3A_573 = tpu.vector_load %arg8[%get3A_571, %get3A_572] {strides = array<i32>} : memref<8x3328xf32, #tpu.memory_space<vmem>>, vector<16xf32>,
      %add3A_574 = arith.addf %add3A_570, %get3A_573 : vector<16xf32>
      %eq3A_575 = arith.constant 8 : i32
      %eq3A_576 = vector.broadcast %eq3A_575 : i32 to vector<16xi32>
      %eq3A_577 = arith.cmpi eq, %iota3A, %eq3A_576 : vector<16xi32>
      %reduce_sum3A_578 = arith.constant true
      %reduce_sum3A_579 = vector.broadcast %reduce_sum3A_578 : i1 to vector<16xi1>
      %reduce_sum3A_580 = tpu.scan <sum>, %add3A_574 masked %reduce_sum3A_579 : vector<16xf32>, vector<16xi1> -> vector<16xf32>
      %reduce_sum3A_581 = vector.extract %reduce_sum3A_580[15] : f32 from vector<16xf32>
      %broadcast_in_dim3A_582 = vector.broadcast %reduce_sum3A_581 : f32 to vector<16xf32>
      %select_n3A_583 = arith.select %eq3A_577, %broadcast_in_dim3A_582, %select_n3A_522 : vector<16xi1>, vector<16xf32>
      %get3A_584 = arith.index_cast %scan3A_27 : i32 to index
      %get3A_585 = arith.constant 1872 : index
      %get3A_586 = tpu.vector_load %arg8[%get3A_584, %get3A_585] {strides = array<i32>} : memref<8x3328xf32, #tpu.memory_space<vmem>>, vector<16xf32>,
      %add3A_587 = arith.addf %broadcast_in_dim3A_5, %get3A_586 : vector<16xf32>
      %get3A_588 = arith.index_cast %scan3A_27 : i32 to index
      %get3A_589 = arith.constant 1888 : index
      %get3A_590 = tpu.vector_load %arg8[%get3A_588, %get3A_589] {strides = array<i32>} : memref<8x3328xf32, #tpu.memory_space<vmem>>, vector<16xf32>,
      %add3A_591 = arith.addf %add3A_587, %get3A_590 : vector<16xf32>
      %get3A_592 = arith.index_cast %scan3A_27 : i32 to index
      %get3A_593 = arith.constant 1904 : index
      %get3A_594 = tpu.vector_load %arg8[%get3A_592, %get3A_593] {strides = array<i32>} : memref<8x3328xf32, #tpu.memory_space<vmem>>, vector<16xf32>,
      %add3A_595 = arith.addf %add3A_591, %get3A_594 : vector<16xf32>
      %get3A_596 = arith.index_cast %scan3A_27 : i32 to index
      %get3A_597 = arith.constant 1920 : index
      %get3A_598 = tpu.vector_load %arg8[%get3A_596, %get3A_597] {strides = array<i32>} : memref<8x3328xf32, #tpu.memory_space<vmem>>, vector<16xf32>,
      %add3A_599 = arith.addf %add3A_595, %get3A_598 : vector<16xf32>
      %get3A_600 = arith.index_cast %scan3A_27 : i32 to index
      %get3A_601 = arith.constant 1936 : index
      %get3A_602 = tpu.vector_load %arg8[%get3A_600, %get3A_601] {strides = array<i32>} : memref<8x3328xf32, #tpu.memory_space<vmem>>, vector<16xf32>,
      %add3A_603 = arith.addf %add3A_599, %get3A_602 : vector<16xf32>
      %get3A_604 = arith.index_cast %scan3A_27 : i32 to index
      %get3A_605 = arith.constant 1952 : index
      %get3A_606 = tpu.vector_load %arg8[%get3A_604, %get3A_605] {strides = array<i32>} : memref<8x3328xf32, #tpu.memory_space<vmem>>, vector<16xf32>,
      %add3A_607 = arith.addf %add3A_603, %get3A_606 : vector<16xf32>
      %get3A_608 = arith.index_cast %scan3A_27 : i32 to index
      %get3A_609 = arith.constant 1968 : index
      %get3A_610 = tpu.vector_load %arg8[%get3A_608, %get3A_609] {strides = array<i32>} : memref<8x3328xf32, #tpu.memory_space<vmem>>, vector<16xf32>,
      %add3A_611 = arith.addf %add3A_607, %get3A_610 : vector<16xf32>
      %get3A_612 = arith.index_cast %scan3A_27 : i32 to index
      %get3A_613 = arith.constant 1984 : index
      %get3A_614 = tpu.vector_load %arg8[%get3A_612, %get3A_613] {strides = array<i32>} : memref<8x3328xf32, #tpu.memory_space<vmem>>, vector<16xf32>,
      %add3A_615 = arith.addf %add3A_611, %get3A_614 : vector<16xf32>
      %get3A_616 = arith.index_cast %scan3A_27 : i32 to index
      %get3A_617 = arith.constant 2000 : index
      %get3A_618 = tpu.vector_load %arg8[%get3A_616, %get3A_617] {strides = array<i32>} : memref<8x3328xf32, #tpu.memory_space<vmem>>, vector<16xf32>,
      %add3A_619 = arith.addf %add3A_615, %get3A_618 : vector<16xf32>
      %get3A_620 = arith.index_cast %scan3A_27 : i32 to index
      %get3A_621 = arith.constant 2016 : index
      %get3A_622 = tpu.vector_load %arg8[%get3A_620, %get3A_621] {strides = array<i32>} : memref<8x3328xf32, #tpu.memory_space<vmem>>, vector<16xf32>,
      %add3A_623 = arith.addf %add3A_619, %get3A_622 : vector<16xf32>
      %get3A_624 = arith.index_cast %scan3A_27 : i32 to index
      %get3A_625 = arith.constant 2032 : index
      %get3A_626 = tpu.vector_load %arg8[%get3A_624, %get3A_625] {strides = array<i32>} : memref<8x3328xf32, #tpu.memory_space<vmem>>, vector<16xf32>,
      %add3A_627 = arith.addf %add3A_623, %get3A_626 : vector<16xf32>
      %get3A_628 = arith.index_cast %scan3A_27 : i32 to index
      %get3A_629 = arith.constant 2048 : index
      %get3A_630 = tpu.vector_load %arg8[%get3A_628, %get3A_629] {strides = array<i32>} : memref<8x3328xf32, #tpu.memory_space<vmem>>, vector<16xf32>,
      %add3A_631 = arith.addf %add3A_627, %get3A_630 : vector<16xf32>
      %get3A_632 = arith.index_cast %scan3A_27 : i32 to index
      %get3A_633 = arith.constant 2064 : index
      %get3A_634 = tpu.vector_load %arg8[%get3A_632, %get3A_633] {strides = array<i32>} : memref<8x3328xf32, #tpu.memory_space<vmem>>, vector<16xf32>,
      %add3A_635 = arith.addf %add3A_631, %get3A_634 : vector<16xf32>
      %eq3A_636 = arith.constant 9 : i32
      %eq3A_637 = vector.broadcast %eq3A_636 : i32 to vector<16xi32>
      %eq3A_638 = arith.cmpi eq, %iota3A, %eq3A_637 : vector<16xi32>
      %reduce_sum3A_639 = arith.constant true
      %reduce_sum3A_640 = vector.broadcast %reduce_sum3A_639 : i1 to vector<16xi1>
      %reduce_sum3A_641 = tpu.scan <sum>, %add3A_635 masked %reduce_sum3A_640 : vector<16xf32>, vector<16xi1> -> vector<16xf32>
      %reduce_sum3A_642 = vector.extract %reduce_sum3A_641[15] : f32 from vector<16xf32>
      %broadcast_in_dim3A_643 = vector.broadcast %reduce_sum3A_642 : f32 to vector<16xf32>
      %select_n3A_644 = arith.select %eq3A_638, %broadcast_in_dim3A_643, %select_n3A_583 : vector<16xi1>, vector<16xf32>
      %get3A_645 = arith.index_cast %scan3A_27 : i32 to index
      %get3A_646 = arith.constant 2080 : index
      %get3A_647 = tpu.vector_load %arg8[%get3A_645, %get3A_646] {strides = array<i32>} : memref<8x3328xf32, #tpu.memory_space<vmem>>, vector<16xf32>,
      %add3A_648 = arith.addf %broadcast_in_dim3A_5, %get3A_647 : vector<16xf32>
      %get3A_649 = arith.index_cast %scan3A_27 : i32 to index
      %get3A_650 = arith.constant 2096 : index
      %get3A_651 = tpu.vector_load %arg8[%get3A_649, %get3A_650] {strides = array<i32>} : memref<8x3328xf32, #tpu.memory_space<vmem>>, vector<16xf32>,
      %add3A_652 = arith.addf %add3A_648, %get3A_651 : vector<16xf32>
      %get3A_653 = arith.index_cast %scan3A_27 : i32 to index
      %get3A_654 = arith.constant 2112 : index
      %get3A_655 = tpu.vector_load %arg8[%get3A_653, %get3A_654] {strides = array<i32>} : memref<8x3328xf32, #tpu.memory_space<vmem>>, vector<16xf32>,
      %add3A_656 = arith.addf %add3A_652, %get3A_655 : vector<16xf32>
      %get3A_657 = arith.index_cast %scan3A_27 : i32 to index
      %get3A_658 = arith.constant 2128 : index
      %get3A_659 = tpu.vector_load %arg8[%get3A_657, %get3A_658] {strides = array<i32>} : memref<8x3328xf32, #tpu.memory_space<vmem>>, vector<16xf32>,
      %add3A_660 = arith.addf %add3A_656, %get3A_659 : vector<16xf32>
      %get3A_661 = arith.index_cast %scan3A_27 : i32 to index
      %get3A_662 = arith.constant 2144 : index
      %get3A_663 = tpu.vector_load %arg8[%get3A_661, %get3A_662] {strides = array<i32>} : memref<8x3328xf32, #tpu.memory_space<vmem>>, vector<16xf32>,
      %add3A_664 = arith.addf %add3A_660, %get3A_663 : vector<16xf32>
      %get3A_665 = arith.index_cast %scan3A_27 : i32 to index
      %get3A_666 = arith.constant 2160 : index
      %get3A_667 = tpu.vector_load %arg8[%get3A_665, %get3A_666] {strides = array<i32>} : memref<8x3328xf32, #tpu.memory_space<vmem>>, vector<16xf32>,
      %add3A_668 = arith.addf %add3A_664, %get3A_667 : vector<16xf32>
      %get3A_669 = arith.index_cast %scan3A_27 : i32 to index
      %get3A_670 = arith.constant 2176 : index
      %get3A_671 = tpu.vector_load %arg8[%get3A_669, %get3A_670] {strides = array<i32>} : memref<8x3328xf32, #tpu.memory_space<vmem>>, vector<16xf32>,
      %add3A_672 = arith.addf %add3A_668, %get3A_671 : vector<16xf32>
      %get3A_673 = arith.index_cast %scan3A_27 : i32 to index
      %get3A_674 = arith.constant 2192 : index
      %get3A_675 = tpu.vector_load %arg8[%get3A_673, %get3A_674] {strides = array<i32>} : memref<8x3328xf32, #tpu.memory_space<vmem>>, vector<16xf32>,
      %add3A_676 = arith.addf %add3A_672, %get3A_675 : vector<16xf32>
      %get3A_677 = arith.index_cast %scan3A_27 : i32 to index
      %get3A_678 = arith.constant 2208 : index
      %get3A_679 = tpu.vector_load %arg8[%get3A_677, %get3A_678] {strides = array<i32>} : memref<8x3328xf32, #tpu.memory_space<vmem>>, vector<16xf32>,
      %add3A_680 = arith.addf %add3A_676, %get3A_679 : vector<16xf32>
      %get3A_681 = arith.index_cast %scan3A_27 : i32 to index
      %get3A_682 = arith.constant 2224 : index
      %get3A_683 = tpu.vector_load %arg8[%get3A_681, %get3A_682] {strides = array<i32>} : memref<8x3328xf32, #tpu.memory_space<vmem>>, vector<16xf32>,
      %add3A_684 = arith.addf %add3A_680, %get3A_683 : vector<16xf32>
      %get3A_685 = arith.index_cast %scan3A_27 : i32 to index
      %get3A_686 = arith.constant 2240 : index
      %get3A_687 = tpu.vector_load %arg8[%get3A_685, %get3A_686] {strides = array<i32>} : memref<8x3328xf32, #tpu.memory_space<vmem>>, vector<16xf32>,
      %add3A_688 = arith.addf %add3A_684, %get3A_687 : vector<16xf32>
      %get3A_689 = arith.index_cast %scan3A_27 : i32 to index
      %get3A_690 = arith.constant 2256 : index
      %get3A_691 = tpu.vector_load %arg8[%get3A_689, %get3A_690] {strides = array<i32>} : memref<8x3328xf32, #tpu.memory_space<vmem>>, vector<16xf32>,
      %add3A_692 = arith.addf %add3A_688, %get3A_691 : vector<16xf32>
      %get3A_693 = arith.index_cast %scan3A_27 : i32 to index
      %get3A_694 = arith.constant 2272 : index
      %get3A_695 = tpu.vector_load %arg8[%get3A_693, %get3A_694] {strides = array<i32>} : memref<8x3328xf32, #tpu.memory_space<vmem>>, vector<16xf32>,
      %add3A_696 = arith.addf %add3A_692, %get3A_695 : vector<16xf32>
      %eq3A_697 = arith.constant 10 : i32
      %eq3A_698 = vector.broadcast %eq3A_697 : i32 to vector<16xi32>
      %eq3A_699 = arith.cmpi eq, %iota3A, %eq3A_698 : vector<16xi32>
      %reduce_sum3A_700 = arith.constant true
      %reduce_sum3A_701 = vector.broadcast %reduce_sum3A_700 : i1 to vector<16xi1>
      %reduce_sum3A_702 = tpu.scan <sum>, %add3A_696 masked %reduce_sum3A_701 : vector<16xf32>, vector<16xi1> -> vector<16xf32>
      %reduce_sum3A_703 = vector.extract %reduce_sum3A_702[15] : f32 from vector<16xf32>
      %broadcast_in_dim3A_704 = vector.broadcast %reduce_sum3A_703 : f32 to vector<16xf32>
      %select_n3A_705 = arith.select %eq3A_699, %broadcast_in_dim3A_704, %select_n3A_644 : vector<16xi1>, vector<16xf32>
      %get3A_706 = arith.index_cast %scan3A_27 : i32 to index
      %get3A_707 = arith.constant 2288 : index
      %get3A_708 = tpu.vector_load %arg8[%get3A_706, %get3A_707] {strides = array<i32>} : memref<8x3328xf32, #tpu.memory_space<vmem>>, vector<16xf32>,
      %add3A_709 = arith.addf %broadcast_in_dim3A_5, %get3A_708 : vector<16xf32>
      %get3A_710 = arith.index_cast %scan3A_27 : i32 to index
      %get3A_711 = arith.constant 2304 : index
      %get3A_712 = tpu.vector_load %arg8[%get3A_710, %get3A_711] {strides = array<i32>} : memref<8x3328xf32, #tpu.memory_space<vmem>>, vector<16xf32>,
      %add3A_713 = arith.addf %add3A_709, %get3A_712 : vector<16xf32>
      %get3A_714 = arith.index_cast %scan3A_27 : i32 to index
      %get3A_715 = arith.constant 2320 : index
      %get3A_716 = tpu.vector_load %arg8[%get3A_714, %get3A_715] {strides = array<i32>} : memref<8x3328xf32, #tpu.memory_space<vmem>>, vector<16xf32>,
      %add3A_717 = arith.addf %add3A_713, %get3A_716 : vector<16xf32>
      %get3A_718 = arith.index_cast %scan3A_27 : i32 to index
      %get3A_719 = arith.constant 2336 : index
      %get3A_720 = tpu.vector_load %arg8[%get3A_718, %get3A_719] {strides = array<i32>} : memref<8x3328xf32, #tpu.memory_space<vmem>>, vector<16xf32>,
      %add3A_721 = arith.addf %add3A_717, %get3A_720 : vector<16xf32>
      %get3A_722 = arith.index_cast %scan3A_27 : i32 to index
      %get3A_723 = arith.constant 2352 : index
      %get3A_724 = tpu.vector_load %arg8[%get3A_722, %get3A_723] {strides = array<i32>} : memref<8x3328xf32, #tpu.memory_space<vmem>>, vector<16xf32>,
      %add3A_725 = arith.addf %add3A_721, %get3A_724 : vector<16xf32>
      %get3A_726 = arith.index_cast %scan3A_27 : i32 to index
      %get3A_727 = arith.constant 2368 : index
      %get3A_728 = tpu.vector_load %arg8[%get3A_726, %get3A_727] {strides = array<i32>} : memref<8x3328xf32, #tpu.memory_space<vmem>>, vector<16xf32>,
      %add3A_729 = arith.addf %add3A_725, %get3A_728 : vector<16xf32>
      %get3A_730 = arith.index_cast %scan3A_27 : i32 to index
      %get3A_731 = arith.constant 2384 : index
      %get3A_732 = tpu.vector_load %arg8[%get3A_730, %get3A_731] {strides = array<i32>} : memref<8x3328xf32, #tpu.memory_space<vmem>>, vector<16xf32>,
      %add3A_733 = arith.addf %add3A_729, %get3A_732 : vector<16xf32>
      %get3A_734 = arith.index_cast %scan3A_27 : i32 to index
      %get3A_735 = arith.constant 2400 : index
      %get3A_736 = tpu.vector_load %arg8[%get3A_734, %get3A_735] {strides = array<i32>} : memref<8x3328xf32, #tpu.memory_space<vmem>>, vector<16xf32>,
      %add3A_737 = arith.addf %add3A_733, %get3A_736 : vector<16xf32>
      %get3A_738 = arith.index_cast %scan3A_27 : i32 to index
      %get3A_739 = arith.constant 2416 : index
      %get3A_740 = tpu.vector_load %arg8[%get3A_738, %get3A_739] {strides = array<i32>} : memref<8x3328xf32, #tpu.memory_space<vmem>>, vector<16xf32>,
      %add3A_741 = arith.addf %add3A_737, %get3A_740 : vector<16xf32>
      %get3A_742 = arith.index_cast %scan3A_27 : i32 to index
      %get3A_743 = arith.constant 2432 : index
      %get3A_744 = tpu.vector_load %arg8[%get3A_742, %get3A_743] {strides = array<i32>} : memref<8x3328xf32, #tpu.memory_space<vmem>>, vector<16xf32>,
      %add3A_745 = arith.addf %add3A_741, %get3A_744 : vector<16xf32>
      %get3A_746 = arith.index_cast %scan3A_27 : i32 to index
      %get3A_747 = arith.constant 2448 : index
      %get3A_748 = tpu.vector_load %arg8[%get3A_746, %get3A_747] {strides = array<i32>} : memref<8x3328xf32, #tpu.memory_space<vmem>>, vector<16xf32>,
      %add3A_749 = arith.addf %add3A_745, %get3A_748 : vector<16xf32>
      %get3A_750 = arith.index_cast %scan3A_27 : i32 to index
      %get3A_751 = arith.constant 2464 : index
      %get3A_752 = tpu.vector_load %arg8[%get3A_750, %get3A_751] {strides = array<i32>} : memref<8x3328xf32, #tpu.memory_space<vmem>>, vector<16xf32>,
      %add3A_753 = arith.addf %add3A_749, %get3A_752 : vector<16xf32>
      %get3A_754 = arith.index_cast %scan3A_27 : i32 to index
      %get3A_755 = arith.constant 2480 : index
      %get3A_756 = tpu.vector_load %arg8[%get3A_754, %get3A_755] {strides = array<i32>} : memref<8x3328xf32, #tpu.memory_space<vmem>>, vector<16xf32>,
      %add3A_757 = arith.addf %add3A_753, %get3A_756 : vector<16xf32>
      %eq3A_758 = arith.constant 11 : i32
      %eq3A_759 = vector.broadcast %eq3A_758 : i32 to vector<16xi32>
      %eq3A_760 = arith.cmpi eq, %iota3A, %eq3A_759 : vector<16xi32>
      %reduce_sum3A_761 = arith.constant true
      %reduce_sum3A_762 = vector.broadcast %reduce_sum3A_761 : i1 to vector<16xi1>
      %reduce_sum3A_763 = tpu.scan <sum>, %add3A_757 masked %reduce_sum3A_762 : vector<16xf32>, vector<16xi1> -> vector<16xf32>
      %reduce_sum3A_764 = vector.extract %reduce_sum3A_763[15] : f32 from vector<16xf32>
      %broadcast_in_dim3A_765 = vector.broadcast %reduce_sum3A_764 : f32 to vector<16xf32>
      %select_n3A_766 = arith.select %eq3A_760, %broadcast_in_dim3A_765, %select_n3A_705 : vector<16xi1>, vector<16xf32>
      %get3A_767 = arith.index_cast %scan3A_27 : i32 to index
      %get3A_768 = arith.constant 2496 : index
      %get3A_769 = tpu.vector_load %arg8[%get3A_767, %get3A_768] {strides = array<i32>} : memref<8x3328xf32, #tpu.memory_space<vmem>>, vector<16xf32>,
      %add3A_770 = arith.addf %broadcast_in_dim3A_5, %get3A_769 : vector<16xf32>
      %get3A_771 = arith.index_cast %scan3A_27 : i32 to index
      %get3A_772 = arith.constant 2512 : index
      %get3A_773 = tpu.vector_load %arg8[%get3A_771, %get3A_772] {strides = array<i32>} : memref<8x3328xf32, #tpu.memory_space<vmem>>, vector<16xf32>,
      %add3A_774 = arith.addf %add3A_770, %get3A_773 : vector<16xf32>
      %get3A_775 = arith.index_cast %scan3A_27 : i32 to index
      %get3A_776 = arith.constant 2528 : index
      %get3A_777 = tpu.vector_load %arg8[%get3A_775, %get3A_776] {strides = array<i32>} : memref<8x3328xf32, #tpu.memory_space<vmem>>, vector<16xf32>,
      %add3A_778 = arith.addf %add3A_774, %get3A_777 : vector<16xf32>
      %get3A_779 = arith.index_cast %scan3A_27 : i32 to index
      %get3A_780 = arith.constant 2544 : index
      %get3A_781 = tpu.vector_load %arg8[%get3A_779, %get3A_780] {strides = array<i32>} : memref<8x3328xf32, #tpu.memory_space<vmem>>, vector<16xf32>,
      %add3A_782 = arith.addf %add3A_778, %get3A_781 : vector<16xf32>
      %get3A_783 = arith.index_cast %scan3A_27 : i32 to index
      %get3A_784 = arith.constant 2560 : index
      %get3A_785 = tpu.vector_load %arg8[%get3A_783, %get3A_784] {strides = array<i32>} : memref<8x3328xf32, #tpu.memory_space<vmem>>, vector<16xf32>,
      %add3A_786 = arith.addf %add3A_782, %get3A_785 : vector<16xf32>
      %get3A_787 = arith.index_cast %scan3A_27 : i32 to index
      %get3A_788 = arith.constant 2576 : index
      %get3A_789 = tpu.vector_load %arg8[%get3A_787, %get3A_788] {strides = array<i32>} : memref<8x3328xf32, #tpu.memory_space<vmem>>, vector<16xf32>,
      %add3A_790 = arith.addf %add3A_786, %get3A_789 : vector<16xf32>
      %get3A_791 = arith.index_cast %scan3A_27 : i32 to index
      %get3A_792 = arith.constant 2592 : index
      %get3A_793 = tpu.vector_load %arg8[%get3A_791, %get3A_792] {strides = array<i32>} : memref<8x3328xf32, #tpu.memory_space<vmem>>, vector<16xf32>,
      %add3A_794 = arith.addf %add3A_790, %get3A_793 : vector<16xf32>
      %get3A_795 = arith.index_cast %scan3A_27 : i32 to index
      %get3A_796 = arith.constant 2608 : index
      %get3A_797 = tpu.vector_load %arg8[%get3A_795, %get3A_796] {strides = array<i32>} : memref<8x3328xf32, #tpu.memory_space<vmem>>, vector<16xf32>,
      %add3A_798 = arith.addf %add3A_794, %get3A_797 : vector<16xf32>
      %get3A_799 = arith.index_cast %scan3A_27 : i32 to index
      %get3A_800 = arith.constant 2624 : index
      %get3A_801 = tpu.vector_load %arg8[%get3A_799, %get3A_800] {strides = array<i32>} : memref<8x3328xf32, #tpu.memory_space<vmem>>, vector<16xf32>,
      %add3A_802 = arith.addf %add3A_798, %get3A_801 : vector<16xf32>
      %get3A_803 = arith.index_cast %scan3A_27 : i32 to index
      %get3A_804 = arith.constant 2640 : index
      %get3A_805 = tpu.vector_load %arg8[%get3A_803, %get3A_804] {strides = array<i32>} : memref<8x3328xf32, #tpu.memory_space<vmem>>, vector<16xf32>,
      %add3A_806 = arith.addf %add3A_802, %get3A_805 : vector<16xf32>
      %get3A_807 = arith.index_cast %scan3A_27 : i32 to index
      %get3A_808 = arith.constant 2656 : index
      %get3A_809 = tpu.vector_load %arg8[%get3A_807, %get3A_808] {strides = array<i32>} : memref<8x3328xf32, #tpu.memory_space<vmem>>, vector<16xf32>,
      %add3A_810 = arith.addf %add3A_806, %get3A_809 : vector<16xf32>
      %get3A_811 = arith.index_cast %scan3A_27 : i32 to index
      %get3A_812 = arith.constant 2672 : index
      %get3A_813 = tpu.vector_load %arg8[%get3A_811, %get3A_812] {strides = array<i32>} : memref<8x3328xf32, #tpu.memory_space<vmem>>, vector<16xf32>,
      %add3A_814 = arith.addf %add3A_810, %get3A_813 : vector<16xf32>
      %get3A_815 = arith.index_cast %scan3A_27 : i32 to index
      %get3A_816 = arith.constant 2688 : index
      %get3A_817 = tpu.vector_load %arg8[%get3A_815, %get3A_816] {strides = array<i32>} : memref<8x3328xf32, #tpu.memory_space<vmem>>, vector<16xf32>,
      %add3A_818 = arith.addf %add3A_814, %get3A_817 : vector<16xf32>
      %eq3A_819 = arith.constant 12 : i32
      %eq3A_820 = vector.broadcast %eq3A_819 : i32 to vector<16xi32>
      %eq3A_821 = arith.cmpi eq, %iota3A, %eq3A_820 : vector<16xi32>
      %reduce_sum3A_822 = arith.constant true
      %reduce_sum3A_823 = vector.broadcast %reduce_sum3A_822 : i1 to vector<16xi1>
      %reduce_sum3A_824 = tpu.scan <sum>, %add3A_818 masked %reduce_sum3A_823 : vector<16xf32>, vector<16xi1> -> vector<16xf32>
      %reduce_sum3A_825 = vector.extract %reduce_sum3A_824[15] : f32 from vector<16xf32>
      %broadcast_in_dim3A_826 = vector.broadcast %reduce_sum3A_825 : f32 to vector<16xf32>
      %select_n3A_827 = arith.select %eq3A_821, %broadcast_in_dim3A_826, %select_n3A_766 : vector<16xi1>, vector<16xf32>
      %get3A_828 = arith.index_cast %scan3A_27 : i32 to index
      %get3A_829 = arith.constant 2704 : index
      %get3A_830 = tpu.vector_load %arg8[%get3A_828, %get3A_829] {strides = array<i32>} : memref<8x3328xf32, #tpu.memory_space<vmem>>, vector<16xf32>,
      %add3A_831 = arith.addf %broadcast_in_dim3A_5, %get3A_830 : vector<16xf32>
      %get3A_832 = arith.index_cast %scan3A_27 : i32 to index
      %get3A_833 = arith.constant 2720 : index
      %get3A_834 = tpu.vector_load %arg8[%get3A_832, %get3A_833] {strides = array<i32>} : memref<8x3328xf32, #tpu.memory_space<vmem>>, vector<16xf32>,
      %add3A_835 = arith.addf %add3A_831, %get3A_834 : vector<16xf32>
      %get3A_836 = arith.index_cast %scan3A_27 : i32 to index
      %get3A_837 = arith.constant 2736 : index
      %get3A_838 = tpu.vector_load %arg8[%get3A_836, %get3A_837] {strides = array<i32>} : memref<8x3328xf32, #tpu.memory_space<vmem>>, vector<16xf32>,
      %add3A_839 = arith.addf %add3A_835, %get3A_838 : vector<16xf32>
      %get3A_840 = arith.index_cast %scan3A_27 : i32 to index
      %get3A_841 = arith.constant 2752 : index
      %get3A_842 = tpu.vector_load %arg8[%get3A_840, %get3A_841] {strides = array<i32>} : memref<8x3328xf32, #tpu.memory_space<vmem>>, vector<16xf32>,
      %add3A_843 = arith.addf %add3A_839, %get3A_842 : vector<16xf32>
      %get3A_844 = arith.index_cast %scan3A_27 : i32 to index
      %get3A_845 = arith.constant 2768 : index
      %get3A_846 = tpu.vector_load %arg8[%get3A_844, %get3A_845] {strides = array<i32>} : memref<8x3328xf32, #tpu.memory_space<vmem>>, vector<16xf32>,
      %add3A_847 = arith.addf %add3A_843, %get3A_846 : vector<16xf32>
      %get3A_848 = arith.index_cast %scan3A_27 : i32 to index
      %get3A_849 = arith.constant 2784 : index
      %get3A_850 = tpu.vector_load %arg8[%get3A_848, %get3A_849] {strides = array<i32>} : memref<8x3328xf32, #tpu.memory_space<vmem>>, vector<16xf32>,
      %add3A_851 = arith.addf %add3A_847, %get3A_850 : vector<16xf32>
      %get3A_852 = arith.index_cast %scan3A_27 : i32 to index
      %get3A_853 = arith.constant 2800 : index
      %get3A_854 = tpu.vector_load %arg8[%get3A_852, %get3A_853] {strides = array<i32>} : memref<8x3328xf32, #tpu.memory_space<vmem>>, vector<16xf32>,
      %add3A_855 = arith.addf %add3A_851, %get3A_854 : vector<16xf32>
      %get3A_856 = arith.index_cast %scan3A_27 : i32 to index
      %get3A_857 = arith.constant 2816 : index
      %get3A_858 = tpu.vector_load %arg8[%get3A_856, %get3A_857] {strides = array<i32>} : memref<8x3328xf32, #tpu.memory_space<vmem>>, vector<16xf32>,
      %add3A_859 = arith.addf %add3A_855, %get3A_858 : vector<16xf32>
      %get3A_860 = arith.index_cast %scan3A_27 : i32 to index
      %get3A_861 = arith.constant 2832 : index
      %get3A_862 = tpu.vector_load %arg8[%get3A_860, %get3A_861] {strides = array<i32>} : memref<8x3328xf32, #tpu.memory_space<vmem>>, vector<16xf32>,
      %add3A_863 = arith.addf %add3A_859, %get3A_862 : vector<16xf32>
      %get3A_864 = arith.index_cast %scan3A_27 : i32 to index
      %get3A_865 = arith.constant 2848 : index
      %get3A_866 = tpu.vector_load %arg8[%get3A_864, %get3A_865] {strides = array<i32>} : memref<8x3328xf32, #tpu.memory_space<vmem>>, vector<16xf32>,
      %add3A_867 = arith.addf %add3A_863, %get3A_866 : vector<16xf32>
      %get3A_868 = arith.index_cast %scan3A_27 : i32 to index
      %get3A_869 = arith.constant 2864 : index
      %get3A_870 = tpu.vector_load %arg8[%get3A_868, %get3A_869] {strides = array<i32>} : memref<8x3328xf32, #tpu.memory_space<vmem>>, vector<16xf32>,
      %add3A_871 = arith.addf %add3A_867, %get3A_870 : vector<16xf32>
      %get3A_872 = arith.index_cast %scan3A_27 : i32 to index
      %get3A_873 = arith.constant 2880 : index
      %get3A_874 = tpu.vector_load %arg8[%get3A_872, %get3A_873] {strides = array<i32>} : memref<8x3328xf32, #tpu.memory_space<vmem>>, vector<16xf32>,
      %add3A_875 = arith.addf %add3A_871, %get3A_874 : vector<16xf32>
      %get3A_876 = arith.index_cast %scan3A_27 : i32 to index
      %get3A_877 = arith.constant 2896 : index
      %get3A_878 = tpu.vector_load %arg8[%get3A_876, %get3A_877] {strides = array<i32>} : memref<8x3328xf32, #tpu.memory_space<vmem>>, vector<16xf32>,
      %add3A_879 = arith.addf %add3A_875, %get3A_878 : vector<16xf32>
      %eq3A_880 = arith.constant 13 : i32
      %eq3A_881 = vector.broadcast %eq3A_880 : i32 to vector<16xi32>
      %eq3A_882 = arith.cmpi eq, %iota3A, %eq3A_881 : vector<16xi32>
      %reduce_sum3A_883 = arith.constant true
      %reduce_sum3A_884 = vector.broadcast %reduce_sum3A_883 : i1 to vector<16xi1>
      %reduce_sum3A_885 = tpu.scan <sum>, %add3A_879 masked %reduce_sum3A_884 : vector<16xf32>, vector<16xi1> -> vector<16xf32>
      %reduce_sum3A_886 = vector.extract %reduce_sum3A_885[15] : f32 from vector<16xf32>
      %broadcast_in_dim3A_887 = vector.broadcast %reduce_sum3A_886 : f32 to vector<16xf32>
      %select_n3A_888 = arith.select %eq3A_882, %broadcast_in_dim3A_887, %select_n3A_827 : vector<16xi1>, vector<16xf32>
      %get3A_889 = arith.index_cast %scan3A_27 : i32 to index
      %get3A_890 = arith.constant 2912 : index
      %get3A_891 = tpu.vector_load %arg8[%get3A_889, %get3A_890] {strides = array<i32>} : memref<8x3328xf32, #tpu.memory_space<vmem>>, vector<16xf32>,
      %add3A_892 = arith.addf %broadcast_in_dim3A_5, %get3A_891 : vector<16xf32>
      %get3A_893 = arith.index_cast %scan3A_27 : i32 to index
      %get3A_894 = arith.constant 2928 : index
      %get3A_895 = tpu.vector_load %arg8[%get3A_893, %get3A_894] {strides = array<i32>} : memref<8x3328xf32, #tpu.memory_space<vmem>>, vector<16xf32>,
      %add3A_896 = arith.addf %add3A_892, %get3A_895 : vector<16xf32>
      %get3A_897 = arith.index_cast %scan3A_27 : i32 to index
      %get3A_898 = arith.constant 2944 : index
      %get3A_899 = tpu.vector_load %arg8[%get3A_897, %get3A_898] {strides = array<i32>} : memref<8x3328xf32, #tpu.memory_space<vmem>>, vector<16xf32>,
      %add3A_900 = arith.addf %add3A_896, %get3A_899 : vector<16xf32>
      %get3A_901 = arith.index_cast %scan3A_27 : i32 to index
      %get3A_902 = arith.constant 2960 : index
      %get3A_903 = tpu.vector_load %arg8[%get3A_901, %get3A_902] {strides = array<i32>} : memref<8x3328xf32, #tpu.memory_space<vmem>>, vector<16xf32>,
      %add3A_904 = arith.addf %add3A_900, %get3A_903 : vector<16xf32>
      %get3A_905 = arith.index_cast %scan3A_27 : i32 to index
      %get3A_906 = arith.constant 2976 : index
      %get3A_907 = tpu.vector_load %arg8[%get3A_905, %get3A_906] {strides = array<i32>} : memref<8x3328xf32, #tpu.memory_space<vmem>>, vector<16xf32>,
      %add3A_908 = arith.addf %add3A_904, %get3A_907 : vector<16xf32>
      %get3A_909 = arith.index_cast %scan3A_27 : i32 to index
      %get3A_910 = arith.constant 2992 : index
      %get3A_911 = tpu.vector_load %arg8[%get3A_909, %get3A_910] {strides = array<i32>} : memref<8x3328xf32, #tpu.memory_space<vmem>>, vector<16xf32>,
      %add3A_912 = arith.addf %add3A_908, %get3A_911 : vector<16xf32>
      %get3A_913 = arith.index_cast %scan3A_27 : i32 to index
      %get3A_914 = arith.constant 3008 : index
      %get3A_915 = tpu.vector_load %arg8[%get3A_913, %get3A_914] {strides = array<i32>} : memref<8x3328xf32, #tpu.memory_space<vmem>>, vector<16xf32>,
      %add3A_916 = arith.addf %add3A_912, %get3A_915 : vector<16xf32>
      %get3A_917 = arith.index_cast %scan3A_27 : i32 to index
      %get3A_918 = arith.constant 3024 : index
      %get3A_919 = tpu.vector_load %arg8[%get3A_917, %get3A_918] {strides = array<i32>} : memref<8x3328xf32, #tpu.memory_space<vmem>>, vector<16xf32>,
      %add3A_920 = arith.addf %add3A_916, %get3A_919 : vector<16xf32>
      %get3A_921 = arith.index_cast %scan3A_27 : i32 to index
      %get3A_922 = arith.constant 3040 : index
      %get3A_923 = tpu.vector_load %arg8[%get3A_921, %get3A_922] {strides = array<i32>} : memref<8x3328xf32, #tpu.memory_space<vmem>>, vector<16xf32>,
      %add3A_924 = arith.addf %add3A_920, %get3A_923 : vector<16xf32>
      %get3A_925 = arith.index_cast %scan3A_27 : i32 to index
      %get3A_926 = arith.constant 3056 : index
      %get3A_927 = tpu.vector_load %arg8[%get3A_925, %get3A_926] {strides = array<i32>} : memref<8x3328xf32, #tpu.memory_space<vmem>>, vector<16xf32>,
      %add3A_928 = arith.addf %add3A_924, %get3A_927 : vector<16xf32>
      %get3A_929 = arith.index_cast %scan3A_27 : i32 to index
      %get3A_930 = arith.constant 3072 : index
      %get3A_931 = tpu.vector_load %arg8[%get3A_929, %get3A_930] {strides = array<i32>} : memref<8x3328xf32, #tpu.memory_space<vmem>>, vector<16xf32>,
      %add3A_932 = arith.addf %add3A_928, %get3A_931 : vector<16xf32>
      %get3A_933 = arith.index_cast %scan3A_27 : i32 to index
      %get3A_934 = arith.constant 3088 : index
      %get3A_935 = tpu.vector_load %arg8[%get3A_933, %get3A_934] {strides = array<i32>} : memref<8x3328xf32, #tpu.memory_space<vmem>>, vector<16xf32>,
      %add3A_936 = arith.addf %add3A_932, %get3A_935 : vector<16xf32>
      %get3A_937 = arith.index_cast %scan3A_27 : i32 to index
      %get3A_938 = arith.constant 3104 : index
      %get3A_939 = tpu.vector_load %arg8[%get3A_937, %get3A_938] {strides = array<i32>} : memref<8x3328xf32, #tpu.memory_space<vmem>>, vector<16xf32>,
      %add3A_940 = arith.addf %add3A_936, %get3A_939 : vector<16xf32>
      %eq3A_941 = arith.constant 14 : i32
      %eq3A_942 = vector.broadcast %eq3A_941 : i32 to vector<16xi32>
      %eq3A_943 = arith.cmpi eq, %iota3A, %eq3A_942 : vector<16xi32>
      %reduce_sum3A_944 = arith.constant true
      %reduce_sum3A_945 = vector.broadcast %reduce_sum3A_944 : i1 to vector<16xi1>
      %reduce_sum3A_946 = tpu.scan <sum>, %add3A_940 masked %reduce_sum3A_945 : vector<16xf32>, vector<16xi1> -> vector<16xf32>
      %reduce_sum3A_947 = vector.extract %reduce_sum3A_946[15] : f32 from vector<16xf32>
      %broadcast_in_dim3A_948 = vector.broadcast %reduce_sum3A_947 : f32 to vector<16xf32>
      %select_n3A_949 = arith.select %eq3A_943, %broadcast_in_dim3A_948, %select_n3A_888 : vector<16xi1>, vector<16xf32>
      %get3A_950 = arith.index_cast %scan3A_27 : i32 to index
      %get3A_951 = arith.constant 3120 : index
      %get3A_952 = tpu.vector_load %arg8[%get3A_950, %get3A_951] {strides = array<i32>} : memref<8x3328xf32, #tpu.memory_space<vmem>>, vector<16xf32>,
      %add3A_953 = arith.addf %broadcast_in_dim3A_5, %get3A_952 : vector<16xf32>
      %get3A_954 = arith.index_cast %scan3A_27 : i32 to index
      %get3A_955 = arith.constant 3136 : index
      %get3A_956 = tpu.vector_load %arg8[%get3A_954, %get3A_955] {strides = array<i32>} : memref<8x3328xf32, #tpu.memory_space<vmem>>, vector<16xf32>,
      %add3A_957 = arith.addf %add3A_953, %get3A_956 : vector<16xf32>
      %get3A_958 = arith.index_cast %scan3A_27 : i32 to index
      %get3A_959 = arith.constant 3152 : index
      %get3A_960 = tpu.vector_load %arg8[%get3A_958, %get3A_959] {strides = array<i32>} : memref<8x3328xf32, #tpu.memory_space<vmem>>, vector<16xf32>,
      %add3A_961 = arith.addf %add3A_957, %get3A_960 : vector<16xf32>
      %get3A_962 = arith.index_cast %scan3A_27 : i32 to index
      %get3A_963 = arith.constant 3168 : index
      %get3A_964 = tpu.vector_load %arg8[%get3A_962, %get3A_963] {strides = array<i32>} : memref<8x3328xf32, #tpu.memory_space<vmem>>, vector<16xf32>,
      %add3A_965 = arith.addf %add3A_961, %get3A_964 : vector<16xf32>
      %get3A_966 = arith.index_cast %scan3A_27 : i32 to index
      %get3A_967 = arith.constant 3184 : index
      %get3A_968 = tpu.vector_load %arg8[%get3A_966, %get3A_967] {strides = array<i32>} : memref<8x3328xf32, #tpu.memory_space<vmem>>, vector<16xf32>,
      %add3A_969 = arith.addf %add3A_965, %get3A_968 : vector<16xf32>
      %get3A_970 = arith.index_cast %scan3A_27 : i32 to index
      %get3A_971 = arith.constant 3200 : index
      %get3A_972 = tpu.vector_load %arg8[%get3A_970, %get3A_971] {strides = array<i32>} : memref<8x3328xf32, #tpu.memory_space<vmem>>, vector<16xf32>,
      %add3A_973 = arith.addf %add3A_969, %get3A_972 : vector<16xf32>
      %get3A_974 = arith.index_cast %scan3A_27 : i32 to index
      %get3A_975 = arith.constant 3216 : index
      %get3A_976 = tpu.vector_load %arg8[%get3A_974, %get3A_975] {strides = array<i32>} : memref<8x3328xf32, #tpu.memory_space<vmem>>, vector<16xf32>,
      %add3A_977 = arith.addf %add3A_973, %get3A_976 : vector<16xf32>
      %get3A_978 = arith.index_cast %scan3A_27 : i32 to index
      %get3A_979 = arith.constant 3232 : index
      %get3A_980 = tpu.vector_load %arg8[%get3A_978, %get3A_979] {strides = array<i32>} : memref<8x3328xf32, #tpu.memory_space<vmem>>, vector<16xf32>,
      %add3A_981 = arith.addf %add3A_977, %get3A_980 : vector<16xf32>
      %get3A_982 = arith.index_cast %scan3A_27 : i32 to index
      %get3A_983 = arith.constant 3248 : index
      %get3A_984 = tpu.vector_load %arg8[%get3A_982, %get3A_983] {strides = array<i32>} : memref<8x3328xf32, #tpu.memory_space<vmem>>, vector<16xf32>,
      %add3A_985 = arith.addf %add3A_981, %get3A_984 : vector<16xf32>
      %get3A_986 = arith.index_cast %scan3A_27 : i32 to index
      %get3A_987 = arith.constant 3264 : index
      %get3A_988 = tpu.vector_load %arg8[%get3A_986, %get3A_987] {strides = array<i32>} : memref<8x3328xf32, #tpu.memory_space<vmem>>, vector<16xf32>,
      %add3A_989 = arith.addf %add3A_985, %get3A_988 : vector<16xf32>
      %get3A_990 = arith.index_cast %scan3A_27 : i32 to index
      %get3A_991 = arith.constant 3280 : index
      %get3A_992 = tpu.vector_load %arg8[%get3A_990, %get3A_991] {strides = array<i32>} : memref<8x3328xf32, #tpu.memory_space<vmem>>, vector<16xf32>,
      %add3A_993 = arith.addf %add3A_989, %get3A_992 : vector<16xf32>
      %get3A_994 = arith.index_cast %scan3A_27 : i32 to index
      %get3A_995 = arith.constant 3296 : index
      %get3A_996 = tpu.vector_load %arg8[%get3A_994, %get3A_995] {strides = array<i32>} : memref<8x3328xf32, #tpu.memory_space<vmem>>, vector<16xf32>,
      %add3A_997 = arith.addf %add3A_993, %get3A_996 : vector<16xf32>
      %get3A_998 = arith.index_cast %scan3A_27 : i32 to index
      %get3A_999 = arith.constant 3312 : index
      %get3A_1000 = tpu.vector_load %arg8[%get3A_998, %get3A_999] {strides = array<i32>} : memref<8x3328xf32, #tpu.memory_space<vmem>>, vector<16xf32>,
      %add3A_1001 = arith.addf %add3A_997, %get3A_1000 : vector<16xf32>
      %eq3A_1002 = arith.constant 15 : i32
      %eq3A_1003 = vector.broadcast %eq3A_1002 : i32 to vector<16xi32>
      %eq3A_1004 = arith.cmpi eq, %iota3A, %eq3A_1003 : vector<16xi32>
      %reduce_sum3A_1005 = arith.constant true
      %reduce_sum3A_1006 = vector.broadcast %reduce_sum3A_1005 : i1 to vector<16xi1>
      %reduce_sum3A_1007 = tpu.scan <sum>, %add3A_1001 masked %reduce_sum3A_1006 : vector<16xf32>, vector<16xi1> -> vector<16xf32>
      %reduce_sum3A_1008 = vector.extract %reduce_sum3A_1007[15] : f32 from vector<16xf32>
      %broadcast_in_dim3A_1009 = vector.broadcast %reduce_sum3A_1008 : f32 to vector<16xf32>
      %select_n3A_1010 = arith.select %eq3A_1004, %broadcast_in_dim3A_1009, %select_n3A_949 : vector<16xi1>, vector<16xf32>
      %mul3A_1011 = arith.constant 16 : i32
      %mul3A_1012 = arith.muli %scan3A_27, %mul3A_1011 : i32
      %get3A_1013 = arith.index_cast %mul3A_1012 : i32 to index
      %get3A_1014 = tpu.vector_load %arg9[%get3A_1013] {strides = array<i32>} : memref<128xi32, #tpu.memory_space<vmem>>, vector<16xi32>,
      %convert_element_type3A = arith.sitofp %get3A_1014 : vector<16xi32> to vector<16xf32>
      %div3A = arith.divf %select_n3A_1010, %convert_element_type3A : vector<16xf32>
      %add3A_1015 = vector.broadcast %squeeze3A : f32 to vector<16xf32>
      %add3A_1016 = arith.addf %div3A, %add3A_1015 : vector<16xf32>
      %neg3A = arith.constant 0.000000e+00 : f32
      %neg3A_1017 = vector.broadcast %neg3A : f32 to vector<16xf32>
      %neg3A_1018 = arith.subf %neg3A_1017, %add3A_1016 : vector<16xf32>
      %exp3A = math.exp %neg3A_1018 : vector<16xf32>
      %add3A_1019 = arith.constant 1.000000e+00 : f32
      %add3A_1020 = vector.broadcast %add3A_1019 : f32 to vector<16xf32>
      %add3A_1021 = arith.addf %add3A_1020, %exp3A : vector<16xf32>
      %div3A_1022 = arith.constant 1.000000e+00 : f32
      %div3A_1023 = vector.broadcast %div3A_1022 : f32 to vector<16xf32>
      %div3A_1024 = arith.divf %div3A_1023, %add3A_1021 : vector<16xf32>
      %mul3A_1025 = arith.constant 16 : i32
      %mul3A_1026 = arith.muli %scan3A_27, %mul3A_1025 : i32
      %swap3A = arith.index_cast %mul3A_1026 : i32 to index
      %swap3A_1027 = tpu.vector_load %arg11[%swap3A] {strides = array<i32>} : memref<128xf32, #tpu.memory_space<vmem>>, vector<16xf32>,
      tpu.vector_store %arg11[%swap3A], %div3A_1024 {strides = array<i32>} : memref<128xf32, #tpu.memory_space<vmem>>, vector<16xf32>,
      %scan3A_1028 = arith.constant 0 : i32
      scf.yield %scan3A_1028 : i32
    }
    %scan3A_26 = arith.constant 8 : i32
    "tpu.region"() ({
      %run_scoped3A = tpu.sem_alloc : memref<!tpu.dma_semaphore, #tpu.memory_space<semaphore_mem>>
      %dma_start3A = tpu.memref_slice %arg6[%mul3A_2] : memref<4096xf32, #tpu.memory_space<hbm>> -> memref<128xf32, #tpu.memory_space<hbm>>
      %dma_start3A_27 = tpu.memref_slice %arg6[%mul3A_2] : memref<4096xf32, #tpu.memory_space<hbm>> -> memref<128xf32, #tpu.memory_space<hbm>>
      tpu.enqueue_dma source(%arg11 : memref<128xf32, #tpu.memory_space<vmem>>) target(%dma_start3A_27 : memref<128xf32, #tpu.memory_space<hbm>>) target_semaphore(%run_scoped3A : memref<!tpu.dma_semaphore, #tpu.memory_space<semaphore_mem>>)
      %dma_wait3A = tpu.memref_slice %arg6[%mul3A_2] : memref<4096xf32, #tpu.memory_space<hbm>> -> memref<128xf32, #tpu.memory_space<hbm>>
      %dma_wait3A_28 = tpu.memref_slice %arg6[%mul3A_2] : memref<4096xf32, #tpu.memory_space<hbm>> -> memref<128xf32, #tpu.memory_space<hbm>>
      tpu.wait_dma2 semaphore(%run_scoped3A : memref<!tpu.dma_semaphore, #tpu.memory_space<semaphore_mem>>) src(%arg11 : memref<128xf32, #tpu.memory_space<vmem>>) dst(%dma_wait3A_28 : memref<128xf32, #tpu.memory_space<hbm>>)
      tpu.yield
    }) : () -> ()
    return
  }
}

module attributes {stable_mosaic.version = 14 : i64} {
  func.func @_matvec_body(%arg0: i32, %arg1: memref<1x64xf32, #tpu.memory_space<vmem>>, %arg2: memref<64x32768xf32, #tpu.memory_space<vmem>>, %arg3: memref<1x1x32768xf32, #tpu.memory_space<vmem>>) attributes {dimension_semantics = [#tpu.dimension_semantics<arbitrary>], iteration_bounds = array<i64: 31>, scalar_prefetch = 0 : i64, scratch_operands = 0 : i64, tpu.core_type = #tpu.core_type<tc>, window_params = [{pipeline_mode = #tpu.pipeline_mode<synchronous>, transform_indices = @transform_0, window_bounds = array<i64: 1, 64>}, {transform_indices = @transform_1, window_bounds = array<i64: 64, 32768>}, {transform_indices = @transform_2, window_bounds = array<i64: 1, 1, 32768>}]} {
    %get3A = arith.constant 0 : index
    %get3A_0 = arith.constant 0 : index
    %get3A_1 = vector.load %arg1[%get3A, %get3A_0] : memref<1x64xf32, #tpu.memory_space<vmem>>, vector<1x64xf32>
    %get3A_2 = arith.constant 0 : index
    %get3A_3 = arith.constant 0 : index
    %get3A_4 = vector.load %arg2[%get3A_2, %get3A_3] : memref<64x32768xf32, #tpu.memory_space<vmem>>, vector<64x32768xf32>
    %dot_general3A = arith.constant dense<0.000000e+00> : vector<1x32768xf32>
    %dot_general3A_5 = tpu.matmul %get3A_1, %get3A_4, %dot_general3A {dimension_numbers = #tpu.dot_dimension_numbers<[1], [0], [0], [1], [0, 0, 1, 1], [], []>, transpose_lhs_hint = false} : vector<1x64xf32>, vector<64x32768xf32>, vector<1x32768xf32> -> vector<1x32768xf32>
    %broadcast_in_dim3A = vector.shape_cast %dot_general3A_5 : vector<1x32768xf32> to vector<1x1x32768xf32>
    %swap3A = arith.constant 0 : index
    %swap3A_6 = arith.constant 0 : index
    %swap3A_7 = arith.constant 0 : index
    %swap3A_8 = vector.load %arg3[%swap3A, %swap3A_6, %swap3A_7] : memref<1x1x32768xf32, #tpu.memory_space<vmem>>, vector<1x1x32768xf32>
    tpu.vector_store %arg3[%swap3A, %swap3A_6, %swap3A_7], %broadcast_in_dim3A {strides = array<i32>} : memref<1x1x32768xf32, #tpu.memory_space<vmem>>, vector<1x1x32768xf32>,
    return
  }
  func.func @transform_0(%arg0: i32) -> (i32, i32) {
    %c0_i32 = arith.constant 0 : i32
    %c0_i32_0 = arith.constant 0 : i32
    %c0_i32_1 = arith.constant 0 : i32
    return %c0_i32, %c0_i32_0 : i32, i32
  }
  func.func @transform_1(%arg0: i32) -> (i32, i32) {
    %c0_i32 = arith.constant 0 : i32
    %c0_i32_0 = arith.constant 0 : i32
    return %c0_i32, %arg0 : i32, i32
  }
  func.func @transform_2(%arg0: i32) -> (i32, i32, i32) {
    %c0_i32 = arith.constant 0 : i32
    %c0_i32_0 = arith.constant 0 : i32
    %c0_i32_1 = arith.constant 0 : i32
    return %arg0, %c0_i32, %c0_i32_0 : i32, i32, i32
  }
}

</mosaic_0001>

<sc_bundles>
// kernel: kernel.4.cloned.1.call-start
scs
__scs_entry_jumppad:
0x0: {  	(pc) =	sbr.rel $0x88, $3  }
0x1: {  	(tag) =	ssettag $0x0;
	lr =	simm.s32 $0x1  }
0x2: {  	[smem:$0x3F9C] =	sst lr;
	_ =	strace $0xD0000000  }
0x3: {  	_ = 	snop  }
0x4: {  	_ = 	snop  }
0x5: {  	_ = 	snop  }
0x6: {  	_ = 	snop  }
0x7: {  	_ = 	snop  }
__scs_overlays_trampoline_lowered:
0x8: {  	[smem:$0x3FAB] =	sst s0  }
0x9: {  	[smem:$0x3FAC] =	sst s1  }
0xa: {  	[smem:$0x3FAD] =	sst s2  }
0xb: {  	[smem:$0x3FAE] =	sst s3  }
0xc: {  	[smem:$0x3FAF] =	sst s4  }
0xd: {  	[smem:$0x3FB0] =	sst s5  }
0xe: {  	[smem:$0x3FB1] =	sst s6  }
0xf: {  	[smem:$0x3FB2] =	sst s7  }
0x10: {  	[smem:$0x3FB3] =	sst s8  }
0x11: {  	[smem:$0x3FB4] =	sst s9;
	s0 =	simm.s32 @!p0 $0x0  }
0x12: {  	s1 =	sld [smem:$0x3F9A];
	s0 =	simm.s32 @p0 $0x1  }
0x13: {  	[smem:$0x3FB5] =	sst s0;
	s0 =	simm.s32 @!p1 $0x0  }
0x14: {  	s2 =	sld [smem:$0x3F99];
	s0 =	simm.s32 @p1 $0x1  }
0x15: {  	[smem:$0x3FB6] =	sst s0;
	s0 =	simm.s32 @!p2 $0x0  }
0x16: {  	s3 =	sld [smem:$0x3FDB];
	s0 =	simm.s32 @p2 $0x1  }
0x17: {  	s4 =	simm.s32 $0x1BF5;
	[smem:$0x3FB8] =	sst s0  }
0x18: {  	s0 =	sld [smem:$0x3F9B];
	_ =	swait.ge [sflag:s4], $0x0  }
0x19: {  	s7 =	sld [smem:$0x3F9C]  }
0x1a: {  	s8 =	sadd.s32 $0xFFFFE003, lr  }
0x1b: {  	s9 =	sadd.s32 $0xFFFFFEF7, lr;
	s5 =	simm.s32 $0xFFFFFFFF;
	p2 =	slt.u32 s8, $0xFFFFF086  }
0x1c: {  	p1 =	slt.u32 s9, $0xF7A;
	s5 =	simm.s32 @!p2 $0x0  }
0x1d: {  	s5 =	simm.s32 @p1 $0x1;
	p0 =	seq.s32 s7, s2  }
0x1e: {  	s7 =	smul.u32 @!p0 $0xF7A, s2;
	p2 =	seq.s32 @!p0 s5, $0x0  }
0x1f: {  	s9 =	smul.u32 $0xF7A, s1;
	s8 =	simm.s32 @!p0 $0x1BF5;
	p2 =	por !p2, p0  }
0x20: {  	[sflag:s8] =	ssyncset.s32 @!p0 $0xFFFFF086;
	s6 =	sadd.s32 @!p0 s3, s7;
	s7 =	simm.s32 @!p0 $0x108  }
0x21: {  	s3 =	sadd.s32 s3, s9;
	s6 =	sadd.s32 @!p0 $0x88, s6;
	s7 =	simm.s32 @p2 $0x1082  }
0x22: {  	[simem:s7], [sflag:s8] =	dma.local @!p0 [hbm:s6], $0xF7A  }
0x23: {  	s9 =	sor.u32 $0xD0000000, s2;
	s6 =	simm.s32 $0x108;
	_ =	swait.ge @!p0 [sflag:s8], $0x0  }
0x24: {  	s3 =	sadd.s32 $0x88, s3;
	s6 =	simm.s32 @!p1 $0x1082;
	[sflag:s4] =	ssyncset.s32 $0xFFFFF086  }
0x25: {  	[simem:s6], [sflag:s4] =	dma.local [hbm:s3], $0xF7A  }
0x26: {  	[smem:$0x3F9C] =	sst s1;
	(tag) =	ssettag s2;
	_ =	strace s9  }
0x27: {  	s1 =	sld [smem:$0x3FAC]  }
0x28: {  	s2 =	sld [smem:$0x3FAD]  }
0x29: {  	s4 =	sld [smem:$0x3FAF]  }
0x2a: {  	p0 =	seq.s32 s5, $0x0;
	s5 =	sld [smem:$0x3FB0]  }
0x2b: {  	s6 =	sld [smem:$0x3FB1]  }
0x2c: {  	s7 =	sld [smem:$0x3FB2]  }
0x2d: {  	s3 =	simm.s32 $0x108;
	s8 =	sld [smem:$0x3FB3]  }
0x2e: {  	s3 =	simm.s32 @!p0 $0x1082;
	s9 =	sld [smem:$0x3FB4]  }
0x2f: {  	lr =	sadd.s32 s0, s3;
	s0 =	sld [smem:$0x3FAB]  }
0x30: {  	s3 =	sld [smem:$0x3FAE]  }
0x31: {  	[smem:$0x3FB7] =	sst s10  }
0x32: {  	s10 =	sld [smem:$0x3FB5];
	_ =	sdelay $0x3  }
0x33: {  	p0 =	seq.s32 s10, $0x1;
	s10 =	sld [smem:$0x3FB7];
	_ =	sdelay $0x3  }
0x34: {  	[smem:$0x3FB7] =	sst s10  }
0x35: {  	s10 =	sld [smem:$0x3FB6];
	_ =	sdelay $0x3  }
0x36: {  	p1 =	seq.s32 s10, $0x1;
	s10 =	sld [smem:$0x3FB7];
	_ =	sdelay $0x3  }
0x37: {  	[smem:$0x3FB7] =	sst s10  }
0x38: {  	s10 =	sld [smem:$0x3FB8]  }
0x39: {  	_ = 	snop;
	(pc) =	sbr.ind lr, $3  }
0x3a: {  	_ = 	snop  }
0x3b: {  	_ = 	snop  }
0x3c: {  	p2 =	seq.s32 s10, $0x1;
	s10 =	sld [smem:$0x3FB7]  }
0x3d: {  	_ =	shalt  }
0x3e: {  	_ =	shalt  }
0x3f: {  	_ =	shalt  }
0x40: {  	_ =	shalt  }
0x41: {  	_ =	shalt  }
0x42: {  	_ =	shalt  }
0x43: {  	_ =	shalt  }
0x44: {  	_ =	shalt  }
0x45: {  	_ =	shalt  }
0x46: {  	_ =	shalt  }
0x47: {  	_ =	shalt  }
0x48: {  	_ =	shalt  }
0x49: {  	_ =	shalt  }
0x4a: {  	_ =	shalt  }
0x4b: {  	_ =	shalt  }
0x4c: {  	_ =	shalt  }
0x4d: {  	_ =	shalt  }
0x4e: {  	_ =	shalt  }
0x4f: {  	_ =	shalt  }
0x50: {  	_ =	shalt  }
0x51: {  	_ =	shalt  }
0x52: {  	_ =	shalt  }
0x53: {  	_ =	shalt  }
0x54: {  	_ =	shalt  }
0x55: {  	_ =	shalt  }
0x56: {  	_ =	shalt  }
0x57: {  	_ =	shalt  }
0x58: {  	_ =	shalt  }
0x59: {  	_ =	shalt  }
0x5a: {  	_ =	shalt  }
0x5b: {  	_ =	shalt  }
0x5c: {  	_ =	shalt  }
0x5d: {  	_ =	shalt  }
0x5e: {  	_ =	shalt  }
0x5f: {  	_ =	shalt  }
0x60: {  	_ =	shalt  }
0x61: {  	_ =	shalt  }
0x62: {  	_ =	shalt  }
0x63: {  	_ =	shalt  }
0x64: {  	_ =	shalt  }
0x65: {  	_ =	shalt  }
0x66: {  	_ =	shalt  }
0x67: {  	_ =	shalt  }
0x68: {  	_ =	shalt  }
0x69: {  	_ =	shalt  }
0x6a: {  	_ =	shalt  }
0x6b: {  	_ =	shalt  }
0x6c: {  	_ =	shalt  }
0x6d: {  	_ =	shalt  }
0x6e: {  	_ =	shalt  }
0x6f: {  	_ =	shalt  }
0x70: {  	_ =	shalt  }
0x71: {  	_ =	shalt  }
0x72: {  	_ =	shalt  }
0x73: {  	_ =	shalt  }
0x74: {  	_ =	shalt  }
0x75: {  	_ =	shalt  }
0x76: {  	_ =	shalt  }
0x77: {  	_ =	shalt  }
0x78: {  	_ =	shalt  }
0x79: {  	_ =	shalt  }
0x7a: {  	_ =	shalt  }
0x7b: {  	_ =	shalt  }
0x7c: {  	_ =	shalt  }
0x7d: {  	_ =	shalt  }
0x7e: {  	_ =	shalt  }
0x7f: {  	_ =	shalt  }
0x80: {  	_ =	shalt  }
0x81: {  	_ =	shalt  }
0x82: {  	_ =	shalt  }
0x83: {  	_ =	shalt  }
0x84: {  	_ =	shalt  }
0x85: {  	_ =	shalt  }
0x86: {  	_ =	shalt  }
0x87: {  	_ =	shalt  }
.Lfunc_end0:
.L_simem_size_0:
called_computation_lowered:
.L_overlay_start_0:
0x88: {  	s2 =	sld [smem:$0x3FD9]  }
0x89: {  	s3 =	sld [smem:$0x3FFE];
	_ =	sdelay $0x1  }
0x8a: {  	s1 =	srdreg.scid  }
0x8b: {  	s0 =	sand.u32 $0x1, s1  }
0x8c: {  	s17 =	sshll.u32 s0, $0xA;
	s2 =	sadd.s32 s3, s2  }
0x8d: {  	s2 =	sadd.s32 s2, s17  }
0x8e: {  	[smem:$0x3FC3] =	sst s2  }
0x8f: {  	_ = 	snop  }
0x90: {  	s2 =	sld [smem:$0x3FC8]  }
0x91: {  	s18 =	sld [smem:$0x3FC5]  }
0x92: {  	s4 =	sld [smem:$0x3FD0];
	(tm) =	ssettm $0x1  }
0x93: {  	s5 =	sld [smem:$0x3FFB];
	_ =	sdelay $0x3  }
0x94: {  	_ =	strace s5  }
0x95: {  	s5 =	sld [smem:$0x3FFC];
	_ =	sdelay $0x3  }
0x96: {  	_ =	strace s5  }
0x97: {  	s5 =	sld [smem:$0x3FFD];
	_ =	sdelay $0x3  }
0x98: {  	_ =	strace s5  }
0x99: {  	_ =	strace $0x8FFFFFFF  }
0x9a: {  	s19 =	sld [smem:$0x3FDB];
	_ =	sdelay $0x1  }
0x9b: {  	s6 =	simm.s32 $_scs_section_size  }
0x9c: {  	s7 =	simm.s32 $_size__tile_overlayer_lowered;
	s8 =	simm.s32 $_tile_overlayer_lowered  }
0x9d: {  	s22 =	simm.s32 $0x1BFF;
	s21 =	sshll.u32 s8, $0x1;
	s5 =	sadd.s32 s6, s19  }
0x9e: {  	s9 =	simm.s32 $0x0;
	s20 =	sshll.u32 s7, $0x1;
	s7 =	sadd.s32 s21, s5  }
0x9f: {  	[timem:s9], [sflag:s22] =	dma.local [hbm:s7], s20  }
0xa0: {  	_ =	swait.ge [sflag:s22], s20  }
0xa1: {  	s6 =	ssub.s32 $0x0, s20;
	[sflag:s22] =	ssyncset.done $0x0  }
0xa2: {  	[sflag:s22] =	ssyncadd.s32 s6;
	_ =	sdelay $0x1  }
0xa3: {  	s23 =	simm.s32 $0x1B8B  }
0xa4: {  	_ =	swait.ge [sflag:s23], $0x1  }
0xa5: {  	[sflag:s23] =	ssyncset.done $0x0  }
0xa6: {  	s25 =	simm.s32 $0x1B8E;
	s24 =	sld [smem:$0x3FFE];
	[sflag:s23] =	ssyncadd.s32 $0xFFFFFFFF  }
0xa7: {  	s26 =	simm.s32 $execute0_lowered;
	[smem:$0x3FD2] =	sst s25  }
0xa8: {  	s7 =	sshll.u32 s26, $0x1;
	_ =	strace $0x80000046;
	[dreg:$0x1] =	wrdreg $0xFFFFFFFF  }
0xa9: {  	s28 =	simm.s32 $_size_execute0_lowered;
	s5 =	sadd.s32 s5, s7;
	[dreg:$0x0] =	wrdreg $0x0  }
0xaa: {  	s7 =	sshll.u32 s28, $0x1;
	[dreg:$0x2] =	wrdreg s5  }
0xab: {  	[dreg:$0x3] =	wrdreg s7  }
0xac: {  	[dreg:$0x4] =	wrdreg $0xC0  }
0xad: {  	_ =	task [dreg:s9], $0x5FFFF  }
0xae: {  	[dreg:$0x1] =	wrdreg $0xFFFFFFFF  }
0xaf: {  	[dreg:$0x0] =	wrdreg $0x60  }
0xb0: {  	[dreg:$0x2] =	wrdreg s24  }
0xb1: {  	[dreg:$0x3] =	wrdreg s2  }
0xb2: {  	[dreg:$0x4] =	wrdreg s18  }
0xb3: {  	[dreg:$0x5] =	wrdreg s4  }
0xb4: {  	[dreg:$0x6] =	wrdreg $0x9  }
0xb5: {  	_ =	task.clear_ibuf [dreg:s9], $0x7FFFF;
	_ =	strace $0x90000046  }
0xb6: {  	s29 =	simm.s32 $0x9;
	_ =	strace $0x80000048  }
0xb7: {  	_ =	swait.ge [sflag:s29], $0x1  }
0xb8: {  	[sflag:s29] =	ssyncadd.s32 $0xFFFFFFFF  }
0xb9: {  	_ =	strace $0x90000048  }
0xba: {  	_ =	sfence  }
0xbb: {  	s30 =	sld [smem:$0x0];
	_ =	sdelay $0x2  }
0xbc: {  	s31 =	sshll.u32 s1, $0xD;
	s1 =	sshrl.u32 s1, $0x2  }
0xbd: {  	s3 =	sand.u32 $0x4000, s31;
	s1 =	sadd.s32 s1, s30  }
0xbe: {  	s0 =	sor.u32 s3, s0;
	s1 =	sshll.u32 s1, $0x11  }
0xbf: {  	s0 =	sor.u32 s1, s0  }
0xc0: {  	s0 =	sadd.s32 $0x8F2B, s0  }
0xc1: {  	[sflag:s0] =	ssyncadd.remote.s32 $0x1  }
0xc2: {  	_ =	sfence.sel $0xFFFF  }
0xc3: {  	[dreg:$0x0] =	wrdreg $0xFFFFFFFF;
	(pc) =	sbr.abs _section_cstart, $3  }
0xc4: {  	[dreg:$0x1] =	wrdreg $0xFFFFFFFF  }
0xc5: {  	_ =	task.clear_ibuf [dreg:s9], $0x2FFFF;
	_ =	strace $0x9FFFFFFF  }
0xc6: {  	(tm) =	ssettm $0x7FFFFFFF  }
0xc7: {  	_ =	shalt  }
tec
execute0_lowered:
.L_overlay_start_1:
0x0: {  	(tag) =	ssettag $0x1  }
0x1: {  	s4 =	rddreg [dreg:$0x0]  }
0x2: {  	s6 =	rddreg [dreg:$0x1];
	s1 =	srdreg.scid  }
0x3: {  	s0 =	stileid.u32;
	s2 =	rddreg [dreg:$0x2]  }
0x4: {  	s7 =	rddreg [dreg:$0x3];
	s3 =	simm.s32 $0x0;
	s11 =	simm.s32 $0xCC80  }
0x5: {  	s12 =	simm.s32 $0x68;
	s13 =	simm.s32 $0x60;
	s14 =	simm.s32 $0x1  }
0x6: {  	s15 =	simm.s32 $0xCC90;
	s5 =	sand.u32 $0x1, s1;
	s1 =	rddreg [dreg:$0x4]  }
0x7: {  	s16 =	simm.s32 $0x0;
	s31 =	sshll.u32 s0, $0x1;
	[smem:$0x7FF] =	sst s3  }
0x8: {  	vm0 =	vmmov $0x1;
	vm1 =	vmmov $0x3;
	vm2 =	vmmov $0x7;
	s8 =	sor.u32 s5, s31;
	s5 =	ssub.s32 $0x2, s5;
	_ =	strace $0x80000047  }
0x9: {  	vm3 =	vmmov $0xf;
	vm4 =	vmmov $0x1f;
	vm5 =	vmmov $0x3f;
	s9 =	smul.u32 $0xC80, s8;
	s10 =	sshrl.u32 s5, $0x1;
	s8 =	sshll.u32 s8, $0x4  }
0xa: {  	vm6 =	vmmov $0x7f;
	vm7 =	vmmov $0xff;
	vm8 =	vmmov $0x1ff;
	s10 =	ssub.s32 s5, s10;
	s6 =	sadd.s32 s6, s8;
	s7 =	sadd.s32 s7, s8  }
0xb: {  	vm9 =	vmmov $0x3ff;
	vm10 =	vmmov $0x7ff;
	vm11 =	vmmov $0xfff;
	s9 =	sadd.s32 s9, s4;
	s4 =	sadd.s32 $0x19800, s4;
	s8 =	smax.u32 s10, $0x1  }
0xc: {  	vm12 =	vmmov $0x1fff;
	vm13 =	vmmov $0x3fff;
	vm14 =	vmmov $0x7fff;
	s10 =	simm.s32 $0xCC00;
	s5 =	sadd.s32 $0x800, s9;
	s9 =	simm.s32 $0x2  }
.LBB2_1:
0xd: {  	[tilespmem:s3], [sflag:$0x2] =	stream.linear.gather [hbm4b:s5+s3], $0x6400, $0x38;
	[tilespmem:$0xCD10] =	vst v63  }
0xe: {  	_ =	swait.ge [sflag:s9], $0x6400  }
0xf: {  	[sflag:s9] =	ssyncset.done $0x0  }
0x10: {  	[sflag:s9] =	ssyncadd.s32 $0xFFFF9C00  }
0x11: {  	[tilespmem:s10], [sflag:$0x2] =	stream.linear.gather [hbm4b:s6+s3], $0x80, $0x38;
	[tilespmem:$0xCD10] =	vst v63  }
0x12: {  	_ =	swait.ge [sflag:s9], $0x80  }
0x13: {  	[sflag:s9] =	ssyncset.done $0x0  }
0x14: {  	[sflag:s9] =	ssyncadd.s32 $0xFFFFFF80  }
0x15: {  	[tilespmem:s11], [sflag:$0x2] =	stream.linear.gather [hbm4b:s2+s3], $0x1, $0x38;
	[tilespmem:$0xCD10] =	vst v63  }
0x16: {  	_ =	swait.ge [sflag:s9], $0x1  }
0x17: {  	[sflag:s9] =	ssyncset.done $0x0  }
0x18: {  	v0 =	vimm.f32 $0.0e+00;
	[sflag:s9] =	ssyncadd.s32 $0xFFFFFFFF  }
0x19: {  	[tilespmem:$0x64C0] =	vst v0  }
0x1a: {  	[tilespmem:$0x6590] =	vst v0  }
0x1b: {  	[tilespmem:$0x6660] =	vst v0  }
0x1c: {  	[tilespmem:$0x6730] =	vst v0  }
0x1d: {  	[tilespmem:$0x6800] =	vst v0  }
0x1e: {  	[tilespmem:$0x68D0] =	vst v0  }
0x1f: {  	[tilespmem:$0x69A0] =	vst v0  }
0x20: {  	[tilespmem:$0x6A70] =	vst v0  }
0x21: {  	[tilespmem:$0x6B40] =	vst v0  }
0x22: {  	[tilespmem:$0x6C10] =	vst v0  }
0x23: {  	[tilespmem:$0x6CE0] =	vst v0  }
0x24: {  	[tilespmem:$0x6DB0] =	vst v0  }
0x25: {  	[tilespmem:$0x6E80] =	vst v0  }
0x26: {  	[tilespmem:$0x6F50] =	vst v0  }
0x27: {  	[tilespmem:$0x7020] =	vst v0  }
0x28: {  	[tilespmem:$0x70F0] =	vst v0  }
0x29: {  	[tilespmem:$0x71C0] =	vst v0  }
0x2a: {  	[tilespmem:$0x7290] =	vst v0  }
0x2b: {  	[tilespmem:$0x7360] =	vst v0  }
0x2c: {  	[tilespmem:$0x7430] =	vst v0  }
0x2d: {  	[tilespmem:$0x7500] =	vst v0  }
0x2e: {  	[tilespmem:$0x75D0] =	vst v0  }
0x2f: {  	[tilespmem:$0x76A0] =	vst v0  }
0x30: {  	[tilespmem:$0x7770] =	vst v0  }
0x31: {  	[tilespmem:$0x7840] =	vst v0  }
0x32: {  	[tilespmem:$0x7910] =	vst v0  }
0x33: {  	[tilespmem:$0x79E0] =	vst v0  }
0x34: {  	[tilespmem:$0x7AB0] =	vst v0  }
0x35: {  	[tilespmem:$0x7B80] =	vst v0  }
0x36: {  	[tilespmem:$0x7C50] =	vst v0  }
0x37: {  	[tilespmem:$0x7D20] =	vst v0  }
0x38: {  	[tilespmem:$0x7DF0] =	vst v0  }
0x39: {  	[tilespmem:$0x7EC0] =	vst v0  }
0x3a: {  	[tilespmem:$0x7F90] =	vst v0  }
0x3b: {  	[tilespmem:$0x8060] =	vst v0  }
0x3c: {  	[tilespmem:$0x8130] =	vst v0  }
0x3d: {  	[tilespmem:$0x8200] =	vst v0  }
0x3e: {  	[tilespmem:$0x82D0] =	vst v0  }
0x3f: {  	[tilespmem:$0x83A0] =	vst v0  }
0x40: {  	[tilespmem:$0x8470] =	vst v0  }
0x41: {  	[tilespmem:$0x8540] =	vst v0  }
0x42: {  	[tilespmem:$0x8610] =	vst v0  }
0x43: {  	[tilespmem:$0x86E0] =	vst v0  }
0x44: {  	[tilespmem:$0x87B0] =	vst v0  }
0x45: {  	[tilespmem:$0x8880] =	vst v0  }
0x46: {  	[tilespmem:$0x8950] =	vst v0  }
0x47: {  	[tilespmem:$0x8A20] =	vst v0  }
0x48: {  	[tilespmem:$0x8AF0] =	vst v0  }
0x49: {  	[tilespmem:$0x8BC0] =	vst v0  }
0x4a: {  	[tilespmem:$0x8C90] =	vst v0  }
0x4b: {  	[tilespmem:$0x8D60] =	vst v0  }
0x4c: {  	[tilespmem:$0x8E30] =	vst v0  }
0x4d: {  	[tilespmem:$0x8F00] =	vst v0  }
0x4e: {  	[tilespmem:$0x8FD0] =	vst v0  }
0x4f: {  	[tilespmem:$0x90A0] =	vst v0  }
0x50: {  	[tilespmem:$0x9170] =	vst v0  }
0x51: {  	[tilespmem:$0x9240] =	vst v0  }
0x52: {  	[tilespmem:$0x9310] =	vst v0  }
0x53: {  	[tilespmem:$0x93E0] =	vst v0  }
0x54: {  	[tilespmem:$0x94B0] =	vst v0  }
0x55: {  	[tilespmem:$0x9580] =	vst v0  }
0x56: {  	[tilespmem:$0x9650] =	vst v0  }
0x57: {  	[tilespmem:$0x9720] =	vst v0  }
0x58: {  	[tilespmem:$0x97F0] =	vst v0  }
0x59: {  	[tilespmem:$0x98C0] =	vst v0  }
0x5a: {  	[tilespmem:$0x9990] =	vst v0  }
0x5b: {  	[tilespmem:$0x9A60] =	vst v0  }
0x5c: {  	[tilespmem:$0x9B30] =	vst v0  }
0x5d: {  	[tilespmem:$0x9C00] =	vst v0  }
0x5e: {  	[tilespmem:$0x9CD0] =	vst v0  }
0x5f: {  	[tilespmem:$0x9DA0] =	vst v0  }
0x60: {  	[tilespmem:$0x9E70] =	vst v0  }
0x61: {  	[tilespmem:$0x9F40] =	vst v0  }
0x62: {  	[tilespmem:$0xA010] =	vst v0  }
0x63: {  	[tilespmem:$0xA0E0] =	vst v0  }
0x64: {  	[tilespmem:$0xA1B0] =	vst v0  }
0x65: {  	[tilespmem:$0xA280] =	vst v0  }
0x66: {  	[tilespmem:$0xA350] =	vst v0  }
0x67: {  	[tilespmem:$0xA420] =	vst v0  }
0x68: {  	[tilespmem:$0xA4F0] =	vst v0  }
0x69: {  	[tilespmem:$0xA5C0] =	vst v0  }
0x6a: {  	[tilespmem:$0xA690] =	vst v0  }
0x6b: {  	[tilespmem:$0xA760] =	vst v0  }
0x6c: {  	[tilespmem:$0xA830] =	vst v0  }
0x6d: {  	[tilespmem:$0xA900] =	vst v0  }
0x6e: {  	[tilespmem:$0xA9D0] =	vst v0  }
0x6f: {  	[tilespmem:$0xAAA0] =	vst v0  }
0x70: {  	[tilespmem:$0xAB70] =	vst v0  }
0x71: {  	[tilespmem:$0xAC40] =	vst v0  }
0x72: {  	[tilespmem:$0xAD10] =	vst v0  }
0x73: {  	[tilespmem:$0xADE0] =	vst v0  }
0x74: {  	[tilespmem:$0xAEB0] =	vst v0  }
0x75: {  	[tilespmem:$0xAF80] =	vst v0  }
0x76: {  	[tilespmem:$0xB050] =	vst v0  }
0x77: {  	[tilespmem:$0xB120] =	vst v0  }
0x78: {  	[tilespmem:$0xB1F0] =	vst v0  }
0x79: {  	[tilespmem:$0xB2C0] =	vst v0  }
0x7a: {  	[tilespmem:$0xB390] =	vst v0  }
0x7b: {  	[tilespmem:$0xB460] =	vst v0  }
0x7c: {  	[tilespmem:$0xB530] =	vst v0  }
0x7d: {  	[tilespmem:$0xB600] =	vst v0  }
0x7e: {  	[tilespmem:$0xB6D0] =	vst v0  }
0x7f: {  	[tilespmem:$0xB7A0] =	vst v0  }
0x80: {  	[tilespmem:$0xB870] =	vst v0  }
0x81: {  	[tilespmem:$0xB940] =	vst v0  }
0x82: {  	[tilespmem:$0xBA10] =	vst v0  }
0x83: {  	[tilespmem:$0xBAE0] =	vst v0  }
0x84: {  	[tilespmem:$0xBBB0] =	vst v0  }
0x85: {  	[tilespmem:$0xBC80] =	vst v0  }
0x86: {  	[tilespmem:$0xBD50] =	vst v0  }
0x87: {  	[tilespmem:$0xBE20] =	vst v0  }
0x88: {  	[tilespmem:$0xBEF0] =	vst v0  }
0x89: {  	[tilespmem:$0xBFC0] =	vst v0  }
0x8a: {  	[tilespmem:$0xC090] =	vst v0  }
0x8b: {  	[tilespmem:$0xC160] =	vst v0  }
0x8c: {  	[tilespmem:$0xC230] =	vst v0  }
0x8d: {  	[tilespmem:$0xC300] =	vst v0  }
0x8e: {  	[tilespmem:$0xC3D0] =	vst v0  }
0x8f: {  	[tilespmem:$0xC4A0] =	vst v0  }
0x90: {  	[tilespmem:$0xC570] =	vst v0  }
0x91: {  	[tilespmem:$0xC640] =	vst v0  }
0x92: {  	[tilespmem:$0xC710] =	vst v0  }
0x93: {  	[tilespmem:$0xC7E0] =	vst v0  }
0x94: {  	[tilespmem:$0xC8B0] =	vst v0  }
0x95: {  	[tilespmem:$0xC980] =	vst v0  }
0x96: {  	[tilespmem:$0xCA50] =	vst v0  }
0x97: {  	[tilespmem:$0xCB20] =	vst v0  }
0x98: {  	s17 =	simm.s32 $0x6400;
	[tilespmem:$0xCBF0] =	vst v0  }
0x99: {  	v1 =	vld [tilespmem:$0xCC80];
	[tilespmem:s17], [sflag:$0x1] =	stream.indirect.gather [hbm4b:s4+s12], $0x1, s3, s12, $0xb8  }
0x9a: {  	s20 =	simm.s32 $0x6468;
	s18 =	simm.s32 $0x68  }
0x9b: {  	[tilespmem:s20], [sflag:$0x1] =	stream.indirect.gather [hbm4b:s4+s13], $0x1, s18, s13, $0xb8;
	[tilespmem:$0xCD10] =	vst v63  }
0x9c: {  	s21 =	simm.s32 $0x64D0;
	s22 =	simm.s32 $0xC8  }
0x9d: {  	[tilespmem:s21], [sflag:$0x1] =	stream.indirect.gather [hbm4b:s4+s12], $0x1, s22, s12, $0xb8;
	[tilespmem:$0xCD10] =	vst v63  }
0x9e: {  	s23 =	simm.s32 $0x6538;
	s24 =	simm.s32 $0x130  }
0x9f: {  	[tilespmem:s23], [sflag:$0x1] =	stream.indirect.gather [hbm4b:s4+s13], $0x1, s24, s13, $0xb8;
	[tilespmem:$0xCD10] =	vst v63  }
0xa0: {  	s25 =	simm.s32 $0x65A0;
	s26 =	simm.s32 $0x190  }
0xa1: {  	[tilespmem:s25], [sflag:$0x1] =	stream.indirect.gather [hbm4b:s4+s12], $0x1, s26, s12, $0xb8;
	[tilespmem:$0xCD10] =	vst v63  }
0xa2: {  	s28 =	simm.s32 $0x6608;
	s29 =	simm.s32 $0x1F8  }
0xa3: {  	[tilespmem:s28], [sflag:$0x1] =	stream.indirect.gather [hbm4b:s4+s13], $0x1, s29, s13, $0xb8;
	[tilespmem:$0xCD10] =	vst v63  }
0xa4: {  	s30 =	simm.s32 $0x6670;
	s31 =	simm.s32 $0x258  }
0xa5: {  	[tilespmem:s30], [sflag:$0x1] =	stream.indirect.gather [hbm4b:s4+s12], $0x1, s31, s12, $0xb8;
	[tilespmem:$0xCD10] =	vst v63  }
0xa6: {  	s19 =	simm.s32 $0x66D8;
	s20 =	simm.s32 $0x2C0  }
0xa7: {  	[tilespmem:s19], [sflag:$0x1] =	stream.indirect.gather [hbm4b:s4+s13], $0x1, s20, s13, $0xb8;
	[tilespmem:$0xCD10] =	vst v63  }
0xa8: {  	s21 =	simm.s32 $0x6740;
	s22 =	simm.s32 $0x320  }
0xa9: {  	[tilespmem:s21], [sflag:$0x1] =	stream.indirect.gather [hbm4b:s4+s12], $0x1, s22, s12, $0xb8;
	[tilespmem:$0xCD10] =	vst v63  }
0xaa: {  	s23 =	simm.s32 $0x67A8;
	s24 =	simm.s32 $0x388  }
0xab: {  	[tilespmem:s23], [sflag:$0x1] =	stream.indirect.gather [hbm4b:s4+s13], $0x1, s24, s13, $0xb8;
	[tilespmem:$0xCD10] =	vst v63  }
0xac: {  	s25 =	simm.s32 $0x6810;
	s26 =	simm.s32 $0x3E8  }
0xad: {  	[tilespmem:s25], [sflag:$0x1] =	stream.indirect.gather [hbm4b:s4+s12], $0x1, s26, s12, $0xb8;
	[tilespmem:$0xCD10] =	vst v63  }
0xae: {  	s28 =	simm.s32 $0x6878;
	s29 =	simm.s32 $0x450  }
0xaf: {  	[tilespmem:s28], [sflag:$0x1] =	stream.indirect.gather [hbm4b:s4+s13], $0x1, s29, s13, $0xb8;
	[tilespmem:$0xCD10] =	vst v63  }
0xb0: {  	s30 =	simm.s32 $0x68E0;
	s31 =	simm.s32 $0x4B0  }
0xb1: {  	[tilespmem:s30], [sflag:$0x1] =	stream.indirect.gather [hbm4b:s4+s12], $0x1, s31, s12, $0xb8;
	[tilespmem:$0xCD10] =	vst v63  }
0xb2: {  	s19 =	simm.s32 $0x6948;
	s20 =	simm.s32 $0x518  }
0xb3: {  	[tilespmem:s19], [sflag:$0x1] =	stream.indirect.gather [hbm4b:s4+s13], $0x1, s20, s13, $0xb8;
	[tilespmem:$0xCD10] =	vst v63  }
0xb4: {  	s21 =	simm.s32 $0x69B0;
	s22 =	simm.s32 $0x578  }
0xb5: {  	[tilespmem:s21], [sflag:$0x1] =	stream.indirect.gather [hbm4b:s4+s12], $0x1, s22, s12, $0xb8;
	[tilespmem:$0xCD10] =	vst v63  }
0xb6: {  	s23 =	simm.s32 $0x6A18;
	s24 =	simm.s32 $0x5E0  }
0xb7: {  	[tilespmem:s23], [sflag:$0x1] =	stream.indirect.gather [hbm4b:s4+s13], $0x1, s24, s13, $0xb8;
	[tilespmem:$0xCD10] =	vst v63  }
0xb8: {  	s25 =	simm.s32 $0x6A80;
	s26 =	simm.s32 $0x640  }
0xb9: {  	[tilespmem:s25], [sflag:$0x1] =	stream.indirect.gather [hbm4b:s4+s12], $0x1, s26, s12, $0xb8;
	[tilespmem:$0xCD10] =	vst v63  }
0xba: {  	s28 =	simm.s32 $0x6AE8;
	s29 =	simm.s32 $0x6A8  }
0xbb: {  	[tilespmem:s28], [sflag:$0x1] =	stream.indirect.gather [hbm4b:s4+s13], $0x1, s29, s13, $0xb8;
	[tilespmem:$0xCD10] =	vst v63  }
0xbc: {  	s30 =	simm.s32 $0x6B50;
	s31 =	simm.s32 $0x708  }
0xbd: {  	[tilespmem:s30], [sflag:$0x1] =	stream.indirect.gather [hbm4b:s4+s12], $0x1, s31, s12, $0xb8;
	[tilespmem:$0xCD10] =	vst v63  }
0xbe: {  	s19 =	simm.s32 $0x6BB8;
	s20 =	simm.s32 $0x770  }
0xbf: {  	[tilespmem:s19], [sflag:$0x1] =	stream.indirect.gather [hbm4b:s4+s13], $0x1, s20, s13, $0xb8;
	[tilespmem:$0xCD10] =	vst v63  }
0xc0: {  	s21 =	simm.s32 $0x6C20;
	s22 =	simm.s32 $0x7D0  }
0xc1: {  	[tilespmem:s21], [sflag:$0x1] =	stream.indirect.gather [hbm4b:s4+s12], $0x1, s22, s12, $0xb8;
	[tilespmem:$0xCD10] =	vst v63  }
0xc2: {  	s23 =	simm.s32 $0x6C88;
	s24 =	simm.s32 $0x838  }
0xc3: {  	[tilespmem:s23], [sflag:$0x1] =	stream.indirect.gather [hbm4b:s4+s13], $0x1, s24, s13, $0xb8;
	[tilespmem:$0xCD10] =	vst v63  }
0xc4: {  	s25 =	simm.s32 $0x6CF0;
	s26 =	simm.s32 $0x898  }
0xc5: {  	[tilespmem:s25], [sflag:$0x1] =	stream.indirect.gather [hbm4b:s4+s12], $0x1, s26, s12, $0xb8;
	[tilespmem:$0xCD10] =	vst v63  }
0xc6: {  	s28 =	simm.s32 $0x6D58;
	s29 =	simm.s32 $0x900  }
0xc7: {  	[tilespmem:s28], [sflag:$0x1] =	stream.indirect.gather [hbm4b:s4+s13], $0x1, s29, s13, $0xb8;
	[tilespmem:$0xCD10] =	vst v63  }
0xc8: {  	s30 =	simm.s32 $0x6DC0;
	s31 =	simm.s32 $0x960  }
0xc9: {  	[tilespmem:s30], [sflag:$0x1] =	stream.indirect.gather [hbm4b:s4+s12], $0x1, s31, s12, $0xb8;
	[tilespmem:$0xCD10] =	vst v63  }
0xca: {  	s19 =	simm.s32 $0x6E28;
	s20 =	simm.s32 $0x9C8  }
0xcb: {  	[tilespmem:s19], [sflag:$0x1] =	stream.indirect.gather [hbm4b:s4+s13], $0x1, s20, s13, $0xb8;
	[tilespmem:$0xCD10] =	vst v63  }
0xcc: {  	s17 =	simm.s32 $0xD00;
	s21 =	simm.s32 $0x6E90;
	s22 =	simm.s32 $0xA28  }
0xcd: {  	[tilespmem:s21], [sflag:$0x1] =	stream.indirect.gather [hbm4b:s4+s12], $0x1, s22, s12, $0xb8;
	[tilespmem:$0xCD10] =	vst v63  }
0xce: {  	s18 =	simm.s32 $0xC80;
	s23 =	simm.s32 $0x6EF8;
	s24 =	simm.s32 $0xA90  }
0xcf: {  	[tilespmem:s23], [sflag:$0x1] =	stream.indirect.gather [hbm4b:s4+s13], $0x1, s24, s13, $0xb8;
	[tilespmem:$0xCD10] =	vst v63  }
0xd0: {  	s25 =	simm.s32 $0x6F60;
	s26 =	simm.s32 $0xAF0;
	s28 =	simm.s32 $0x6FC8  }
0xd1: {  	[tilespmem:s25], [sflag:$0x1] =	stream.indirect.gather [hbm4b:s4+s12], $0x1, s26, s12, $0xb8;
	[tilespmem:$0xCD10] =	vst v63  }
0xd2: {  	s29 =	simm.s32 $0xB58;
	s30 =	simm.s32 $0x7030;
	s31 =	simm.s32 $0xBB8  }
0xd3: {  	[tilespmem:s28], [sflag:$0x1] =	stream.indirect.gather [hbm4b:s4+s13], $0x1, s29, s13, $0xb8;
	[tilespmem:$0xCD10] =	vst v63  }
0xd4: {  	s19 =	simm.s32 $0x7098;
	s21 =	simm.s32 $0x6800;
	s22 =	simm.s32 $0xC20  }
0xd5: {  	[tilespmem:s30], [sflag:$0x1] =	stream.indirect.gather [hbm4b:s4+s12], $0x1, s31, s12, $0xb8;
	[tilespmem:$0xCD10] =	vst v63  }
.LBB2_2:
0xd6: {  	[tilespmem:s19], [sflag:$0x1] =	stream.indirect.gather [hbm4b:s4+s13], $0x1, s22, s13, $0xb8;
	[tilespmem:$0xCD10] =	vst v63  }
0xd7: {  	s19 =	smov.u32 s17;
	s17 =	smov.u32 s21  }
0xd8: {  	s20 =	sadd.s32 $0x3400, s21;
	s17 =	sshra.s32 s17, $0x2;
	s22 =	sadd.s32 $0x6400, s19  }
0xd9: {  	[tilespmem:s22], [sflag:$0x1] =	stream.indirect.gather [hbm4b:s4+s12], $0x1, s18, s12, $0xb8;
	[tilespmem:$0xCD10] =	vst v63  }
0xda: {  	p0 =	seq.s32 s21, $0x16C00;
	s21 =	sadd.s32 $0x6468, s19;
	s22 =	sadd.s32 $0x68, s18  }
0xdb: {  	[tilespmem:s21], [sflag:$0x1] =	stream.indirect.gather [hbm4b:s4+s13], $0x1, s22, s13, $0xb8;
	[tilespmem:$0xCD10] =	vst v63  }
0xdc: {  	s21 =	sadd.s32 $0x64D0, s19;
	s22 =	sadd.s32 $0xC8, s18  }
0xdd: {  	[tilespmem:s21], [sflag:$0x1] =	stream.indirect.gather [hbm4b:s4+s12], $0x1, s22, s12, $0xb8;
	[tilespmem:$0xCD10] =	vst v63  }
0xde: {  	s21 =	sadd.s32 $0x6538, s19;
	s22 =	sadd.s32 $0x130, s18  }
0xdf: {  	[tilespmem:s21], [sflag:$0x1] =	stream.indirect.gather [hbm4b:s4+s13], $0x1, s22, s13, $0xb8;
	[tilespmem:$0xCD10] =	vst v63  }
0xe0: {  	s21 =	sadd.s32 $0x65A0, s19;
	s22 =	sadd.s32 $0x190, s18  }
0xe1: {  	[tilespmem:s21], [sflag:$0x1] =	stream.indirect.gather [hbm4b:s4+s12], $0x1, s22, s12, $0xb8;
	[tilespmem:$0xCD10] =	vst v63  }
0xe2: {  	s21 =	sadd.s32 $0x6608, s19;
	s22 =	sadd.s32 $0x1F8, s18  }
0xe3: {  	[tilespmem:s21], [sflag:$0x1] =	stream.indirect.gather [hbm4b:s4+s13], $0x1, s22, s13, $0xb8;
	[tilespmem:$0xCD10] =	vst v63  }
0xe4: {  	s21 =	sadd.s32 $0x6670, s19;
	s22 =	sadd.s32 $0x258, s18  }
0xe5: {  	[tilespmem:s21], [sflag:$0x1] =	stream.indirect.gather [hbm4b:s4+s12], $0x1, s22, s12, $0xb8;
	[tilespmem:$0xCD10] =	vst v63  }
0xe6: {  	s21 =	sadd.s32 $0x66D8, s19;
	s22 =	sadd.s32 $0x2C0, s18  }
0xe7: {  	[tilespmem:s21], [sflag:$0x1] =	stream.indirect.gather [hbm4b:s4+s13], $0x1, s22, s13, $0xb8;
	[tilespmem:$0xCD10] =	vst v63  }
0xe8: {  	s21 =	sadd.s32 $0x6740, s19;
	s22 =	sadd.s32 $0x320, s18  }
0xe9: {  	[tilespmem:s21], [sflag:$0x1] =	stream.indirect.gather [hbm4b:s4+s12], $0x1, s22, s12, $0xb8;
	[tilespmem:$0xCD10] =	vst v63  }
0xea: {  	s21 =	sadd.s32 $0x67A8, s19;
	s22 =	sadd.s32 $0x388, s18  }
0xeb: {  	[tilespmem:s21], [sflag:$0x1] =	stream.indirect.gather [hbm4b:s4+s13], $0x1, s22, s13, $0xb8;
	[tilespmem:$0xCD10] =	vst v63  }
0xec: {  	s21 =	sadd.s32 $0x6810, s19;
	s22 =	sadd.s32 $0x3E8, s18  }
0xed: {  	[tilespmem:s21], [sflag:$0x1] =	stream.indirect.gather [hbm4b:s4+s12], $0x1, s22, s12, $0xb8;
	[tilespmem:$0xCD10] =	vst v63  }
0xee: {  	s21 =	sadd.s32 $0x6878, s19;
	s22 =	sadd.s32 $0x450, s18  }
0xef: {  	[tilespmem:s21], [sflag:$0x1] =	stream.indirect.gather [hbm4b:s4+s13], $0x1, s22, s13, $0xb8;
	[tilespmem:$0xCD10] =	vst v63  }
0xf0: {  	s21 =	sadd.s32 $0x68E0, s19;
	s22 =	sadd.s32 $0x4B0, s18  }
0xf1: {  	[tilespmem:s21], [sflag:$0x1] =	stream.indirect.gather [hbm4b:s4+s12], $0x1, s22, s12, $0xb8;
	[tilespmem:$0xCD10] =	vst v63  }
0xf2: {  	s21 =	sadd.s32 $0x6948, s19;
	s22 =	sadd.s32 $0x518, s18  }
0xf3: {  	[tilespmem:s21], [sflag:$0x1] =	stream.indirect.gather [hbm4b:s4+s13], $0x1, s22, s13, $0xb8;
	[tilespmem:$0xCD10] =	vst v63  }
0xf4: {  	s21 =	sadd.s32 $0x69B0, s19;
	s22 =	sadd.s32 $0x578, s18  }
0xf5: {  	[tilespmem:s21], [sflag:$0x1] =	stream.indirect.gather [hbm4b:s4+s12], $0x1, s22, s12, $0xb8;
	[tilespmem:$0xCD10] =	vst v63  }
0xf6: {  	s21 =	sadd.s32 $0x6A18, s19;
	s22 =	sadd.s32 $0x5E0, s18  }
0xf7: {  	[tilespmem:s21], [sflag:$0x1] =	stream.indirect.gather [hbm4b:s4+s13], $0x1, s22, s13, $0xb8;
	[tilespmem:$0xCD10] =	vst v63  }
0xf8: {  	s21 =	sadd.s32 $0x6A80, s19;
	s22 =	sadd.s32 $0x640, s18  }
0xf9: {  	[tilespmem:s21], [sflag:$0x1] =	stream.indirect.gather [hbm4b:s4+s12], $0x1, s22, s12, $0xb8;
	[tilespmem:$0xCD10] =	vst v63  }
0xfa: {  	s21 =	sadd.s32 $0x6AE8, s19;
	s22 =	sadd.s32 $0x6A8, s18  }
0xfb: {  	[tilespmem:s21], [sflag:$0x1] =	stream.indirect.gather [hbm4b:s4+s13], $0x1, s22, s13, $0xb8;
	[tilespmem:$0xCD10] =	vst v63  }
0xfc: {  	s21 =	sadd.s32 $0x6B50, s19;
	s22 =	sadd.s32 $0x708, s18  }
0xfd: {  	[tilespmem:s21], [sflag:$0x1] =	stream.indirect.gather [hbm4b:s4+s12], $0x1, s22, s12, $0xb8;
	[tilespmem:$0xCD10] =	vst v63  }
0xfe: {  	s21 =	sadd.s32 $0x6BB8, s19;
	s22 =	sadd.s32 $0x770, s18  }
0xff: {  	[tilespmem:s21], [sflag:$0x1] =	stream.indirect.gather [hbm4b:s4+s13], $0x1, s22, s13, $0xb8;
	[tilespmem:$0xCD10] =	vst v63  }
0x100: {  	s21 =	sadd.s32 $0x6C20, s19;
	s22 =	sadd.s32 $0x7D0, s18  }
0x101: {  	[tilespmem:s21], [sflag:$0x1] =	stream.indirect.gather [hbm4b:s4+s12], $0x1, s22, s12, $0xb8;
	[tilespmem:$0xCD10] =	vst v63  }
0x102: {  	s21 =	sadd.s32 $0x6C88, s19;
	s22 =	sadd.s32 $0x838, s18  }
0x103: {  	[tilespmem:s21], [sflag:$0x1] =	stream.indirect.gather [hbm4b:s4+s13], $0x1, s22, s13, $0xb8;
	[tilespmem:$0xCD10] =	vst v63  }
0x104: {  	s21 =	sadd.s32 $0x6CF0, s19;
	s22 =	sadd.s32 $0x898, s18  }
0x105: {  	[tilespmem:s21], [sflag:$0x1] =	stream.indirect.gather [hbm4b:s4+s12], $0x1, s22, s12, $0xb8;
	[tilespmem:$0xCD10] =	vst v63  }
0x106: {  	s21 =	sadd.s32 $0x6D58, s19;
	s22 =	sadd.s32 $0x900, s18  }
0x107: {  	[tilespmem:s21], [sflag:$0x1] =	stream.indirect.gather [hbm4b:s4+s13], $0x1, s22, s13, $0xb8;
	[tilespmem:$0xCD10] =	vst v63  }
0x108: {  	s21 =	sadd.s32 $0x6DC0, s19;
	s22 =	sadd.s32 $0x960, s18  }
0x109: {  	[tilespmem:s21], [sflag:$0x1] =	stream.indirect.gather [hbm4b:s4+s12], $0x1, s22, s12, $0xb8;
	[tilespmem:$0xCD10] =	vst v63  }
0x10a: {  	s21 =	sadd.s32 $0x6E28, s19;
	s22 =	sadd.s32 $0x9C8, s18  }
0x10b: {  	[tilespmem:s21], [sflag:$0x1] =	stream.indirect.gather [hbm4b:s4+s13], $0x1, s22, s13, $0xb8;
	[tilespmem:$0xCD10] =	vst v63  }
0x10c: {  	s21 =	sadd.s32 $0x6E90, s19;
	s22 =	sadd.s32 $0xA28, s18  }
0x10d: {  	[tilespmem:s21], [sflag:$0x1] =	stream.indirect.gather [hbm4b:s4+s12], $0x1, s22, s12, $0xb8;
	[tilespmem:$0xCD10] =	vst v63  }
0x10e: {  	s21 =	sadd.s32 $0x6EF8, s19;
	s22 =	sadd.s32 $0xA90, s18  }
0x10f: {  	[tilespmem:s21], [sflag:$0x1] =	stream.indirect.gather [hbm4b:s4+s13], $0x1, s22, s13, $0xb8;
	[tilespmem:$0xCD10] =	vst v63  }
0x110: {  	s21 =	sadd.s32 $0x6F60, s19;
	s22 =	sadd.s32 $0xAF0, s18  }
0x111: {  	[tilespmem:s21], [sflag:$0x1] =	stream.indirect.gather [hbm4b:s4+s12], $0x1, s22, s12, $0xb8;
	[tilespmem:$0xCD10] =	vst v63  }
.Ltmp0:
0x112: {  	s21 =	sadd.s32 $0x6FC8, s19;
	s22 =	sadd.s32 $0xB58, s18;
	(pc) =	sbr.rel @!p0 .LBB2_2-.Ltmp0, $4  }
0x113: {  	[tilespmem:s21], [sflag:$0x1] =	stream.indirect.gather [hbm4b:s4+s13], $0x1, s22, s13, $0xb8;
	[tilespmem:$0xCD10] =	vst v63  }
0x114: {  	s21 =	sadd.s32 $0x7030, s19;
	s22 =	sadd.s32 $0xBB8, s18;
	s19 =	sadd.s32 $0x7098, s19  }
0x115: {  	[tilespmem:s21], [sflag:$0x1] =	stream.indirect.gather [hbm4b:s4+s12], $0x1, s22, s12, $0xb8;
	[tilespmem:$0xCD10] =	vst v63  }
0x116: {  	s22 =	sadd.s32 $0xC20, s18;
	s18 =	sadd.s32 $0xC80, s18;
	s21 =	smov.u32 s20  }
0x117: {  	[tilespmem:s19], [sflag:$0x1] =	stream.indirect.gather [hbm4b:s4+s13], $0x1, s22, s13, $0xb8;
	[tilespmem:$0xCD10] =	vst v63  }
0x118: {  	s30 =	sadd.s32 $0x6400, s17  }
0x119: {  	[tilespmem:s30], [sflag:$0x1] =	stream.indirect.gather [hbm4b:s4+s12], $0x1, s18, s12, $0xb8;
	[tilespmem:$0xCD10] =	vst v63  }
0x11a: {  	s31 =	sadd.s32 $0x6468, s17;
	s20 =	sadd.s32 $0x68, s18  }
0x11b: {  	[tilespmem:s31], [sflag:$0x1] =	stream.indirect.gather [hbm4b:s4+s13], $0x1, s20, s13, $0xb8;
	[tilespmem:$0xCD10] =	vst v63  }
0x11c: {  	s21 =	sadd.s32 $0x64D0, s17;
	s22 =	sadd.s32 $0xC8, s18  }
0x11d: {  	[tilespmem:s21], [sflag:$0x1] =	stream.indirect.gather [hbm4b:s4+s12], $0x1, s22, s12, $0xb8;
	[tilespmem:$0xCD10] =	vst v63  }
0x11e: {  	s23 =	sadd.s32 $0x6538, s17;
	s24 =	sadd.s32 $0x130, s18  }
0x11f: {  	[tilespmem:s23], [sflag:$0x1] =	stream.indirect.gather [hbm4b:s4+s13], $0x1, s24, s13, $0xb8;
	[tilespmem:$0xCD10] =	vst v63  }
0x120: {  	s25 =	sadd.s32 $0x65A0, s17;
	s26 =	sadd.s32 $0x190, s18  }
0x121: {  	[tilespmem:s25], [sflag:$0x1] =	stream.indirect.gather [hbm4b:s4+s12], $0x1, s26, s12, $0xb8;
	[tilespmem:$0xCD10] =	vst v63  }
0x122: {  	s28 =	sadd.s32 $0x6608, s17;
	s29 =	sadd.s32 $0x1F8, s18  }
0x123: {  	[tilespmem:s28], [sflag:$0x1] =	stream.indirect.gather [hbm4b:s4+s13], $0x1, s29, s13, $0xb8;
	[tilespmem:$0xCD10] =	vst v63  }
0x124: {  	s30 =	sadd.s32 $0x6670, s17;
	s31 =	sadd.s32 $0x258, s18  }
0x125: {  	[tilespmem:s30], [sflag:$0x1] =	stream.indirect.gather [hbm4b:s4+s12], $0x1, s31, s12, $0xb8;
	[tilespmem:$0xCD10] =	vst v63  }
0x126: {  	s21 =	sadd.s32 $0x66D8, s17;
	s22 =	sadd.s32 $0x2C0, s18  }
0x127: {  	[tilespmem:s21], [sflag:$0x1] =	stream.indirect.gather [hbm4b:s4+s13], $0x1, s22, s13, $0xb8;
	[tilespmem:$0xCD10] =	vst v63  }
0x128: {  	s23 =	sadd.s32 $0x6740, s17;
	s24 =	sadd.s32 $0x320, s18  }
0x129: {  	[tilespmem:s23], [sflag:$0x1] =	stream.indirect.gather [hbm4b:s4+s12], $0x1, s24, s12, $0xb8;
	[tilespmem:$0xCD10] =	vst v63  }
0x12a: {  	s25 =	sadd.s32 $0x67A8, s17;
	s26 =	sadd.s32 $0x388, s18  }
0x12b: {  	[tilespmem:s25], [sflag:$0x1] =	stream.indirect.gather [hbm4b:s4+s13], $0x1, s26, s13, $0xb8;
	[tilespmem:$0xCD10] =	vst v63  }
0x12c: {  	s28 =	sadd.s32 $0x6810, s17;
	s29 =	sadd.s32 $0x3E8, s18  }
0x12d: {  	[tilespmem:s28], [sflag:$0x1] =	stream.indirect.gather [hbm4b:s4+s12], $0x1, s29, s12, $0xb8;
	[tilespmem:$0xCD10] =	vst v63  }
0x12e: {  	s30 =	sadd.s32 $0x6878, s17;
	s31 =	sadd.s32 $0x450, s18  }
0x12f: {  	[tilespmem:s30], [sflag:$0x1] =	stream.indirect.gather [hbm4b:s4+s13], $0x1, s31, s13, $0xb8;
	[tilespmem:$0xCD10] =	vst v63  }
0x130: {  	s21 =	sadd.s32 $0x68E0, s17;
	s22 =	sadd.s32 $0x4B0, s18  }
0x131: {  	[tilespmem:s21], [sflag:$0x1] =	stream.indirect.gather [hbm4b:s4+s12], $0x1, s22, s12, $0xb8;
	[tilespmem:$0xCD10] =	vst v63  }
0x132: {  	s23 =	sadd.s32 $0x6948, s17;
	s24 =	sadd.s32 $0x518, s18  }
0x133: {  	[tilespmem:s23], [sflag:$0x1] =	stream.indirect.gather [hbm4b:s4+s13], $0x1, s24, s13, $0xb8;
	[tilespmem:$0xCD10] =	vst v63  }
0x134: {  	s25 =	sadd.s32 $0x69B0, s17;
	s26 =	sadd.s32 $0x578, s18  }
0x135: {  	[tilespmem:s25], [sflag:$0x1] =	stream.indirect.gather [hbm4b:s4+s12], $0x1, s26, s12, $0xb8;
	[tilespmem:$0xCD10] =	vst v63  }
0x136: {  	s28 =	sadd.s32 $0x6A18, s17;
	s29 =	sadd.s32 $0x5E0, s18  }
0x137: {  	[tilespmem:s28], [sflag:$0x1] =	stream.indirect.gather [hbm4b:s4+s13], $0x1, s29, s13, $0xb8;
	[tilespmem:$0xCD10] =	vst v63  }
0x138: {  	s30 =	sadd.s32 $0x6A80, s17;
	s31 =	sadd.s32 $0x640, s18  }
0x139: {  	[tilespmem:s30], [sflag:$0x1] =	stream.indirect.gather [hbm4b:s4+s12], $0x1, s31, s12, $0xb8;
	[tilespmem:$0xCD10] =	vst v63  }
0x13a: {  	s21 =	sadd.s32 $0x6AE8, s17;
	s22 =	sadd.s32 $0x6A8, s18  }
0x13b: {  	[tilespmem:s21], [sflag:$0x1] =	stream.indirect.gather [hbm4b:s4+s13], $0x1, s22, s13, $0xb8;
	[tilespmem:$0xCD10] =	vst v63  }
0x13c: {  	s23 =	sadd.s32 $0x6B50, s17;
	s24 =	sadd.s32 $0x708, s18  }
0x13d: {  	[tilespmem:s23], [sflag:$0x1] =	stream.indirect.gather [hbm4b:s4+s12], $0x1, s24, s12, $0xb8;
	[tilespmem:$0xCD10] =	vst v63  }
0x13e: {  	s25 =	sadd.s32 $0x6BB8, s17;
	s26 =	sadd.s32 $0x770, s18  }
0x13f: {  	[tilespmem:s25], [sflag:$0x1] =	stream.indirect.gather [hbm4b:s4+s13], $0x1, s26, s13, $0xb8;
	[tilespmem:$0xCD10] =	vst v63  }
0x140: {  	s28 =	sadd.s32 $0x6C20, s17;
	s29 =	sadd.s32 $0x7D0, s18  }
0x141: {  	[tilespmem:s28], [sflag:$0x1] =	stream.indirect.gather [hbm4b:s4+s12], $0x1, s29, s12, $0xb8;
	[tilespmem:$0xCD10] =	vst v63  }
0x142: {  	s30 =	sadd.s32 $0x6C88, s17;
	s31 =	sadd.s32 $0x838, s18  }
0x143: {  	[tilespmem:s30], [sflag:$0x1] =	stream.indirect.gather [hbm4b:s4+s13], $0x1, s31, s13, $0xb8;
	[tilespmem:$0xCD10] =	vst v63  }
0x144: {  	s21 =	sadd.s32 $0x6CF0, s17;
	s22 =	sadd.s32 $0x898, s18  }
0x145: {  	[tilespmem:s21], [sflag:$0x1] =	stream.indirect.gather [hbm4b:s4+s12], $0x1, s22, s12, $0xb8;
	[tilespmem:$0xCD10] =	vst v63  }
0x146: {  	s23 =	sadd.s32 $0x6D58, s17;
	s24 =	sadd.s32 $0x900, s18  }
0x147: {  	[tilespmem:s23], [sflag:$0x1] =	stream.indirect.gather [hbm4b:s4+s13], $0x1, s24, s13, $0xb8;
	[tilespmem:$0xCD10] =	vst v63  }
0x148: {  	s25 =	sadd.s32 $0x6DC0, s17;
	s26 =	sadd.s32 $0x960, s18  }
0x149: {  	[tilespmem:s25], [sflag:$0x1] =	stream.indirect.gather [hbm4b:s4+s12], $0x1, s26, s12, $0xb8;
	[tilespmem:$0xCD10] =	vst v63  }
0x14a: {  	s28 =	sadd.s32 $0x6E28, s17;
	s29 =	sadd.s32 $0x9C8, s18  }
0x14b: {  	[tilespmem:s28], [sflag:$0x1] =	stream.indirect.gather [hbm4b:s4+s13], $0x1, s29, s13, $0xb8;
	[tilespmem:$0xCD10] =	vst v63  }
0x14c: {  	s30 =	sadd.s32 $0x6E90, s17;
	s31 =	sadd.s32 $0xA28, s18  }
0x14d: {  	[tilespmem:s30], [sflag:$0x1] =	stream.indirect.gather [hbm4b:s4+s12], $0x1, s31, s12, $0xb8;
	[tilespmem:$0xCD10] =	vst v63  }
0x14e: {  	s21 =	sadd.s32 $0x6EF8, s17;
	s22 =	sadd.s32 $0xA90, s18  }
0x14f: {  	[tilespmem:s21], [sflag:$0x1] =	stream.indirect.gather [hbm4b:s4+s13], $0x1, s22, s13, $0xb8;
	[tilespmem:$0xCD10] =	vst v63  }
0x150: {  	s23 =	sadd.s32 $0x6F60, s17;
	s24 =	sadd.s32 $0xAF0, s18  }
0x151: {  	[tilespmem:s23], [sflag:$0x1] =	stream.indirect.gather [hbm4b:s4+s12], $0x1, s24, s12, $0xb8;
	[tilespmem:$0xCD10] =	vst v63  }
0x152: {  	s25 =	sadd.s32 $0x6FC8, s17;
	s26 =	sadd.s32 $0xB58, s18  }
0x153: {  	[tilespmem:s25], [sflag:$0x1] =	stream.indirect.gather [hbm4b:s4+s13], $0x1, s26, s13, $0xb8;
	[tilespmem:$0xCD10] =	vst v63  }
0x154: {  	v0 =	vbroadcast v1, $0x0;
	s28 =	sadd.s32 $0x7030, s17;
	s29 =	sadd.s32 $0xBB8, s18  }
0x155: {  	[tilespmem:s28], [sflag:$0x1] =	stream.indirect.gather [hbm4b:s4+s12], $0x1, s29, s12, $0xb8;
	[tilespmem:$0xCD10] =	vst v63  }
0x156: {  	[tilespmem:$0x1FFF0] =	vst v0;
	s30 =	sadd.s32 $0x7098, s17;
	s31 =	sadd.s32 $0xC20, s18;
	s17 =	simm.s32 $0x0  }
0x157: {  	[tilespmem:s30], [sflag:$0x1] =	stream.indirect.gather [hbm4b:s4+s13], $0x1, s31, s13, $0xb8;
	[tilespmem:$0xCD10] =	vst v63  }
.LBB2_4:
0x158: {  	_ =	swait.ge [sflag:s14], $0xC80;
	s18 =	smul.u32 $0x3400, s17  }
0x159: {  	[sflag:s14] =	ssyncset.done $0x0  }
0x15a: {  	[sflag:s14] =	ssyncadd.s32 $0xFFFFF380;
	s18 =	sshra.s32 s18, $0x2  }
0x15b: {  	v29 =	vld [tilespmem:s18+$0x6400]  }
0x15c: {  	v18 =	vld [tilespmem:s18+$0x6410]  }
0x15d: {  	v23 =	vld [tilespmem:s18+$0x6420]  }
0x15e: {  	v31 =	vld [tilespmem:s18+$0x6430]  }
0x15f: {  	v37 =	vld [tilespmem:s18+$0x6440]  }
0x160: {  	v45 =	vld [tilespmem:s18+$0x6450]  }
0x161: {  	v52 =	vld [tilespmem:s18+$0x6460]  }
0x162: {  	v61 =	vld [tilespmem:s18+$0x6470]  }
0x163: {  	v63 =	vld [tilespmem:s18+$0x6480]  }
0x164: {  	v0 =	vld [tilespmem:s18+$0x6490]  }
0x165: {  	v48 =	vld [tilespmem:s18+$0x64A0]  }
0x166: {  	v49 =	vld [tilespmem:s18+$0x64B0]  }
0x167: {  	v50 =	vld [tilespmem:s18+$0x64C0]  }
0x168: {  	v24 =	vld [tilespmem:s18+$0x64D0]  }
0x169: {  	v9 =	vld [tilespmem:s18+$0x64E0]  }
0x16a: {  	v12 =	vld [tilespmem:s18+$0x64F0]  }
0x16b: {  	v16 =	vld [tilespmem:s18+$0x6500]  }
0x16c: {  	v22 =	vld [tilespmem:s18+$0x6510]  }
0x16d: {  	v30 =	vld [tilespmem:s18+$0x6520]  }
0x16e: {  	v38 =	vld [tilespmem:s18+$0x6530]  }
0x16f: {  	v44 =	vld [tilespmem:s18+$0x6540]  }
0x170: {  	v56 =	vld [tilespmem:s18+$0x6550]  }
0x171: {  	v60 =	vld [tilespmem:s18+$0x6560]  }
0x172: {  	v51 =	vld [tilespmem:s18+$0x6570]  }
0x173: {  	v53 =	vld [tilespmem:s18+$0x6580]  }
0x174: {  	v54 =	vld [tilespmem:s18+$0x6590]  }
0x175: {  	v3 =	vld [tilespmem:s18+$0x65A0]  }
0x176: {  	v5 =	vld [tilespmem:s18+$0x65B0]  }
0x177: {  	v7 =	vld [tilespmem:s18+$0x65C0]  }
0x178: {  	v10 =	vld [tilespmem:s18+$0x65D0]  }
0x179: {  	v13 =	vld [tilespmem:s18+$0x65E0]  }
0x17a: {  	v17 =	vld [tilespmem:s18+$0x65F0]  }
0x17b: {  	v25 =	vld [tilespmem:s18+$0x6600]  }
0x17c: {  	v32 =	vld [tilespmem:s18+$0x6610]  }
0x17d: {  	v39 =	vld [tilespmem:s18+$0x6620]  }
0x17e: {  	v46 =	vld [tilespmem:s18+$0x6630]  }
0x17f: {  	v55 =	vld [tilespmem:s18+$0x6650]  }
0x180: {  	v57 =	vld [tilespmem:s18+$0x6660]  }
0x181: {  	v2 =	vld [tilespmem:s18+$0x6670]  }
0x182: {  	v4 =	vld [tilespmem:s18+$0x6680]  }
0x183: {  	v6 =	vld [tilespmem:s18+$0x6690]  }
0x184: {  	v8 =	vld [tilespmem:s18+$0x66A0]  }
0x185: {  	v11 =	vld [tilespmem:s18+$0x66B0]  }
0x186: {  	v14 =	vld [tilespmem:s18+$0x66C0]  }
0x187: {  	v20 =	vld [tilespmem:s18+$0x66D0]  }
0x188: {  	v26 =	vld [tilespmem:s18+$0x66E0]  }
0x189: {  	v34 =	vld [tilespmem:s18+$0x66F0]  }
0x18a: {  	v41 =	vld [tilespmem:s18+$0x6700]  }
0x18b: {  	v58 =	vld [tilespmem:s18+$0x6730]  }
0x18c: {  	v59 =	vld [tilespmem:s18+$0x6760]  }
0x18d: {  	v62 =	vld [tilespmem:s18+$0x6770]  }
0x18e: {  	v15 =	vld [tilespmem:s18+$0x6780]  }
0x18f: {  	v19 =	vld [tilespmem:s18+$0x6790]  }
0x190: {  	v21 =	vld [tilespmem:s18+$0x67A0]  }
0x191: {  	v27 =	vld [tilespmem:s18+$0x67B0]  }
0x192: {  	v28 =	vld [tilespmem:s18+$0x67C0]  }
0x193: {  	v33 =	vld [tilespmem:s18+$0x67D0]  }
0x194: {  	v35 =	vld [tilespmem:s18+$0x67E0]  }
0x195: {  	v36 =	vld [tilespmem:s18+$0x67F0]  }
0x196: {  	v40 =	vld [tilespmem:s18+$0x6800]  }
0x197: {  	v47 =	vld [tilespmem:s18+$0x6830]  }
0x198: {  	v42 =	vld [tilespmem:s18+$0x6860]  }
0x199: {  	v43 =	vld [tilespmem:s18+$0x6870]  }
0x19a: {  	[tilespmem:$0x1FCE0] =	vst v53;
	v53 =	vld [tilespmem:s18+$0x6640]  }
0x19b: {  	[tilespmem:$0x1FCF0] =	vst v50;
	v50 =	vld [tilespmem:s18+$0x6710]  }
0x19c: {  	[tilespmem:$0x1FD10] =	vst v54;
	v54 =	vld [tilespmem:s18+$0x6720]  }
0x19d: {  	[tilespmem:$0x1FCB0] =	vst v48;
	v48 =	vld [tilespmem:s18+$0x6740]  }
0x19e: {  	[tilespmem:$0x1FD00] =	vst v55;
	v55 =	vld [tilespmem:s18+$0x6750]  }
0x19f: {  	[tilespmem:$0x1FE50] =	vst v35;
	v35 =	vld [tilespmem:s18+$0x6810]  }
0x1a0: {  	[tilespmem:$0x1FED0] =	vst v40;
	v40 =	vld [tilespmem:s18+$0x6820]  }
0x1a1: {  	[tilespmem:$0x1FD20] =	vst v57;
	v57 =	vld [tilespmem:s18+$0x6840]  }
0x1a2: {  	[tilespmem:$0x1FD50] =	vst v62;
	v62 =	vld [tilespmem:s18+$0x6850]  }
0x1a3: {  	[tilespmem:$0x1FCD0] =	vst v49;
	v49 =	vld [tilespmem:s18+$0x6880]  }
0x1a4: {  	[tilespmem:$0x1FCC0] =	vst v51;
	v51 =	vld [tilespmem:s18+$0x6890]  }
0x1a5: {  	[tilespmem:$0x1FD30] =	vst v58;
	v58 =	vld [tilespmem:s18+$0x68A0]  }
0x1a6: {  	[tilespmem:$0x1FD40] =	vst v59;
	v59 =	vld [tilespmem:s18+$0x68B0]  }
0x1a7: {  	[tilespmem:$0x1FD60] =	vst v15;
	v15 =	vld [tilespmem:s18+$0x68C0]  }
0x1a8: {  	[tilespmem:$0x1FD70] =	vst v19;
	v19 =	vld [tilespmem:s18+$0x68D0]  }
0x1a9: {  	[tilespmem:$0x1FDB0] =	vst v27;
	v27 =	vld [tilespmem:s18+$0x68F0]  }
0x1aa: {  	[tilespmem:$0x1FE10] =	vst v33;
	v33 =	vld [tilespmem:s18+$0x6900]  }
0x1ab: {  	[tilespmem:$0x1FD80] =	vst v42;
	v42 =	vld [tilespmem:s18+$0x6910]  }
0x1ac: {  	[tilespmem:$0x1FD90] =	vst v21;
	v21 =	vld [tilespmem:s18+$0x6940]  }
0x1ad: {  	[tilespmem:$0x1FDE0] =	vst v28;
	v28 =	vld [tilespmem:s18+$0x6950]  }
0x1ae: {  	[tilespmem:$0x1FE90] =	vst v36;
	v36 =	vld [tilespmem:s18+$0x6960]  }
0x1af: {  	[tilespmem:$0x1FDA0] =	vst v43;
	v43 =	vld [tilespmem:s18+$0x6970]  }
0x1b0: {  	[tilespmem:$0x1FCA0] =	vst v0;
	v0 =	vld [tilespmem:s18+$0x6A20];
	v1 =	vadd.f32 $0.0e+00, v24  }
0x1b1: {  	v24 =	vld [tilespmem:s18+$0x6AB0];
	v3 =	vadd.f32 $0.0e+00, v3;
	v2 =	vadd.f32 $0.0e+00, v2  }
0x1b2: {  	v1 =	vadd.f32 v9, v1;
	v9 =	vld [tilespmem:s18+$0x6AE0]  }
0x1b3: {  	v3 =	vadd.f32 v5, v3;
	v2 =	vadd.f32 v4, v2;
	v4 =	vld [tilespmem:s18+$0x6B80]  }
0x1b4: {  	v1 =	vadd.f32 v12, v1;
	v12 =	vld [tilespmem:s18+$0x6AF0]  }
0x1b5: {  	v3 =	vadd.f32 v7, v3;
	v7 =	vld [tilespmem:s18+$0x6C10]  }
0x1b6: {  	[tilespmem:$0x1FEF0] =	vst v19;
	v19 =	vld [tilespmem:s18+$0x68E0]  }
0x1b7: {  	[tilespmem:$0x1FDD0] =	vst v49;
	v49 =	vld [tilespmem:s18+$0x6920]  }
0x1b8: {  	[tilespmem:$0x1FE30] =	vst v58;
	v58 =	vld [tilespmem:s18+$0x6930]  }
0x1b9: {  	[tilespmem:$0x1FE00] =	vst v51;
	v51 =	vld [tilespmem:s18+$0x6980]  }
0x1ba: {  	[tilespmem:$0x1FE70] =	vst v59;
	v59 =	vld [tilespmem:s18+$0x6990]  }
0x1bb: {  	[tilespmem:$0x1FEB0] =	vst v15;
	v15 =	vld [tilespmem:s18+$0x69A0]  }
0x1bc: {  	[tilespmem:$0x1FDC0] =	vst v21;
	v21 =	vld [tilespmem:s18+$0x69C0]  }
0x1bd: {  	[tilespmem:$0x1FDF0] =	vst v28;
	v28 =	vld [tilespmem:s18+$0x69D0]  }
0x1be: {  	[tilespmem:$0x1FE20] =	vst v36;
	v36 =	vld [tilespmem:s18+$0x69E0]  }
0x1bf: {  	v2 =	vadd.f32 v6, v2;
	[tilespmem:$0x1FE60] =	vst v43;
	v43 =	vld [tilespmem:s18+$0x69F0]  }
0x1c0: {  	[tilespmem:$0x1FE40] =	vst v0;
	v0 =	vld [tilespmem:s18+$0x6A30];
	v3 =	vadd.f32 v10, v3  }
0x1c1: {  	v1 =	vadd.f32 v16, v1;
	v2 =	vadd.f32 v8, v2;
	v16 =	vld [tilespmem:s18+$0x6B60]  }
0x1c2: {  	v3 =	vadd.f32 v13, v3;
	v13 =	vld [tilespmem:s18+$0x6B50]  }
0x1c3: {  	v2 =	vadd.f32 v11, v2;
	v11 =	vld [tilespmem:$0x1FCA0]  }
0x1c4: {  	[tilespmem:$0x1FF90] =	vst v12;
	v12 =	vld [tilespmem:$0x1FCB0]  }
0x1c5: {  	[tilespmem:$0x1FF10] =	vst v15;
	v15 =	vld [tilespmem:s18+$0x69B0]  }
0x1c6: {  	[tilespmem:$0x1FEA0] =	vst v51;
	v51 =	vld [tilespmem:s18+$0x6A00]  }
0x1c7: {  	[tilespmem:$0x1FEE0] =	vst v59;
	v59 =	vld [tilespmem:s18+$0x6A10]  }
0x1c8: {  	[tilespmem:$0x1FE80] =	vst v0;
	v0 =	vld [tilespmem:s18+$0x6A40]  }
0x1c9: {  	v8 =	vadd.f32 v17, v3;
	v3 =	vld [tilespmem:s18+$0x6B70]  }
0x1ca: {  	v1 =	vadd.f32 v22, v1;
	v10 =	vadd.f32 v14, v2;
	v2 =	vld [tilespmem:s18+$0x6B90]  }
0x1cb: {  	v17 =	vld [tilespmem:$0x1FCC0]  }
0x1cc: {  	v1 =	vadd.f32 v30, v1;
	v30 =	vld [tilespmem:$0x1FD10]  }
0x1cd: {  	[tilespmem:$0x1FEC0] =	vst v0;
	v0 =	vld [tilespmem:s18+$0x6A50]  }
0x1ce: {  	v6 =	vadd.f32 v20, v10;
	v10 =	vld [tilespmem:s18+$0x6BC0]  }
0x1cf: {  	[tilespmem:$0x1FF80] =	vst v9;
	v9 =	vadd.f32 v25, v8;
	v8 =	vld [tilespmem:s18+$0x6BD0]  }
0x1d0: {  	v20 =	vld [tilespmem:$0x1FCD0]  }
0x1d1: {  	v25 =	vld [tilespmem:$0x1FCF0]  }
0x1d2: {  	v1 =	vadd.f32 v38, v1;
	[tilespmem:$0x1FF00] =	vst v0;
	v0 =	vld [tilespmem:s18+$0x6A60]  }
0x1d3: {  	v38 =	vld [tilespmem:$0x1FD30]  }
0x1d4: {  	v1 =	vadd.f32 v44, v1;
	v44 =	vld [tilespmem:s18+$0x6BE0]  }
0x1d5: {  	v6 =	vadd.f32 v26, v6;
	v26 =	vld [tilespmem:$0x1FD00]  }
0x1d6: {  	v13 =	vadd.f32 $0.0e+00, v13;
	v5 =	vadd.f32 v32, v9;
	v32 =	vld [tilespmem:$0x1FD20]  }
0x1d7: {  	[tilespmem:$0x1FF30] =	vst v0;
	v0 =	vld [tilespmem:s18+$0x6A70]  }
0x1d8: {  	v13 =	vadd.f32 v16, v13;
	v16 =	vld [tilespmem:s18+$0x6E10]  }
0x1d9: {  	v15 =	vadd.f32 $0.0e+00, v15;
	v1 =	vadd.f32 v56, v1;
	v56 =	vld [tilespmem:s18+$0x6BB0]  }
0x1da: {  	v5 =	vadd.f32 v39, v5;
	v39 =	vld [tilespmem:$0x1FD40]  }
0x1db: {  	v15 =	vadd.f32 v21, v15;
	v21 =	vld [tilespmem:s18+$0x6CB0]  }
0x1dc: {  	[tilespmem:$0x1FF50] =	vst v0;
	v0 =	vld [tilespmem:s18+$0x6A80]  }
0x1dd: {  	v3 =	vadd.f32 v3, v13;
	v13 =	vld [tilespmem:s18+$0x6E50]  }
0x1de: {  	v14 =	vadd.f32 v46, v5;
	v5 =	vld [tilespmem:s18+$0x6BF0]  }
0x1df: {  	v46 =	vld [tilespmem:$0x1FD90];
	v15 =	vadd.f32 v28, v15  }
0x1e0: {  	v1 =	vadd.f32 v60, v1;
	v60 =	vld [tilespmem:$0x1FE50]  }
0x1e1: {  	v15 =	vadd.f32 v36, v15;
	[tilespmem:$0x1FF20] =	vst v0;
	v0 =	vld [tilespmem:s18+$0x6A90]  }
0x1e2: {  	v28 =	vld [tilespmem:s18+$0x6CD0]  }
0x1e3: {  	v1 =	vadd.f32 v17, v1;
	v17 =	vld [tilespmem:s18+$0x6C20];
	v15 =	vadd.f32 v43, v15  }
0x1e4: {  	v3 =	vadd.f32 v4, v3;
	v22 =	vadd.f32 v53, v14;
	v53 =	vld [tilespmem:$0x1FDF0]  }
0x1e5: {  	v36 =	vld [tilespmem:s18+$0x6D30];
	v15 =	vadd.f32 v51, v15  }
0x1e6: {  	v3 =	vadd.f32 v2, v3;
	v2 =	vld [tilespmem:s18+$0x6E80];
	[tilespmem:$0x1FF40] =	vst v0;
	v0 =	vadd.f32 $0.0e+00, v29  }
0x1e7: {  	v15 =	vadd.f32 v59, v15;
	v59 =	vld [tilespmem:$0x1FE40]  }
0x1e8: {  	v0 =	vadd.f32 v18, v0;
	v18 =	vld [tilespmem:s18+$0x6AC0]  }
0x1e9: {  	v51 =	vld [tilespmem:$0x1FDE0]  }
0x1ea: {  	v0 =	vadd.f32 v23, v0;
	v23 =	vld [tilespmem:s18+$0x6B10]  }
0x1eb: {  	v29 =	vld [tilespmem:s18+$0x6AA0]  }
0x1ec: {  	v15 =	vadd.f32 v59, v15;
	v59 =	vld [tilespmem:$0x1FF40];
	v0 =	vadd.f32 v31, v0  }
0x1ed: {  	[tilespmem:$0x1FF60] =	vst v18;
	v18 =	vld [tilespmem:s18+$0x6AD0]  }
0x1ee: {  	v0 =	vadd.f32 v37, v0;
	v37 =	vld [tilespmem:s18+$0x6B30]  }
0x1ef: {  	[tilespmem:$0x1FFB0] =	vst v23;
	v23 =	vld [tilespmem:$0x1FCE0]  }
0x1f0: {  	v31 =	vld [tilespmem:s18+$0x6B20]  }
0x1f1: {  	v0 =	vadd.f32 v45, v0;
	v45 =	vld [tilespmem:s18+$0x6B40]  }
0x1f2: {  	[tilespmem:$0x1FF70] =	vst v18;
	v18 =	vld [tilespmem:s18+$0x6B00]  }
0x1f3: {  	v0 =	vadd.f32 v52, v0;
	[tilespmem:$0x1FFD0] =	vst v37;
	v37 =	vadd.f32 $0.0e+00, v19;
	v19 =	vld [tilespmem:s18+$0x6C60]  }
0x1f4: {  	v1 =	vadd.f32 v23, v1;
	v23 =	vld [tilespmem:s18+$0x6C70]  }
0x1f5: {  	v0 =	vadd.f32 v61, v0;
	v61 =	vld [tilespmem:$0x1FE60]  }
0x1f6: {  	v14 =	vadd.f32 v27, v37;
	v27 =	vld [tilespmem:s18+$0x6CA0]  }
0x1f7: {  	[tilespmem:$0x1FFE0] =	vst v45;
	v45 =	vld [tilespmem:$0x1FD80]  }
0x1f8: {  	v37 =	vld [tilespmem:s18+$0x6D40]  }
0x1f9: {  	v0 =	vadd.f32 v63, v0;
	v63 =	vld [tilespmem:s18+$0x6BA0]  }
0x1fa: {  	[tilespmem:$0x1FFA0] =	vst v18;
	v18 =	vadd.f32 v34, v6;
	v6 =	vld [tilespmem:s18+$0x6C00]  }
0x1fb: {  	v14 =	vadd.f32 v33, v14;
	v33 =	vld [tilespmem:s18+$0x6D00]  }
0x1fc: {  	v34 =	vadd.f32 $0.0e+00, v48;
	v48 =	vld [tilespmem:$0x1FDB0]  }
0x1fd: {  	v9 =	vadd.f32 v41, v18;
	v18 =	vld [tilespmem:s18+$0x6C30]  }
0x1fe: {  	v0 =	vadd.f32 v11, v0;
	v41 =	vld [tilespmem:$0x1FD60]  }
0x1ff: {  	v35 =	vadd.f32 $0.0e+00, v35;
	v14 =	vadd.f32 v42, v14;
	v42 =	vld [tilespmem:$0x1FD70]  }
0x200: {  	v0 =	vadd.f32 v12, v0;
	v12 =	vadd.f32 v30, v1;
	v30 =	vld [tilespmem:s18+$0x6CC0]  }
0x201: {  	[tilespmem:$0x1FFC0] =	vst v31;
	v31 =	vadd.f32 v50, v9;
	v9 =	vadd.f32 v40, v35;
	v40 =	vld [tilespmem:$0x1FD50]  }
0x202: {  	v14 =	vadd.f32 v49, v14;
	v49 =	vld [tilespmem:$0x1FDC0]  }
0x203: {  	v35 =	vld [tilespmem:s18+$0x6D20]  }
0x204: {  	v50 =	vld [tilespmem:$0x1FDD0]  }
0x205: {  	v3 =	vadd.f32 v63, v3;
	v63 =	vld [tilespmem:s18+$0x6F60]  }
0x206: {  	v0 =	vadd.f32 v20, v0;
	v20 =	vld [tilespmem:s18+$0x6C40]  }
0x207: {  	v1 =	vadd.f32 v54, v31;
	v31 =	vld [tilespmem:s18+$0x6CE0]  }
0x208: {  	v9 =	vadd.f32 v47, v9;
	v47 =	vld [tilespmem:$0x1FDA0]  }
0x209: {  	v54 =	vld [tilespmem:$0x1FE00]  }
0x20a: {  	v14 =	vadd.f32 v58, v14;
	v58 =	vld [tilespmem:$0x1FE30]  }
0x20b: {  	v3 =	vadd.f32 v56, v3;
	v56 =	vld [tilespmem:$0x1FFA0]  }
0x20c: {  	v52 =	vadd.f32 v25, v0;
	v0 =	vadd.f32 v26, v22;
	v22 =	vld [tilespmem:s18+$0x6C50]  }
0x20d: {  	v17 =	vadd.f32 $0.0e+00, v17;
	v25 =	vld [tilespmem:s18+$0x6C80]  }
0x20e: {  	v26 =	vld [tilespmem:s18+$0x6C90]  }
0x20f: {  	v17 =	vadd.f32 v18, v17;
	v18 =	vld [tilespmem:s18+$0x6E20]  }
0x210: {  	v1 =	vadd.f32 v38, v1;
	v38 =	vld [tilespmem:s18+$0x6D50]  }
0x211: {  	v9 =	vadd.f32 v57, v9;
	v57 =	vld [tilespmem:$0x1FE20]  }
0x212: {  	v11 =	vadd.f32 v32, v0;
	v32 =	vld [tilespmem:s18+$0x6CF0]  }
0x213: {  	v0 =	vadd.f32 v55, v34;
	v34 =	vld [tilespmem:s18+$0x6D10]  }
0x214: {  	v55 =	vld [tilespmem:$0x1FE10]  }
0x215: {  	v14 =	vadd.f32 v49, v14;
	v49 =	vld [tilespmem:$0x1FEC0]  }
0x216: {  	v9 =	vadd.f32 v62, v9;
	v62 =	vld [tilespmem:$0x1FE70]  }
0x217: {  	v17 =	vadd.f32 v20, v17;
	v20 =	vld [tilespmem:s18+$0x6E40]  }
0x218: {  	v3 =	vadd.f32 v10, v3;
	v0 =	vadd.f32 v39, v0;
	v39 =	vld [tilespmem:s18+$0x6D60]  }
0x219: {  	v14 =	vadd.f32 v53, v14;
	v53 =	vld [tilespmem:$0x1FEF0]  }
0x21a: {  	v3 =	vadd.f32 v8, v3;
	v9 =	vadd.f32 v45, v9;
	v45 =	vld [tilespmem:$0x1FE80]  }
0x21b: {  	v17 =	vadd.f32 v22, v17;
	v22 =	vld [tilespmem:s18+$0x6E60]  }
0x21c: {  	v3 =	vadd.f32 v44, v3;
	v44 =	vld [tilespmem:s18+$0x7040]  }
0x21d: {  	v0 =	vadd.f32 v40, v0;
	v40 =	vld [tilespmem:s18+$0x6D70]  }
0x21e: {  	v14 =	vadd.f32 v57, v14;
	v57 =	vld [tilespmem:$0x1FF20]  }
0x21f: {  	v9 =	vadd.f32 v47, v9;
	v47 =	vld [tilespmem:$0x1FEA0]  }
0x220: {  	v17 =	vadd.f32 v19, v17;
	v19 =	vld [tilespmem:s18+$0x6E90]  }
0x221: {  	v3 =	vadd.f32 v5, v3;
	v5 =	vld [tilespmem:s18+$0x6F30]  }
0x222: {  	v0 =	vadd.f32 v41, v0;
	v41 =	vld [tilespmem:s18+$0x6D80]  }
0x223: {  	v14 =	vadd.f32 v61, v14;
	v61 =	vadd.f32 $0.0e+00, v32;
	v32 =	vld [tilespmem:s18+$0x6E30]  }
0x224: {  	v9 =	vadd.f32 v50, v9;
	v50 =	vld [tilespmem:$0x1FED0]  }
0x225: {  	v17 =	vadd.f32 v23, v17;
	v23 =	vld [tilespmem:s18+$0x6EA0]  }
0x226: {  	v3 =	vadd.f32 v6, v3;
	v6 =	vadd.f32 $0.0e+00, v63;
	v63 =	vld [tilespmem:s18+$0x7000]  }
0x227: {  	v0 =	vadd.f32 v42, v0;
	v42 =	vld [tilespmem:s18+$0x6D90]  }
0x228: {  	v15 =	vadd.f32 v45, v15;
	v45 =	vld [tilespmem:s18+$0x6DA0]  }
0x229: {  	v9 =	vadd.f32 v54, v9;
	v54 =	vld [tilespmem:$0x1FF00]  }
0x22a: {  	v17 =	vadd.f32 v25, v17;
	v25 =	vld [tilespmem:s18+$0x70D0]  }
0x22b: {  	v0 =	vadd.f32 v46, v0;
	v46 =	vld [tilespmem:$0x1FE90]  }
0x22c: {  	v43 =	vadd.f32 v47, v14;
	v47 =	vld [tilespmem:s18+$0x6DC0]  }
0x22d: {  	v15 =	vadd.f32 v49, v15;
	v49 =	vld [tilespmem:s18+$0x6DE0]  }
0x22e: {  	v9 =	vadd.f32 v58, v9;
	v58 =	vld [tilespmem:$0x1FF30]  }
0x22f: {  	v0 =	vadd.f32 v48, v0;
	v48 =	vld [tilespmem:$0x1FEB0]  }
0x230: {  	v9 =	vadd.f32 v62, v9;
	v62 =	vadd.f32 v33, v61;
	v33 =	vld [tilespmem:$0x1FF60]  }
0x231: {  	v17 =	vadd.f32 v26, v17;
	v61 =	vld [tilespmem:$0x1FFC0]  }
0x232: {  	v0 =	vadd.f32 v51, v0;
	v51 =	vld [tilespmem:$0x1FEE0]  }
0x233: {  	v17 =	vadd.f32 v27, v17;
	v15 =	vadd.f32 v54, v15;
	v54 =	vld [tilespmem:s18+$0x6EC0]  }
0x234: {  	v4 =	vadd.f32 v34, v62;
	v34 =	vld [tilespmem:$0x1FF70]  }
0x235: {  	v17 =	vadd.f32 v21, v17;
	v21 =	vld [tilespmem:s18+$0x6F20];
	v0 =	vadd.f32 v55, v0  }
0x236: {  	v62 =	vld [tilespmem:$0x1FFD0]  }
0x237: {  	v55 =	vld [tilespmem:$0x1FF10];
	v4 =	vadd.f32 v35, v4;
	v0 =	vadd.f32 v60, v0  }
0x238: {  	v15 =	vadd.f32 v58, v15;
	v58 =	vld [tilespmem:s18+$0x6EF0];
	v9 =	vadd.f32 v48, v9  }
0x239: {  	v48 =	vld [tilespmem:s18+$0x6DD0];
	v4 =	vadd.f32 v36, v4;
	v0 =	vadd.f32 v46, v0  }
0x23a: {  	v17 =	vadd.f32 v30, v17;
	v30 =	vld [tilespmem:s18+$0x6F40];
	v43 =	vadd.f32 v51, v43  }
0x23b: {  	v60 =	vld [tilespmem:$0x1FF50];
	v4 =	vadd.f32 v37, v4;
	v14 =	vadd.f32 v50, v0  }
0x23c: {  	v51 =	vld [tilespmem:s18+$0x6E00];
	v0 =	vadd.f32 v53, v9;
	v9 =	vadd.f32 v55, v43  }
0x23d: {  	v46 =	vld [tilespmem:s18+$0x6DB0];
	v43 =	vadd.f32 $0.0e+00, v57;
	v4 =	vadd.f32 v38, v4  }
0x23e: {  	v50 =	vld [tilespmem:s18+$0x6DF0]  }
0x23f: {  	v53 =	vld [tilespmem:$0x1FF90];
	v43 =	vadd.f32 v59, v43;
	v4 =	vadd.f32 v39, v4  }
0x240: {  	v3 =	vadd.f32 v7, v3;
	v19 =	vadd.f32 $0.0e+00, v19;
	v55 =	vld [tilespmem:s18+$0x6ED0]  }
0x241: {  	v57 =	vld [tilespmem:s18+$0x6EE0];
	v29 =	vadd.f32 v29, v43;
	v4 =	vadd.f32 v40, v4  }
0x242: {  	v19 =	vadd.f32 v23, v19;
	v15 =	vadd.f32 v60, v15;
	v60 =	vld [tilespmem:s18+$0x6F00]  }
0x243: {  	v40 =	vld [tilespmem:s18+$0x6F70];
	v24 =	vadd.f32 v24, v29;
	v4 =	vadd.f32 v41, v4  }
0x244: {  	v17 =	vadd.f32 v28, v17;
	v43 =	vld [tilespmem:$0x1FF80];
	v41 =	vadd.f32 $0.0e+00, v47  }
0x245: {  	v24 =	vadd.f32 v33, v24;
	v33 =	vld [tilespmem:s18+$0x6EB0];
	v4 =	vadd.f32 v42, v4  }
0x246: {  	v17 =	vadd.f32 v31, v17;
	v42 =	vld [tilespmem:s18+$0x7030];
	v31 =	vadd.f32 v48, v41  }
0x247: {  	v59 =	vld [tilespmem:$0x1FFB0];
	v24 =	vadd.f32 v34, v24;
	v4 =	vadd.f32 v45, v4  }
0x248: {  	v39 =	vld [tilespmem:$0x1FFE0];
	v6 =	vadd.f32 v40, v6;
	v31 =	vadd.f32 v49, v31  }
0x249: {  	v24 =	vadd.f32 v43, v24;
	v43 =	vld [tilespmem:s18+$0x6F80];
	v4 =	vadd.f32 v46, v4  }
0x24a: {  	v45 =	vld [tilespmem:s18+$0x6F90];
	v19 =	vadd.f32 v33, v19;
	v31 =	vadd.f32 v50, v31  }
0x24b: {  	v46 =	vld [tilespmem:s18+$0x7050];
	v24 =	vadd.f32 v53, v24;
	v35 =	vadd.f32 $0.0e+00, v42  }
0x24c: {  	v47 =	vld [tilespmem:s18+$0x6FA0];
	v19 =	vadd.f32 v54, v19;
	v31 =	vadd.f32 v51, v31  }
0x24d: {  	v48 =	vld [tilespmem:s18+$0x7060];
	v24 =	vadd.f32 v56, v24;
	v49 =	vadd.f32 v44, v35  }
0x24e: {  	v34 =	vld [tilespmem:s18+$0x6F10];
	v6 =	vadd.f32 v43, v6;
	v10 =	vadd.f32 v55, v19  }
0x24f: {  	v50 =	vld [tilespmem:s18+$0x6FB0];
	v16 =	vadd.f32 v16, v31;
	v24 =	vadd.f32 v59, v24  }
0x250: {  	v51 =	vld [tilespmem:s18+$0x7070];
	v7 =	vadd.f32 v46, v49;
	v6 =	vadd.f32 v45, v6  }
0x251: {  	v53 =	vld [tilespmem:s18+$0x6FC0];
	v10 =	vadd.f32 v57, v10;
	v16 =	vadd.f32 v18, v16  }
0x252: {  	v54 =	vld [tilespmem:s18+$0x7080];
	v24 =	vadd.f32 v61, v24;
	v6 =	vadd.f32 v47, v6  }
0x253: {  	v55 =	vld [tilespmem:s18+$0x6FD0];
	v7 =	vadd.f32 v48, v7;
	v8 =	vadd.f32 v58, v10  }
0x254: {  	v56 =	vld [tilespmem:s18+$0x7090];
	v16 =	vadd.f32 v32, v16;
	v6 =	vadd.f32 v50, v6  }
0x255: {  	v57 =	vld [tilespmem:s18+$0x6FE0];
	v24 =	vadd.f32 v62, v24;
	v7 =	vadd.f32 v51, v7  }
0x256: {  	(xrf2) =	vadd.scan.msk.f32 $0xffff, v52;
	v58 =	vld [tilespmem:s18+$0x70A0];
	v8 =	vadd.f32 v60, v8;
	v6 =	vadd.f32 v53, v6  }
0x257: {  	(xrf2) =	vadd.scan.msk.f32 $0xffff, v12;
	v59 =	vld [tilespmem:s18+$0x6FF0];
	v60 =	vadd.f32 v20, v16;
	v7 =	vadd.f32 v54, v7  }
0x258: {  	(xrf2) =	vadd.scan.msk.f32 $0xffff, v11;
	v61 =	vld [tilespmem:s18+$0x70B0];
	v24 =	vadd.f32 v39, v24;
	v6 =	vadd.f32 v55, v6  }
0x259: {  	(xrf2) =	vadd.scan.msk.f32 $0xffff, v1;
	v29 =	vld [tilespmem:s18+$0x6E70];
	v62 =	vadd.f32 v34, v8;
	v7 =	vadd.f32 v56, v7  }
0x25a: {  	(xrf2) =	vadd.scan.msk.f32 $0xffff, v14;
	v14 =	vld [tilespmem:s18+$0x70C0];
	v11 =	vadd.f32 v13, v60;
	v6 =	vadd.f32 v57, v6  }
0x25b: {  	(xrf2) =	vadd.scan.msk.f32 $0xffff, v0;
	v18 =	vadd.f32 v21, v62;
	v21 =	vld [tilespmem:s18+$0x7010];
	v20 =	vadd.f32 v58, v7  }
0x25c: {  	v28 =	vld [tilespmem:s18+$0x6F50];
	(xrf2) =	vadd.scan.msk.f32 $0xffff, v9;
	v23 =	vadd.f32 v22, v11;
	v6 =	vadd.f32 v59, v6  }
0x25d: {  	v26 =	vld [tilespmem:s18+$0x7020];
	(xrf2) =	vadd.scan.msk.f32 $0xffff, v15;
	v0 =	vadd.f32 v5, v18;
	v1 =	vadd.f32 v61, v20  }
0x25e: {  	v27 =	vld [tilespmem:s18+$0x70E0];
	(xrf2) =	vadd.scan.msk.f32 $0xffff, v24;
	v9 =	vadd.f32 v29, v23;
	v6 =	vadd.f32 v63, v6  }
0x25f: {  	(xrf2) =	vadd.scan.msk.f32 $0xffff, v3;
	v0 =	vadd.f32 v30, v0;
	v1 =	vadd.f32 v14, v1  }
0x260: {  	v29, _, _ =	vpop (xrf2);
	(xrf2) =	vadd.scan.msk.f32 $0xffff, v17;
	v2 =	vadd.f32 v2, v9;
	v30 =	vld [tilespmem:s18+$0x70F0];
	v6 =	vadd.f32 v21, v6  }
0x261: {  	s31 =	sshll.u32 s17, $0x4;
	v31, _, _ =	vpop (xrf2);
	(xrf2) =	vadd.scan.msk.f32 $0xffff, v4;
	v0 =	vadd.f32 v28, v0;
	v1 =	vadd.f32 v25, v1  }
0x262: {  	v35 =	vld [tilespmem:s31+$0xCC00];
	v3 =	vbroadcast v29, $0xF;
	v32 =	vbroadcast v31, $0xF;
	v33, _, _ =	vpop (xrf2);
	(xrf2) =	vadd.scan.msk.f32 $0xffff, v2;
	v34 =	vadd.f32 v26, v6  }
0x263: {  	v36, _, _ =	vpop (xrf2);
	v38 =	vbroadcast v33, $0xF;
	(xrf2) =	vadd.scan.msk.f32 $0xffff, v0;
	v37 =	vadd.f32 v27, v1  }
0x264: {  	v3 =	vsel vm0, v3, v32;
	v39 =	vbroadcast v36, $0xF;
	v40, _, _ =	vpop (xrf2);
	(xrf2) =	vadd.scan.msk.f32 $0xffff, v34  }
0x265: {  	v41, _, _ =	vpop (xrf2);
	v42 =	vbroadcast v40, $0xF;
	v1 =	vsel vm1, v3, v38;
	v0 =	vadd.f32 v30, v37  }
0x266: {  	v43, _, _ =	vpop (xrf2);
	v2 =	vbroadcast v41, $0xF;
	v1 =	vsel vm2, v1, v39  }
0x267: {  	v46 =	vcvt.s32.f32 v35;
	v44 =	vbroadcast v43, $0xF;
	v45, _, _ =	vpop (xrf2);
	v1 =	vsel vm3, v1, v42;
	(xrf2) =	vadd.scan.msk.f32 $0xffff, v0  }
0x268: {  	v47, _, _ =	vpop (xrf2);
	v48 =	vbroadcast v45, $0xF;
	v1 =	vsel vm4, v1, v2  }
0x269: {  	(erf) = vrcp.f32 v46;
	v49, _, _ =	vpop (xrf2);
	v50 =	vbroadcast v47, $0xF;
	v1 =	vsel vm5, v1, v44  }
0x26a: {  	v51, _, _ =	vpop (xrf2);
	v52 =	vbroadcast v49, $0xF;
	v1 =	vsel vm6, v1, v48  }
0x26b: {  	v53, _, _ =	vpop (xrf2);
	v0 =	vbroadcast v51, $0xF;
	v1 =	vsel vm7, v1, v50  }
0x26c: {  	v55 =	vbroadcast v53, $0xF;
	v54, _, _ =	vpop (xrf2);
	v1 =	vsel vm8, v1, v52  }
0x26d: {  	v0 =	vsel vm9, v1, v0;
	v57 =	vbroadcast v54, $0xF;
	v56, _, _ =	vpop (xrf2)  }
0x26e: {  	v0 =	vsel vm10, v0, v55;
	v59 =	vbroadcast v56, $0xF;
	v58, _, _ =	vpop (xrf2)  }
0x26f: {  	v0 =	vsel vm11, v0, v57;
	v60 =	vbroadcast v58, $0xF  }
0x270: {  	v63 =	vld [tilespmem:$0x1FFF0];
	v0 =	vsel vm12, v0, v59  }
0x271: {  	v61, _, _ =	vpop (xrf2);
	v0 =	vsel vm13, v0, v60  }
0x272: {  	v62 =	vpop (erf);
	v0 =	vsel vm14, v0, v61  }
0x273: {  	v0 =	vmul.f32 v0, v62;
	_ =	sdelay $0x1  }
0x274: {  	v0 =	vadd.f32 v0, v63;
	_ =	sdelay $0x1  }
0x275: {  	v0 =	vsub.f32 $0.0e+00, v0;
	_ =	sdelay $0x1  }
0x276: {  	v0 =	vmul.f32 $1.442695020e+00, v0;
	_ =	sdelay $0x1  }
0x277: {  	(erf) = vpow2.f32 v0;
	_ =	sdelay $0x8  }
0x278: {  	v0 =	vpop (erf)  }
0x279: {  	v0 =	vadd.f32 $1.000000000e+00, v0;
	_ =	sdelay $0x1  }
0x27a: {  	(erf) = vrcp.f32 v0;
	_ =	sdelay $0x4  }
0x27b: {  	p0 =	sne.s32 s17, $0x7  }
.Ltmp1:
0x27c: {  	_ = 	snop;
	(pc) =	sbr.rel @p0 .LBB2_4-.Ltmp1, $3  }
0x27d: {  	_ =	sdelay $0x1  }
0x27e: {  	v0 =	vpop (erf)  }
0x27f: {  	s17 =	sadd.s32 $0x1, s17;
	[tilespmem:s31+$0xCC90] =	vst v0  }
0x280: {  	s16 =	sadd.s32 $0x1, s16  }
0x281: {  	p0 =	sne.s32 s16, s8  }
.Ltmp2:
0x282: {  	_ = 	snop;
	(pc) =	sbr.rel @p0 .LBB2_1-.Ltmp2, $4  }
0x283: {  	[hbm4b:s7+s3] =	stream.linear.scatter [tilespmem:s15], [sflag:$0x2], $0x80, $0x38;
	[tilespmem:$0xCD10] =	vst v63  }
0x284: {  	_ =	swait.ge [sflag:s9], $0x80  }
0x285: {  	[sflag:s9] =	ssyncset.done $0x0  }
0x286: {  	[sflag:s9] =	ssyncadd.s32 $0xFFFFFF80  }
0x287: {  	_ =	sfence.sel $0x180000  }
0x288: {  	[bflag:$0x0] =	sbarrier.arrive $0xFFFF  }
0x289: {  	p0 =	sne.s32 s0, $0x0;
	_ =	strace $0x90000047  }
0x28a: {  	s0 =	sadd.s32 @!p0 $0x100000, s1;
	[bflag:$0x2] =	sbarrier.arrive $0xFFFF  }
0x28b: {  	[sflag:s0] =	ssyncadd.tile.s32 @!p0 $0x1;
	_ =	shalt  }
.Lfunc_end2:
_tile_overlayer_lowered:
.L_overlay_start_2:
0x28c: {  	(tag) =	ssettag $0x2  }
0x28d: {  	s0 =	rddreg [dreg:$0x0];
	s2 =	stileid.u32  }
0x28e: {  	s1 =	rddreg [dreg:$0x1];
	p0 =	sne.s32 s2, $0x0  }
0x28f: {  	s3 =	rddreg [dreg:$0x2];
	[bflag:$0x3] =	sbarrier.arrive $0xFFFF;
	s2 =	simm.s32 @!p0 $0x1C02  }
0x290: {  	[timem:s3], [sflag:s2] =	dma.local @!p0 [hbm:s0], s1  }
0x291: {  	s0 =	simm.s32 @!p0 $0x2  }
0x292: {  	_ =	swait.ge @!p0 [sflag:s0], s1  }
0x293: {  	s1 =	ssub.s32 @!p0 $0x0, s1;
	[sflag:s0] =	ssyncset.done @!p0 $0x0  }
0x294: {  	[sflag:s0] =	ssyncadd.s32 @!p0 s1  }
0x295: {  	[bflag:$0x3] =	sbarrier.arrive $0xFFFF  }
0x296: {  	_ =	shalt  }

</sc_bundles>
